<compile_context>
chip_gen: v7x
topology: tpu7x:2x2x1
jax: 0.10.2.dev20260603
libtpu: 0.0.44.dev20260713+nightly
codegen_flags: <defaults>
</compile_context>

<pallas_src>
import jax
import jax.numpy as jnp
from jax import lax
from jax.experimental import pallas as pl
from jax.experimental.pallas import tpu as pltpu
from jax.experimental.pallas import tpu_sc as plsc

B, L, V, D, TREE = 16, 2048, 50000, 512, 4
NC, NS, LANES = 2, 16, 16
NW = NC * NS
LW = L // NW
ROWS_W = LW * B
G_TS = 4
G_ROWS = G_TS * B
N_G = LW // G_TS
NBUF = 2
CHUNKS = D // LANES


def _body(tokens_hbm, trees_hbm, lengths_hbm, table_hbm, w_hbm, out_hbm,
          len_v, key_buf, tok_v, trees_v, wv, idx_buf, m_buf, coef_buf,
          buf_0, buf_1, sem_0, sem_1):
    c = lax.axis_index("c")
    s = lax.axis_index("s")
    wid = s * NC + c
    l0 = wid * LW

    staged = [pltpu.make_async_copy(lengths_hbm, len_v, sem_0),
              pltpu.make_async_copy(w_hbm, wv, sem_0)]
    for b in range(B):
        staged.append(pltpu.make_async_copy(
            tokens_hbm.at[pl.ds(b * L + l0, LW)], tok_v.at[b], sem_0))
        staged.append(pltpu.make_async_copy(
            trees_hbm.at[pl.ds((b * L + l0) * TREE, LW * TREE)],
            trees_v.at[b], sem_0))
    for cp in staged:
        cp.start()
    for cp in staged:
        cp.wait()

    lens = len_v[...]
    iota = lax.iota(jnp.int32, LANES)
    keys = iota - lens * LANES
    _, order = plsc.sort_key_val(keys, iota)
    lens_s = plsc.load_gather(len_v, [order])

    zero = jnp.full((LANES,), 0, jnp.int32)
    for g in range(N_G):
        for cc in range(G_ROWS // LANES):
            idx_buf[g, pl.ds(cc * LANES, LANES)] = zero

    def prep(t, carry):
        l_glob = l0 + t
        g = t // G_TS
        col = (t % G_TS) * B
        tcol = jnp.full((LANES,), t, jnp.int32)
        tok = plsc.load_gather(tok_v, [order, tcol])
        valid = jnp.full((LANES,), l_glob, jnp.int32) < lens_s
        spread = jnp.full((LANES,), wid * ROWS_W + t * B, jnp.int32) + iota
        idx_buf[g, pl.ds(col, B)] = jnp.clip(jnp.where(valid, tok, spread),
                                             0, V - 1)
        m_buf[pl.ds(t * B, B)] = jnp.where(valid,
                                           jnp.full((LANES,), 1.0, jnp.float32),
                                           jnp.full((LANES,), 0.0, jnp.float32))
        for k in range(TREE):
            ck = plsc.load_gather(
                trees_v, [order, jnp.full((LANES,), t * TREE + k, jnp.int32)])
            coef_buf[k, pl.ds(t * B, B)] = ck
        return carry

    lax.fori_loop(0, LW, prep, 0)

    bufs = (buf_0, buf_1)
    sems = (sem_0, sem_1)

    def dma(g, q):
        return pltpu.make_async_copy(table_hbm.at[idx_buf.at[g]],
                                     bufs[q], sems[q])

    def compute(q, g):
        buf = bufs[q]
        rbase = g * G_ROWS

        def row(j, rcarry, buf=buf):
            jj = rbase + j
            jv = jnp.full((LANES,), jj, jnp.int32)
            mv = plsc.load_gather(m_buf, [jv])
            cvs = [plsc.load_gather(
                       coef_buf, [jnp.full((LANES,), k, jnp.int32), jv])
                   for k in range(TREE)]

            def chunk(u, ccarry, buf=buf):
                sl = pl.ds(u * LANES, LANES)
                acc = buf[j, sl]
                for k in range(TREE):
                    acc = acc + cvs[k] * wv[k, sl]
                buf[j, sl] = acc * mv
                return ccarry

            lax.fori_loop(0, CHUNKS, chunk, 0)
            return rcarry

        lax.fori_loop(0, G_ROWS, row, 0)
        pltpu.sync_copy(buf,
                        out_hbm.at[pl.ds(wid * ROWS_W + rbase, G_ROWS)])

    for q in range(NBUF - 1):
        dma(q, q).start()

    def ring(i, carry):
        gbase = NBUF * i
        for q in range(NBUF):
            g = gbase + q
            dma(g, q).wait()

            @pl.when(g + NBUF - 1 < N_G)
            def _start_next(g=g, q=q):
                dma(g + NBUF - 1, (q + NBUF - 1) % NBUF).start()

            compute(q, g)
        return carry

    lax.fori_loop(0, N_G // NBUF, ring, 0)


def kernel(tokens, trees, lengths, emb_table, W_tree):
    mesh = plsc.VectorSubcoreMesh(core_axis_name="c", subcore_axis_name="s")
    run = pl.kernel(
        _body,
        mesh=mesh,
        compiler_params=pltpu.CompilerParams(needs_layout_passes=False,
                                             use_tc_tiling_on_sc=True),
        out_type=jax.ShapeDtypeStruct((L * B, D), jnp.float32),
        scratch_types=[
            pltpu.VMEM((LANES,), jnp.int32),
            pltpu.VMEM((LANES,), jnp.int32),
            pltpu.VMEM((B, LW), jnp.int32),
            pltpu.VMEM((B, LW * TREE), jnp.float32),
            pltpu.VMEM((TREE, D), jnp.float32),
            pltpu.VMEM((N_G, G_ROWS), jnp.int32),
            pltpu.VMEM((ROWS_W,), jnp.float32),
            pltpu.VMEM((TREE, ROWS_W), jnp.float32),
            pltpu.VMEM((G_ROWS, D), jnp.float32),
            pltpu.VMEM((G_ROWS, D), jnp.float32),
            pltpu.SemaphoreType.DMA,
            pltpu.SemaphoreType.DMA,
        ],
    )
    flat = run(tokens.astype(jnp.int32).reshape(B * L),
               trees.reshape(B * L * TREE), lengths.astype(jnp.int32),
               emb_table, W_tree)
    return flat.reshape(L, B, D)

# --- scband reference (transcript-rebuilt; emitter-appended) ---
"""Pipeline reference for scband-lm-base-model-23270132809905 (READ-ONLY COPY).

The authoritative reference and input builder live on the scoring server;
editing this copy changes nothing except your own understanding.
"""

import jax, jax.numpy as jnp
import numpy as np

B, L, V, D, TREE = 16, 2048, 50000, 512, 4

def setup_inputs(seed: int = 0) -> dict:
    key = jax.random.key(seed)
    k1, k2, k3, k4, k5 = jax.random.split(key, 5)
    tokens = jax.random.randint(k1, (B, L), 0, V)
    trees = jax.random.normal(k2, (B, L, TREE), dtype=jnp.float32)
    lengths = jax.random.randint(k3, (B,), 1, L + 1)
    emb_table = jax.random.normal(k4, (V, D), dtype=jnp.float32) * 0.02
    W_tree = jax.random.normal(k5, (TREE, D), dtype=jnp.float32) * 0.02
    return {"tokens": tokens, "trees": trees, "lengths": lengths,
            "emb_table": emb_table, "W_tree": W_tree}

def reference(tokens, trees, lengths, emb_table, W_tree):
    # pad_list: sort sequences by length descending, zero out padding,
    # transpose to time-major [L, B]; then Emb: token embedding lookup +
    # tree-position features projected into the embedding space.
    b, l = tokens.shape
    order = jnp.argsort(-lengths)          # perm_idx (descending lengths)
    lengths_s = lengths[order]
    tokens_s = tokens[order]
    trees_s = trees[order]
    mask = jnp.arange(l)[None, :] < lengths_s[:, None]   # [B, L] valid mask
    tokens_s = jnp.where(mask, tokens_s, 0)               # zeros in padding
    trees_s = trees_s * mask[..., None].astype(trees_s.dtype)
    tokens_t = tokens_s.T                                  # [L, B] time-major
    trees_t = jnp.transpose(trees_s, (1, 0, 2))            # [L, B, 4]
    feats = jnp.take(emb_table, tokens_t, axis=0) + trees_t @ W_tree  # [L, B, D]
    # pack_padded_sequence keeps only valid timesteps; emulate by masking
    feats = feats * mask.T[..., None].astype(feats.dtype)
    return feats

if __name__ == "__main__":
    import jax
    _d = setup_inputs()
    print(jax.jit(kernel)(*tuple(_d.values())))

</pallas_src>

<mosaic_0001>
#map = affine_map<(d0, d1) -> (0)>
#map1 = affine_map<(d0, d1) -> (0, 0)>
module attributes {stable_mosaic.version = 14 : i64} {
  func.func @_body(%arg0: i32, %arg1: i32, %arg2: memref<32768xi32, #tpu.memory_space<hbm>>, %arg3: memref<131072xf32, #tpu.memory_space<hbm>>, %arg4: memref<16xi32, #tpu.memory_space<hbm>>, %arg5: memref<50000x512xf32, #tpu.memory_space<hbm>>, %arg6: memref<4x512xf32, #tpu.memory_space<hbm>>, %arg7: memref<32768x512xf32, #tpu.memory_space<hbm>>, %arg8: memref<16xi32, #tpu.memory_space<vmem>>, %arg9: memref<16xi32, #tpu.memory_space<vmem>>, %arg10: memref<16x64xi32, #tpu.memory_space<vmem>>, %arg11: memref<16x256xf32, #tpu.memory_space<vmem>>, %arg12: memref<4x512xf32, #tpu.memory_space<vmem>>, %arg13: memref<16x64xi32, #tpu.memory_space<vmem>>, %arg14: memref<1024xf32, #tpu.memory_space<vmem>>, %arg15: memref<4x1024xf32, #tpu.memory_space<vmem>>, %arg16: memref<64x512xf32, #tpu.memory_space<vmem>>, %arg17: memref<64x512xf32, #tpu.memory_space<vmem>>, %arg18: memref<!tpu.dma_semaphore, #tpu.memory_space<semaphore_mem>>, %arg19: memref<!tpu.dma_semaphore, #tpu.memory_space<semaphore_mem>>) attributes {dimension_semantics = [#tpu.dimension_semantics<core_parallel>, #tpu.dimension_semantics<subcore_parallel>], iteration_bounds = array<i64: 2, 16>, scalar_prefetch = 0 : i64, scratch_operands = 12 : i64, tpu.core_type = #tpu.core_type<sc_vector_subcore>, window_params = [{transform_indices = #map}, {transform_indices = #map}, {transform_indices = #map}, {transform_indices = #map1}, {transform_indices = #map1}, {transform_indices = #map1}]} {
    %mul3A = arith.constant 2 : i32
    %mul3A_0 = arith.muli %arg1, %mul3A : i32
    %add3A = arith.addi %mul3A_0, %arg0 : i32
    %mul3A_1 = arith.constant 64 : i32
    %mul3A_2 = arith.muli %add3A, %mul3A_1 : i32
    %add3A_3 = arith.constant 0 : i32
    %add3A_4 = arith.addi %add3A_3, %mul3A_2 : i32
    %add3A_5 = arith.constant 0 : i32
    %add3A_6 = arith.addi %add3A_5, %mul3A_2 : i32
    %mul3A_7 = arith.constant 4 : i32
    %mul3A_8 = arith.muli %add3A_6, %mul3A_7 : i32
    %add3A_9 = arith.constant 2048 : i32
    %add3A_10 = arith.addi %add3A_9, %mul3A_2 : i32
    %add3A_11 = arith.constant 2048 : i32
    %add3A_12 = arith.addi %add3A_11, %mul3A_2 : i32
    %mul3A_13 = arith.constant 4 : i32
    %mul3A_14 = arith.muli %add3A_12, %mul3A_13 : i32
    %add3A_15 = arith.constant 4096 : i32
    %add3A_16 = arith.addi %add3A_15, %mul3A_2 : i32
    %add3A_17 = arith.constant 4096 : i32
    %add3A_18 = arith.addi %add3A_17, %mul3A_2 : i32
    %mul3A_19 = arith.constant 4 : i32
    %mul3A_20 = arith.muli %add3A_18, %mul3A_19 : i32
    %add3A_21 = arith.constant 6144 : i32
    %add3A_22 = arith.addi %add3A_21, %mul3A_2 : i32
    %add3A_23 = arith.constant 6144 : i32
    %add3A_24 = arith.addi %add3A_23, %mul3A_2 : i32
    %mul3A_25 = arith.constant 4 : i32
    %mul3A_26 = arith.muli %add3A_24, %mul3A_25 : i32
    %add3A_27 = arith.constant 8192 : i32
    %add3A_28 = arith.addi %add3A_27, %mul3A_2 : i32
    %add3A_29 = arith.constant 8192 : i32
    %add3A_30 = arith.addi %add3A_29, %mul3A_2 : i32
    %mul3A_31 = arith.constant 4 : i32
    %mul3A_32 = arith.muli %add3A_30, %mul3A_31 : i32
    %add3A_33 = arith.constant 10240 : i32
    %add3A_34 = arith.addi %add3A_33, %mul3A_2 : i32
    %add3A_35 = arith.constant 10240 : i32
    %add3A_36 = arith.addi %add3A_35, %mul3A_2 : i32
    %mul3A_37 = arith.constant 4 : i32
    %mul3A_38 = arith.muli %add3A_36, %mul3A_37 : i32
    %add3A_39 = arith.constant 12288 : i32
    %add3A_40 = arith.addi %add3A_39, %mul3A_2 : i32
    %add3A_41 = arith.constant 12288 : i32
    %add3A_42 = arith.addi %add3A_41, %mul3A_2 : i32
    %mul3A_43 = arith.constant 4 : i32
    %mul3A_44 = arith.muli %add3A_42, %mul3A_43 : i32
    %add3A_45 = arith.constant 14336 : i32
    %add3A_46 = arith.addi %add3A_45, %mul3A_2 : i32
    %add3A_47 = arith.constant 14336 : i32
    %add3A_48 = arith.addi %add3A_47, %mul3A_2 : i32
    %mul3A_49 = arith.constant 4 : i32
    %mul3A_50 = arith.muli %add3A_48, %mul3A_49 : i32
    %add3A_51 = arith.constant 16384 : i32
    %add3A_52 = arith.addi %add3A_51, %mul3A_2 : i32
    %add3A_53 = arith.constant 16384 : i32
    %add3A_54 = arith.addi %add3A_53, %mul3A_2 : i32
    %mul3A_55 = arith.constant 4 : i32
    %mul3A_56 = arith.muli %add3A_54, %mul3A_55 : i32
    %add3A_57 = arith.constant 18432 : i32
    %add3A_58 = arith.addi %add3A_57, %mul3A_2 : i32
    %add3A_59 = arith.constant 18432 : i32
    %add3A_60 = arith.addi %add3A_59, %mul3A_2 : i32
    %mul3A_61 = arith.constant 4 : i32
    %mul3A_62 = arith.muli %add3A_60, %mul3A_61 : i32
    %add3A_63 = arith.constant 20480 : i32
    %add3A_64 = arith.addi %add3A_63, %mul3A_2 : i32
    %add3A_65 = arith.constant 20480 : i32
    %add3A_66 = arith.addi %add3A_65, %mul3A_2 : i32
    %mul3A_67 = arith.constant 4 : i32
    %mul3A_68 = arith.muli %add3A_66, %mul3A_67 : i32
    %add3A_69 = arith.constant 22528 : i32
    %add3A_70 = arith.addi %add3A_69, %mul3A_2 : i32
    %add3A_71 = arith.constant 22528 : i32
    %add3A_72 = arith.addi %add3A_71, %mul3A_2 : i32
    %mul3A_73 = arith.constant 4 : i32
    %mul3A_74 = arith.muli %add3A_72, %mul3A_73 : i32
    %add3A_75 = arith.constant 24576 : i32
    %add3A_76 = arith.addi %add3A_75, %mul3A_2 : i32
    %add3A_77 = arith.constant 24576 : i32
    %add3A_78 = arith.addi %add3A_77, %mul3A_2 : i32
    %mul3A_79 = arith.constant 4 : i32
    %mul3A_80 = arith.muli %add3A_78, %mul3A_79 : i32
    %add3A_81 = arith.constant 26624 : i32
    %add3A_82 = arith.addi %add3A_81, %mul3A_2 : i32
    %add3A_83 = arith.constant 26624 : i32
    %add3A_84 = arith.addi %add3A_83, %mul3A_2 : i32
    %mul3A_85 = arith.constant 4 : i32
    %mul3A_86 = arith.muli %add3A_84, %mul3A_85 : i32
    %add3A_87 = arith.constant 28672 : i32
    %add3A_88 = arith.addi %add3A_87, %mul3A_2 : i32
    %add3A_89 = arith.constant 28672 : i32
    %add3A_90 = arith.addi %add3A_89, %mul3A_2 : i32
    %mul3A_91 = arith.constant 4 : i32
    %mul3A_92 = arith.muli %add3A_90, %mul3A_91 : i32
    %add3A_93 = arith.constant 30720 : i32
    %add3A_94 = arith.addi %add3A_93, %mul3A_2 : i32
    %add3A_95 = arith.constant 30720 : i32
    %add3A_96 = arith.addi %add3A_95, %mul3A_2 : i32
    %mul3A_97 = arith.constant 4 : i32
    %mul3A_98 = arith.muli %add3A_96, %mul3A_97 : i32
    tpu.enqueue_dma source(%arg4 : memref<16xi32, #tpu.memory_space<hbm>>) target(%arg8 : memref<16xi32, #tpu.memory_space<vmem>>) target_semaphore(%arg18 : memref<!tpu.dma_semaphore, #tpu.memory_space<semaphore_mem>>)
    tpu.enqueue_dma source(%arg6 : memref<4x512xf32, #tpu.memory_space<hbm>>) target(%arg12 : memref<4x512xf32, #tpu.memory_space<vmem>>) target_semaphore(%arg18 : memref<!tpu.dma_semaphore, #tpu.memory_space<semaphore_mem>>)
    %dma_start3A = arith.constant 0 : i32
    %dma_start3A_99 = arith.constant 0 : i32
    %dma_start3A_100 = tpu.memref_slice %arg10[%dma_start3A, %dma_start3A_99] : memref<16x64xi32, #tpu.memory_space<vmem>> -> memref<1x64xi32, #tpu.memory_space<vmem>>
    %dma_start3A_101 = tpu.memref_squeeze %dma_start3A_100 : memref<1x64xi32, #tpu.memory_space<vmem>> -> memref<64xi32, #tpu.memory_space<vmem>>
    %dma_start3A_102 = tpu.memref_slice %arg2[%add3A_4] : memref<32768xi32, #tpu.memory_space<hbm>> -> memref<64xi32, #tpu.memory_space<hbm>>
    %dma_start3A_103 = arith.constant 0 : i32
    %dma_start3A_104 = tpu.memref_slice %arg10[%dma_start3A, %dma_start3A_103] : memref<16x64xi32, #tpu.memory_space<vmem>> -> memref<1x64xi32, #tpu.memory_space<vmem>>
    %dma_start3A_105 = tpu.memref_squeeze %dma_start3A_104 : memref<1x64xi32, #tpu.memory_space<vmem>> -> memref<64xi32, #tpu.memory_space<vmem>>
    %dma_start3A_106 = tpu.memref_slice %arg2[%add3A_4] : memref<32768xi32, #tpu.memory_space<hbm>> -> memref<64xi32, #tpu.memory_space<hbm>>
    tpu.enqueue_dma source(%dma_start3A_106 : memref<64xi32, #tpu.memory_space<hbm>>) target(%dma_start3A_105 : memref<64xi32, #tpu.memory_space<vmem>>) target_semaphore(%arg18 : memref<!tpu.dma_semaphore, #tpu.memory_space<semaphore_mem>>)
    %dma_start3A_107 = arith.constant 0 : i32
    %dma_start3A_108 = arith.constant 0 : i32
    %dma_start3A_109 = tpu.memref_slice %arg11[%dma_start3A_107, %dma_start3A_108] : memref<16x256xf32, #tpu.memory_space<vmem>> -> memref<1x256xf32, #tpu.memory_space<vmem>>
    %dma_start3A_110 = tpu.memref_squeeze %dma_start3A_109 : memref<1x256xf32, #tpu.memory_space<vmem>> -> memref<256xf32, #tpu.memory_space<vmem>>
    %dma_start3A_111 = tpu.memref_slice %arg3[%mul3A_8] : memref<131072xf32, #tpu.memory_space<hbm>> -> memref<256xf32, #tpu.memory_space<hbm>>
    %dma_start3A_112 = arith.constant 0 : i32
    %dma_start3A_113 = tpu.memref_slice %arg11[%dma_start3A_107, %dma_start3A_112] : memref<16x256xf32, #tpu.memory_space<vmem>> -> memref<1x256xf32, #tpu.memory_space<vmem>>
    %dma_start3A_114 = tpu.memref_squeeze %dma_start3A_113 : memref<1x256xf32, #tpu.memory_space<vmem>> -> memref<256xf32, #tpu.memory_space<vmem>>
    %dma_start3A_115 = tpu.memref_slice %arg3[%mul3A_8] : memref<131072xf32, #tpu.memory_space<hbm>> -> memref<256xf32, #tpu.memory_space<hbm>>
    tpu.enqueue_dma source(%dma_start3A_115 : memref<256xf32, #tpu.memory_space<hbm>>) target(%dma_start3A_114 : memref<256xf32, #tpu.memory_space<vmem>>) target_semaphore(%arg18 : memref<!tpu.dma_semaphore, #tpu.memory_space<semaphore_mem>>)
    %dma_start3A_116 = arith.constant 1 : i32
    %dma_start3A_117 = arith.constant 0 : i32
    %dma_start3A_118 = tpu.memref_slice %arg10[%dma_start3A_116, %dma_start3A_117] : memref<16x64xi32, #tpu.memory_space<vmem>> -> memref<1x64xi32, #tpu.memory_space<vmem>>
    %dma_start3A_119 = tpu.memref_squeeze %dma_start3A_118 : memref<1x64xi32, #tpu.memory_space<vmem>> -> memref<64xi32, #tpu.memory_space<vmem>>
    %dma_start3A_120 = tpu.memref_slice %arg2[%add3A_10] : memref<32768xi32, #tpu.memory_space<hbm>> -> memref<64xi32, #tpu.memory_space<hbm>>
    %dma_start3A_121 = arith.constant 0 : i32
    %dma_start3A_122 = tpu.memref_slice %arg10[%dma_start3A_116, %dma_start3A_121] : memref<16x64xi32, #tpu.memory_space<vmem>> -> memref<1x64xi32, #tpu.memory_space<vmem>>
    %dma_start3A_123 = tpu.memref_squeeze %dma_start3A_122 : memref<1x64xi32, #tpu.memory_space<vmem>> -> memref<64xi32, #tpu.memory_space<vmem>>
    %dma_start3A_124 = tpu.memref_slice %arg2[%add3A_10] : memref<32768xi32, #tpu.memory_space<hbm>> -> memref<64xi32, #tpu.memory_space<hbm>>
    tpu.enqueue_dma source(%dma_start3A_124 : memref<64xi32, #tpu.memory_space<hbm>>) target(%dma_start3A_123 : memref<64xi32, #tpu.memory_space<vmem>>) target_semaphore(%arg18 : memref<!tpu.dma_semaphore, #tpu.memory_space<semaphore_mem>>)
    %dma_start3A_125 = arith.constant 1 : i32
    %dma_start3A_126 = arith.constant 0 : i32
    %dma_start3A_127 = tpu.memref_slice %arg11[%dma_start3A_125, %dma_start3A_126] : memref<16x256xf32, #tpu.memory_space<vmem>> -> memref<1x256xf32, #tpu.memory_space<vmem>>
    %dma_start3A_128 = tpu.memref_squeeze %dma_start3A_127 : memref<1x256xf32, #tpu.memory_space<vmem>> -> memref<256xf32, #tpu.memory_space<vmem>>
    %dma_start3A_129 = tpu.memref_slice %arg3[%mul3A_14] : memref<131072xf32, #tpu.memory_space<hbm>> -> memref<256xf32, #tpu.memory_space<hbm>>
    %dma_start3A_130 = arith.constant 0 : i32
    %dma_start3A_131 = tpu.memref_slice %arg11[%dma_start3A_125, %dma_start3A_130] : memref<16x256xf32, #tpu.memory_space<vmem>> -> memref<1x256xf32, #tpu.memory_space<vmem>>
    %dma_start3A_132 = tpu.memref_squeeze %dma_start3A_131 : memref<1x256xf32, #tpu.memory_space<vmem>> -> memref<256xf32, #tpu.memory_space<vmem>>
    %dma_start3A_133 = tpu.memref_slice %arg3[%mul3A_14] : memref<131072xf32, #tpu.memory_space<hbm>> -> memref<256xf32, #tpu.memory_space<hbm>>
    tpu.enqueue_dma source(%dma_start3A_133 : memref<256xf32, #tpu.memory_space<hbm>>) target(%dma_start3A_132 : memref<256xf32, #tpu.memory_space<vmem>>) target_semaphore(%arg18 : memref<!tpu.dma_semaphore, #tpu.memory_space<semaphore_mem>>)
    %dma_start3A_134 = arith.constant 2 : i32
    %dma_start3A_135 = arith.constant 0 : i32
    %dma_start3A_136 = tpu.memref_slice %arg10[%dma_start3A_134, %dma_start3A_135] : memref<16x64xi32, #tpu.memory_space<vmem>> -> memref<1x64xi32, #tpu.memory_space<vmem>>
    %dma_start3A_137 = tpu.memref_squeeze %dma_start3A_136 : memref<1x64xi32, #tpu.memory_space<vmem>> -> memref<64xi32, #tpu.memory_space<vmem>>
    %dma_start3A_138 = tpu.memref_slice %arg2[%add3A_16] : memref<32768xi32, #tpu.memory_space<hbm>> -> memref<64xi32, #tpu.memory_space<hbm>>
    %dma_start3A_139 = arith.constant 0 : i32
    %dma_start3A_140 = tpu.memref_slice %arg10[%dma_start3A_134, %dma_start3A_139] : memref<16x64xi32, #tpu.memory_space<vmem>> -> memref<1x64xi32, #tpu.memory_space<vmem>>
    %dma_start3A_141 = tpu.memref_squeeze %dma_start3A_140 : memref<1x64xi32, #tpu.memory_space<vmem>> -> memref<64xi32, #tpu.memory_space<vmem>>
    %dma_start3A_142 = tpu.memref_slice %arg2[%add3A_16] : memref<32768xi32, #tpu.memory_space<hbm>> -> memref<64xi32, #tpu.memory_space<hbm>>
    tpu.enqueue_dma source(%dma_start3A_142 : memref<64xi32, #tpu.memory_space<hbm>>) target(%dma_start3A_141 : memref<64xi32, #tpu.memory_space<vmem>>) target_semaphore(%arg18 : memref<!tpu.dma_semaphore, #tpu.memory_space<semaphore_mem>>)
    %dma_start3A_143 = arith.constant 2 : i32
    %dma_start3A_144 = arith.constant 0 : i32
    %dma_start3A_145 = tpu.memref_slice %arg11[%dma_start3A_143, %dma_start3A_144] : memref<16x256xf32, #tpu.memory_space<vmem>> -> memref<1x256xf32, #tpu.memory_space<vmem>>
    %dma_start3A_146 = tpu.memref_squeeze %dma_start3A_145 : memref<1x256xf32, #tpu.memory_space<vmem>> -> memref<256xf32, #tpu.memory_space<vmem>>
    %dma_start3A_147 = tpu.memref_slice %arg3[%mul3A_20] : memref<131072xf32, #tpu.memory_space<hbm>> -> memref<256xf32, #tpu.memory_space<hbm>>
    %dma_start3A_148 = arith.constant 0 : i32
    %dma_start3A_149 = tpu.memref_slice %arg11[%dma_start3A_143, %dma_start3A_148] : memref<16x256xf32, #tpu.memory_space<vmem>> -> memref<1x256xf32, #tpu.memory_space<vmem>>
    %dma_start3A_150 = tpu.memref_squeeze %dma_start3A_149 : memref<1x256xf32, #tpu.memory_space<vmem>> -> memref<256xf32, #tpu.memory_space<vmem>>
    %dma_start3A_151 = tpu.memref_slice %arg3[%mul3A_20] : memref<131072xf32, #tpu.memory_space<hbm>> -> memref<256xf32, #tpu.memory_space<hbm>>
    tpu.enqueue_dma source(%dma_start3A_151 : memref<256xf32, #tpu.memory_space<hbm>>) target(%dma_start3A_150 : memref<256xf32, #tpu.memory_space<vmem>>) target_semaphore(%arg18 : memref<!tpu.dma_semaphore, #tpu.memory_space<semaphore_mem>>)
    %dma_start3A_152 = arith.constant 3 : i32
    %dma_start3A_153 = arith.constant 0 : i32
    %dma_start3A_154 = tpu.memref_slice %arg10[%dma_start3A_152, %dma_start3A_153] : memref<16x64xi32, #tpu.memory_space<vmem>> -> memref<1x64xi32, #tpu.memory_space<vmem>>
    %dma_start3A_155 = tpu.memref_squeeze %dma_start3A_154 : memref<1x64xi32, #tpu.memory_space<vmem>> -> memref<64xi32, #tpu.memory_space<vmem>>
    %dma_start3A_156 = tpu.memref_slice %arg2[%add3A_22] : memref<32768xi32, #tpu.memory_space<hbm>> -> memref<64xi32, #tpu.memory_space<hbm>>
    %dma_start3A_157 = arith.constant 0 : i32
    %dma_start3A_158 = tpu.memref_slice %arg10[%dma_start3A_152, %dma_start3A_157] : memref<16x64xi32, #tpu.memory_space<vmem>> -> memref<1x64xi32, #tpu.memory_space<vmem>>
    %dma_start3A_159 = tpu.memref_squeeze %dma_start3A_158 : memref<1x64xi32, #tpu.memory_space<vmem>> -> memref<64xi32, #tpu.memory_space<vmem>>
    %dma_start3A_160 = tpu.memref_slice %arg2[%add3A_22] : memref<32768xi32, #tpu.memory_space<hbm>> -> memref<64xi32, #tpu.memory_space<hbm>>
    tpu.enqueue_dma source(%dma_start3A_160 : memref<64xi32, #tpu.memory_space<hbm>>) target(%dma_start3A_159 : memref<64xi32, #tpu.memory_space<vmem>>) target_semaphore(%arg18 : memref<!tpu.dma_semaphore, #tpu.memory_space<semaphore_mem>>)
    %dma_start3A_161 = arith.constant 3 : i32
    %dma_start3A_162 = arith.constant 0 : i32
    %dma_start3A_163 = tpu.memref_slice %arg11[%dma_start3A_161, %dma_start3A_162] : memref<16x256xf32, #tpu.memory_space<vmem>> -> memref<1x256xf32, #tpu.memory_space<vmem>>
    %dma_start3A_164 = tpu.memref_squeeze %dma_start3A_163 : memref<1x256xf32, #tpu.memory_space<vmem>> -> memref<256xf32, #tpu.memory_space<vmem>>
    %dma_start3A_165 = tpu.memref_slice %arg3[%mul3A_26] : memref<131072xf32, #tpu.memory_space<hbm>> -> memref<256xf32, #tpu.memory_space<hbm>>
    %dma_start3A_166 = arith.constant 0 : i32
    %dma_start3A_167 = tpu.memref_slice %arg11[%dma_start3A_161, %dma_start3A_166] : memref<16x256xf32, #tpu.memory_space<vmem>> -> memref<1x256xf32, #tpu.memory_space<vmem>>
    %dma_start3A_168 = tpu.memref_squeeze %dma_start3A_167 : memref<1x256xf32, #tpu.memory_space<vmem>> -> memref<256xf32, #tpu.memory_space<vmem>>
    %dma_start3A_169 = tpu.memref_slice %arg3[%mul3A_26] : memref<131072xf32, #tpu.memory_space<hbm>> -> memref<256xf32, #tpu.memory_space<hbm>>
    tpu.enqueue_dma source(%dma_start3A_169 : memref<256xf32, #tpu.memory_space<hbm>>) target(%dma_start3A_168 : memref<256xf32, #tpu.memory_space<vmem>>) target_semaphore(%arg18 : memref<!tpu.dma_semaphore, #tpu.memory_space<semaphore_mem>>)
    %dma_start3A_170 = arith.constant 4 : i32
    %dma_start3A_171 = arith.constant 0 : i32
    %dma_start3A_172 = tpu.memref_slice %arg10[%dma_start3A_170, %dma_start3A_171] : memref<16x64xi32, #tpu.memory_space<vmem>> -> memref<1x64xi32, #tpu.memory_space<vmem>>
    %dma_start3A_173 = tpu.memref_squeeze %dma_start3A_172 : memref<1x64xi32, #tpu.memory_space<vmem>> -> memref<64xi32, #tpu.memory_space<vmem>>
    %dma_start3A_174 = tpu.memref_slice %arg2[%add3A_28] : memref<32768xi32, #tpu.memory_space<hbm>> -> memref<64xi32, #tpu.memory_space<hbm>>
    %dma_start3A_175 = arith.constant 0 : i32
    %dma_start3A_176 = tpu.memref_slice %arg10[%dma_start3A_170, %dma_start3A_175] : memref<16x64xi32, #tpu.memory_space<vmem>> -> memref<1x64xi32, #tpu.memory_space<vmem>>
    %dma_start3A_177 = tpu.memref_squeeze %dma_start3A_176 : memref<1x64xi32, #tpu.memory_space<vmem>> -> memref<64xi32, #tpu.memory_space<vmem>>
    %dma_start3A_178 = tpu.memref_slice %arg2[%add3A_28] : memref<32768xi32, #tpu.memory_space<hbm>> -> memref<64xi32, #tpu.memory_space<hbm>>
    tpu.enqueue_dma source(%dma_start3A_178 : memref<64xi32, #tpu.memory_space<hbm>>) target(%dma_start3A_177 : memref<64xi32, #tpu.memory_space<vmem>>) target_semaphore(%arg18 : memref<!tpu.dma_semaphore, #tpu.memory_space<semaphore_mem>>)
    %dma_start3A_179 = arith.constant 4 : i32
    %dma_start3A_180 = arith.constant 0 : i32
    %dma_start3A_181 = tpu.memref_slice %arg11[%dma_start3A_179, %dma_start3A_180] : memref<16x256xf32, #tpu.memory_space<vmem>> -> memref<1x256xf32, #tpu.memory_space<vmem>>
    %dma_start3A_182 = tpu.memref_squeeze %dma_start3A_181 : memref<1x256xf32, #tpu.memory_space<vmem>> -> memref<256xf32, #tpu.memory_space<vmem>>
    %dma_start3A_183 = tpu.memref_slice %arg3[%mul3A_32] : memref<131072xf32, #tpu.memory_space<hbm>> -> memref<256xf32, #tpu.memory_space<hbm>>
    %dma_start3A_184 = arith.constant 0 : i32
    %dma_start3A_185 = tpu.memref_slice %arg11[%dma_start3A_179, %dma_start3A_184] : memref<16x256xf32, #tpu.memory_space<vmem>> -> memref<1x256xf32, #tpu.memory_space<vmem>>
    %dma_start3A_186 = tpu.memref_squeeze %dma_start3A_185 : memref<1x256xf32, #tpu.memory_space<vmem>> -> memref<256xf32, #tpu.memory_space<vmem>>
    %dma_start3A_187 = tpu.memref_slice %arg3[%mul3A_32] : memref<131072xf32, #tpu.memory_space<hbm>> -> memref<256xf32, #tpu.memory_space<hbm>>
    tpu.enqueue_dma source(%dma_start3A_187 : memref<256xf32, #tpu.memory_space<hbm>>) target(%dma_start3A_186 : memref<256xf32, #tpu.memory_space<vmem>>) target_semaphore(%arg18 : memref<!tpu.dma_semaphore, #tpu.memory_space<semaphore_mem>>)
    %dma_start3A_188 = arith.constant 5 : i32
    %dma_start3A_189 = arith.constant 0 : i32
    %dma_start3A_190 = tpu.memref_slice %arg10[%dma_start3A_188, %dma_start3A_189] : memref<16x64xi32, #tpu.memory_space<vmem>> -> memref<1x64xi32, #tpu.memory_space<vmem>>
    %dma_start3A_191 = tpu.memref_squeeze %dma_start3A_190 : memref<1x64xi32, #tpu.memory_space<vmem>> -> memref<64xi32, #tpu.memory_space<vmem>>
    %dma_start3A_192 = tpu.memref_slice %arg2[%add3A_34] : memref<32768xi32, #tpu.memory_space<hbm>> -> memref<64xi32, #tpu.memory_space<hbm>>
    %dma_start3A_193 = arith.constant 0 : i32
    %dma_start3A_194 = tpu.memref_slice %arg10[%dma_start3A_188, %dma_start3A_193] : memref<16x64xi32, #tpu.memory_space<vmem>> -> memref<1x64xi32, #tpu.memory_space<vmem>>
    %dma_start3A_195 = tpu.memref_squeeze %dma_start3A_194 : memref<1x64xi32, #tpu.memory_space<vmem>> -> memref<64xi32, #tpu.memory_space<vmem>>
    %dma_start3A_196 = tpu.memref_slice %arg2[%add3A_34] : memref<32768xi32, #tpu.memory_space<hbm>> -> memref<64xi32, #tpu.memory_space<hbm>>
    tpu.enqueue_dma source(%dma_start3A_196 : memref<64xi32, #tpu.memory_space<hbm>>) target(%dma_start3A_195 : memref<64xi32, #tpu.memory_space<vmem>>) target_semaphore(%arg18 : memref<!tpu.dma_semaphore, #tpu.memory_space<semaphore_mem>>)
    %dma_start3A_197 = arith.constant 5 : i32
    %dma_start3A_198 = arith.constant 0 : i32
    %dma_start3A_199 = tpu.memref_slice %arg11[%dma_start3A_197, %dma_start3A_198] : memref<16x256xf32, #tpu.memory_space<vmem>> -> memref<1x256xf32, #tpu.memory_space<vmem>>
    %dma_start3A_200 = tpu.memref_squeeze %dma_start3A_199 : memref<1x256xf32, #tpu.memory_space<vmem>> -> memref<256xf32, #tpu.memory_space<vmem>>
    %dma_start3A_201 = tpu.memref_slice %arg3[%mul3A_38] : memref<131072xf32, #tpu.memory_space<hbm>> -> memref<256xf32, #tpu.memory_space<hbm>>
    %dma_start3A_202 = arith.constant 0 : i32
    %dma_start3A_203 = tpu.memref_slice %arg11[%dma_start3A_197, %dma_start3A_202] : memref<16x256xf32, #tpu.memory_space<vmem>> -> memref<1x256xf32, #tpu.memory_space<vmem>>
    %dma_start3A_204 = tpu.memref_squeeze %dma_start3A_203 : memref<1x256xf32, #tpu.memory_space<vmem>> -> memref<256xf32, #tpu.memory_space<vmem>>
    %dma_start3A_205 = tpu.memref_slice %arg3[%mul3A_38] : memref<131072xf32, #tpu.memory_space<hbm>> -> memref<256xf32, #tpu.memory_space<hbm>>
    tpu.enqueue_dma source(%dma_start3A_205 : memref<256xf32, #tpu.memory_space<hbm>>) target(%dma_start3A_204 : memref<256xf32, #tpu.memory_space<vmem>>) target_semaphore(%arg18 : memref<!tpu.dma_semaphore, #tpu.memory_space<semaphore_mem>>)
    %dma_start3A_206 = arith.constant 6 : i32
    %dma_start3A_207 = arith.constant 0 : i32
    %dma_start3A_208 = tpu.memref_slice %arg10[%dma_start3A_206, %dma_start3A_207] : memref<16x64xi32, #tpu.memory_space<vmem>> -> memref<1x64xi32, #tpu.memory_space<vmem>>
    %dma_start3A_209 = tpu.memref_squeeze %dma_start3A_208 : memref<1x64xi32, #tpu.memory_space<vmem>> -> memref<64xi32, #tpu.memory_space<vmem>>
    %dma_start3A_210 = tpu.memref_slice %arg2[%add3A_40] : memref<32768xi32, #tpu.memory_space<hbm>> -> memref<64xi32, #tpu.memory_space<hbm>>
    %dma_start3A_211 = arith.constant 0 : i32
    %dma_start3A_212 = tpu.memref_slice %arg10[%dma_start3A_206, %dma_start3A_211] : memref<16x64xi32, #tpu.memory_space<vmem>> -> memref<1x64xi32, #tpu.memory_space<vmem>>
    %dma_start3A_213 = tpu.memref_squeeze %dma_start3A_212 : memref<1x64xi32, #tpu.memory_space<vmem>> -> memref<64xi32, #tpu.memory_space<vmem>>
    %dma_start3A_214 = tpu.memref_slice %arg2[%add3A_40] : memref<32768xi32, #tpu.memory_space<hbm>> -> memref<64xi32, #tpu.memory_space<hbm>>
    tpu.enqueue_dma source(%dma_start3A_214 : memref<64xi32, #tpu.memory_space<hbm>>) target(%dma_start3A_213 : memref<64xi32, #tpu.memory_space<vmem>>) target_semaphore(%arg18 : memref<!tpu.dma_semaphore, #tpu.memory_space<semaphore_mem>>)
    %dma_start3A_215 = arith.constant 6 : i32
    %dma_start3A_216 = arith.constant 0 : i32
    %dma_start3A_217 = tpu.memref_slice %arg11[%dma_start3A_215, %dma_start3A_216] : memref<16x256xf32, #tpu.memory_space<vmem>> -> memref<1x256xf32, #tpu.memory_space<vmem>>
    %dma_start3A_218 = tpu.memref_squeeze %dma_start3A_217 : memref<1x256xf32, #tpu.memory_space<vmem>> -> memref<256xf32, #tpu.memory_space<vmem>>
    %dma_start3A_219 = tpu.memref_slice %arg3[%mul3A_44] : memref<131072xf32, #tpu.memory_space<hbm>> -> memref<256xf32, #tpu.memory_space<hbm>>
    %dma_start3A_220 = arith.constant 0 : i32
    %dma_start3A_221 = tpu.memref_slice %arg11[%dma_start3A_215, %dma_start3A_220] : memref<16x256xf32, #tpu.memory_space<vmem>> -> memref<1x256xf32, #tpu.memory_space<vmem>>
    %dma_start3A_222 = tpu.memref_squeeze %dma_start3A_221 : memref<1x256xf32, #tpu.memory_space<vmem>> -> memref<256xf32, #tpu.memory_space<vmem>>
    %dma_start3A_223 = tpu.memref_slice %arg3[%mul3A_44] : memref<131072xf32, #tpu.memory_space<hbm>> -> memref<256xf32, #tpu.memory_space<hbm>>
    tpu.enqueue_dma source(%dma_start3A_223 : memref<256xf32, #tpu.memory_space<hbm>>) target(%dma_start3A_222 : memref<256xf32, #tpu.memory_space<vmem>>) target_semaphore(%arg18 : memref<!tpu.dma_semaphore, #tpu.memory_space<semaphore_mem>>)
    %dma_start3A_224 = arith.constant 7 : i32
    %dma_start3A_225 = arith.constant 0 : i32
    %dma_start3A_226 = tpu.memref_slice %arg10[%dma_start3A_224, %dma_start3A_225] : memref<16x64xi32, #tpu.memory_space<vmem>> -> memref<1x64xi32, #tpu.memory_space<vmem>>
    %dma_start3A_227 = tpu.memref_squeeze %dma_start3A_226 : memref<1x64xi32, #tpu.memory_space<vmem>> -> memref<64xi32, #tpu.memory_space<vmem>>
    %dma_start3A_228 = tpu.memref_slice %arg2[%add3A_46] : memref<32768xi32, #tpu.memory_space<hbm>> -> memref<64xi32, #tpu.memory_space<hbm>>
    %dma_start3A_229 = arith.constant 0 : i32
    %dma_start3A_230 = tpu.memref_slice %arg10[%dma_start3A_224, %dma_start3A_229] : memref<16x64xi32, #tpu.memory_space<vmem>> -> memref<1x64xi32, #tpu.memory_space<vmem>>
    %dma_start3A_231 = tpu.memref_squeeze %dma_start3A_230 : memref<1x64xi32, #tpu.memory_space<vmem>> -> memref<64xi32, #tpu.memory_space<vmem>>
    %dma_start3A_232 = tpu.memref_slice %arg2[%add3A_46] : memref<32768xi32, #tpu.memory_space<hbm>> -> memref<64xi32, #tpu.memory_space<hbm>>
    tpu.enqueue_dma source(%dma_start3A_232 : memref<64xi32, #tpu.memory_space<hbm>>) target(%dma_start3A_231 : memref<64xi32, #tpu.memory_space<vmem>>) target_semaphore(%arg18 : memref<!tpu.dma_semaphore, #tpu.memory_space<semaphore_mem>>)
    %dma_start3A_233 = arith.constant 7 : i32
    %dma_start3A_234 = arith.constant 0 : i32
    %dma_start3A_235 = tpu.memref_slice %arg11[%dma_start3A_233, %dma_start3A_234] : memref<16x256xf32, #tpu.memory_space<vmem>> -> memref<1x256xf32, #tpu.memory_space<vmem>>
    %dma_start3A_236 = tpu.memref_squeeze %dma_start3A_235 : memref<1x256xf32, #tpu.memory_space<vmem>> -> memref<256xf32, #tpu.memory_space<vmem>>
    %dma_start3A_237 = tpu.memref_slice %arg3[%mul3A_50] : memref<131072xf32, #tpu.memory_space<hbm>> -> memref<256xf32, #tpu.memory_space<hbm>>
    %dma_start3A_238 = arith.constant 0 : i32
    %dma_start3A_239 = tpu.memref_slice %arg11[%dma_start3A_233, %dma_start3A_238] : memref<16x256xf32, #tpu.memory_space<vmem>> -> memref<1x256xf32, #tpu.memory_space<vmem>>
    %dma_start3A_240 = tpu.memref_squeeze %dma_start3A_239 : memref<1x256xf32, #tpu.memory_space<vmem>> -> memref<256xf32, #tpu.memory_space<vmem>>
    %dma_start3A_241 = tpu.memref_slice %arg3[%mul3A_50] : memref<131072xf32, #tpu.memory_space<hbm>> -> memref<256xf32, #tpu.memory_space<hbm>>
    tpu.enqueue_dma source(%dma_start3A_241 : memref<256xf32, #tpu.memory_space<hbm>>) target(%dma_start3A_240 : memref<256xf32, #tpu.memory_space<vmem>>) target_semaphore(%arg18 : memref<!tpu.dma_semaphore, #tpu.memory_space<semaphore_mem>>)
    %dma_start3A_242 = arith.constant 8 : i32
    %dma_start3A_243 = arith.constant 0 : i32
    %dma_start3A_244 = tpu.memref_slice %arg10[%dma_start3A_242, %dma_start3A_243] : memref<16x64xi32, #tpu.memory_space<vmem>> -> memref<1x64xi32, #tpu.memory_space<vmem>>
    %dma_start3A_245 = tpu.memref_squeeze %dma_start3A_244 : memref<1x64xi32, #tpu.memory_space<vmem>> -> memref<64xi32, #tpu.memory_space<vmem>>
    %dma_start3A_246 = tpu.memref_slice %arg2[%add3A_52] : memref<32768xi32, #tpu.memory_space<hbm>> -> memref<64xi32, #tpu.memory_space<hbm>>
    %dma_start3A_247 = arith.constant 0 : i32
    %dma_start3A_248 = tpu.memref_slice %arg10[%dma_start3A_242, %dma_start3A_247] : memref<16x64xi32, #tpu.memory_space<vmem>> -> memref<1x64xi32, #tpu.memory_space<vmem>>
    %dma_start3A_249 = tpu.memref_squeeze %dma_start3A_248 : memref<1x64xi32, #tpu.memory_space<vmem>> -> memref<64xi32, #tpu.memory_space<vmem>>
    %dma_start3A_250 = tpu.memref_slice %arg2[%add3A_52] : memref<32768xi32, #tpu.memory_space<hbm>> -> memref<64xi32, #tpu.memory_space<hbm>>
    tpu.enqueue_dma source(%dma_start3A_250 : memref<64xi32, #tpu.memory_space<hbm>>) target(%dma_start3A_249 : memref<64xi32, #tpu.memory_space<vmem>>) target_semaphore(%arg18 : memref<!tpu.dma_semaphore, #tpu.memory_space<semaphore_mem>>)
    %dma_start3A_251 = arith.constant 8 : i32
    %dma_start3A_252 = arith.constant 0 : i32
    %dma_start3A_253 = tpu.memref_slice %arg11[%dma_start3A_251, %dma_start3A_252] : memref<16x256xf32, #tpu.memory_space<vmem>> -> memref<1x256xf32, #tpu.memory_space<vmem>>
    %dma_start3A_254 = tpu.memref_squeeze %dma_start3A_253 : memref<1x256xf32, #tpu.memory_space<vmem>> -> memref<256xf32, #tpu.memory_space<vmem>>
    %dma_start3A_255 = tpu.memref_slice %arg3[%mul3A_56] : memref<131072xf32, #tpu.memory_space<hbm>> -> memref<256xf32, #tpu.memory_space<hbm>>
    %dma_start3A_256 = arith.constant 0 : i32
    %dma_start3A_257 = tpu.memref_slice %arg11[%dma_start3A_251, %dma_start3A_256] : memref<16x256xf32, #tpu.memory_space<vmem>> -> memref<1x256xf32, #tpu.memory_space<vmem>>
    %dma_start3A_258 = tpu.memref_squeeze %dma_start3A_257 : memref<1x256xf32, #tpu.memory_space<vmem>> -> memref<256xf32, #tpu.memory_space<vmem>>
    %dma_start3A_259 = tpu.memref_slice %arg3[%mul3A_56] : memref<131072xf32, #tpu.memory_space<hbm>> -> memref<256xf32, #tpu.memory_space<hbm>>
    tpu.enqueue_dma source(%dma_start3A_259 : memref<256xf32, #tpu.memory_space<hbm>>) target(%dma_start3A_258 : memref<256xf32, #tpu.memory_space<vmem>>) target_semaphore(%arg18 : memref<!tpu.dma_semaphore, #tpu.memory_space<semaphore_mem>>)
    %dma_start3A_260 = arith.constant 9 : i32
    %dma_start3A_261 = arith.constant 0 : i32
    %dma_start3A_262 = tpu.memref_slice %arg10[%dma_start3A_260, %dma_start3A_261] : memref<16x64xi32, #tpu.memory_space<vmem>> -> memref<1x64xi32, #tpu.memory_space<vmem>>
    %dma_start3A_263 = tpu.memref_squeeze %dma_start3A_262 : memref<1x64xi32, #tpu.memory_space<vmem>> -> memref<64xi32, #tpu.memory_space<vmem>>
    %dma_start3A_264 = tpu.memref_slice %arg2[%add3A_58] : memref<32768xi32, #tpu.memory_space<hbm>> -> memref<64xi32, #tpu.memory_space<hbm>>
    %dma_start3A_265 = arith.constant 0 : i32
    %dma_start3A_266 = tpu.memref_slice %arg10[%dma_start3A_260, %dma_start3A_265] : memref<16x64xi32, #tpu.memory_space<vmem>> -> memref<1x64xi32, #tpu.memory_space<vmem>>
    %dma_start3A_267 = tpu.memref_squeeze %dma_start3A_266 : memref<1x64xi32, #tpu.memory_space<vmem>> -> memref<64xi32, #tpu.memory_space<vmem>>
    %dma_start3A_268 = tpu.memref_slice %arg2[%add3A_58] : memref<32768xi32, #tpu.memory_space<hbm>> -> memref<64xi32, #tpu.memory_space<hbm>>
    tpu.enqueue_dma source(%dma_start3A_268 : memref<64xi32, #tpu.memory_space<hbm>>) target(%dma_start3A_267 : memref<64xi32, #tpu.memory_space<vmem>>) target_semaphore(%arg18 : memref<!tpu.dma_semaphore, #tpu.memory_space<semaphore_mem>>)
    %dma_start3A_269 = arith.constant 9 : i32
    %dma_start3A_270 = arith.constant 0 : i32
    %dma_start3A_271 = tpu.memref_slice %arg11[%dma_start3A_269, %dma_start3A_270] : memref<16x256xf32, #tpu.memory_space<vmem>> -> memref<1x256xf32, #tpu.memory_space<vmem>>
    %dma_start3A_272 = tpu.memref_squeeze %dma_start3A_271 : memref<1x256xf32, #tpu.memory_space<vmem>> -> memref<256xf32, #tpu.memory_space<vmem>>
    %dma_start3A_273 = tpu.memref_slice %arg3[%mul3A_62] : memref<131072xf32, #tpu.memory_space<hbm>> -> memref<256xf32, #tpu.memory_space<hbm>>
    %dma_start3A_274 = arith.constant 0 : i32
    %dma_start3A_275 = tpu.memref_slice %arg11[%dma_start3A_269, %dma_start3A_274] : memref<16x256xf32, #tpu.memory_space<vmem>> -> memref<1x256xf32, #tpu.memory_space<vmem>>
    %dma_start3A_276 = tpu.memref_squeeze %dma_start3A_275 : memref<1x256xf32, #tpu.memory_space<vmem>> -> memref<256xf32, #tpu.memory_space<vmem>>
    %dma_start3A_277 = tpu.memref_slice %arg3[%mul3A_62] : memref<131072xf32, #tpu.memory_space<hbm>> -> memref<256xf32, #tpu.memory_space<hbm>>
    tpu.enqueue_dma source(%dma_start3A_277 : memref<256xf32, #tpu.memory_space<hbm>>) target(%dma_start3A_276 : memref<256xf32, #tpu.memory_space<vmem>>) target_semaphore(%arg18 : memref<!tpu.dma_semaphore, #tpu.memory_space<semaphore_mem>>)
    %dma_start3A_278 = arith.constant 10 : i32
    %dma_start3A_279 = arith.constant 0 : i32
    %dma_start3A_280 = tpu.memref_slice %arg10[%dma_start3A_278, %dma_start3A_279] : memref<16x64xi32, #tpu.memory_space<vmem>> -> memref<1x64xi32, #tpu.memory_space<vmem>>
    %dma_start3A_281 = tpu.memref_squeeze %dma_start3A_280 : memref<1x64xi32, #tpu.memory_space<vmem>> -> memref<64xi32, #tpu.memory_space<vmem>>
    %dma_start3A_282 = tpu.memref_slice %arg2[%add3A_64] : memref<32768xi32, #tpu.memory_space<hbm>> -> memref<64xi32, #tpu.memory_space<hbm>>
    %dma_start3A_283 = arith.constant 0 : i32
    %dma_start3A_284 = tpu.memref_slice %arg10[%dma_start3A_278, %dma_start3A_283] : memref<16x64xi32, #tpu.memory_space<vmem>> -> memref<1x64xi32, #tpu.memory_space<vmem>>
    %dma_start3A_285 = tpu.memref_squeeze %dma_start3A_284 : memref<1x64xi32, #tpu.memory_space<vmem>> -> memref<64xi32, #tpu.memory_space<vmem>>
    %dma_start3A_286 = tpu.memref_slice %arg2[%add3A_64] : memref<32768xi32, #tpu.memory_space<hbm>> -> memref<64xi32, #tpu.memory_space<hbm>>
    tpu.enqueue_dma source(%dma_start3A_286 : memref<64xi32, #tpu.memory_space<hbm>>) target(%dma_start3A_285 : memref<64xi32, #tpu.memory_space<vmem>>) target_semaphore(%arg18 : memref<!tpu.dma_semaphore, #tpu.memory_space<semaphore_mem>>)
    %dma_start3A_287 = arith.constant 10 : i32
    %dma_start3A_288 = arith.constant 0 : i32
    %dma_start3A_289 = tpu.memref_slice %arg11[%dma_start3A_287, %dma_start3A_288] : memref<16x256xf32, #tpu.memory_space<vmem>> -> memref<1x256xf32, #tpu.memory_space<vmem>>
    %dma_start3A_290 = tpu.memref_squeeze %dma_start3A_289 : memref<1x256xf32, #tpu.memory_space<vmem>> -> memref<256xf32, #tpu.memory_space<vmem>>
    %dma_start3A_291 = tpu.memref_slice %arg3[%mul3A_68] : memref<131072xf32, #tpu.memory_space<hbm>> -> memref<256xf32, #tpu.memory_space<hbm>>
    %dma_start3A_292 = arith.constant 0 : i32
    %dma_start3A_293 = tpu.memref_slice %arg11[%dma_start3A_287, %dma_start3A_292] : memref<16x256xf32, #tpu.memory_space<vmem>> -> memref<1x256xf32, #tpu.memory_space<vmem>>
    %dma_start3A_294 = tpu.memref_squeeze %dma_start3A_293 : memref<1x256xf32, #tpu.memory_space<vmem>> -> memref<256xf32, #tpu.memory_space<vmem>>
    %dma_start3A_295 = tpu.memref_slice %arg3[%mul3A_68] : memref<131072xf32, #tpu.memory_space<hbm>> -> memref<256xf32, #tpu.memory_space<hbm>>
    tpu.enqueue_dma source(%dma_start3A_295 : memref<256xf32, #tpu.memory_space<hbm>>) target(%dma_start3A_294 : memref<256xf32, #tpu.memory_space<vmem>>) target_semaphore(%arg18 : memref<!tpu.dma_semaphore, #tpu.memory_space<semaphore_mem>>)
    %dma_start3A_296 = arith.constant 11 : i32
    %dma_start3A_297 = arith.constant 0 : i32
    %dma_start3A_298 = tpu.memref_slice %arg10[%dma_start3A_296, %dma_start3A_297] : memref<16x64xi32, #tpu.memory_space<vmem>> -> memref<1x64xi32, #tpu.memory_space<vmem>>
    %dma_start3A_299 = tpu.memref_squeeze %dma_start3A_298 : memref<1x64xi32, #tpu.memory_space<vmem>> -> memref<64xi32, #tpu.memory_space<vmem>>
    %dma_start3A_300 = tpu.memref_slice %arg2[%add3A_70] : memref<32768xi32, #tpu.memory_space<hbm>> -> memref<64xi32, #tpu.memory_space<hbm>>
    %dma_start3A_301 = arith.constant 0 : i32
    %dma_start3A_302 = tpu.memref_slice %arg10[%dma_start3A_296, %dma_start3A_301] : memref<16x64xi32, #tpu.memory_space<vmem>> -> memref<1x64xi32, #tpu.memory_space<vmem>>
    %dma_start3A_303 = tpu.memref_squeeze %dma_start3A_302 : memref<1x64xi32, #tpu.memory_space<vmem>> -> memref<64xi32, #tpu.memory_space<vmem>>
    %dma_start3A_304 = tpu.memref_slice %arg2[%add3A_70] : memref<32768xi32, #tpu.memory_space<hbm>> -> memref<64xi32, #tpu.memory_space<hbm>>
    tpu.enqueue_dma source(%dma_start3A_304 : memref<64xi32, #tpu.memory_space<hbm>>) target(%dma_start3A_303 : memref<64xi32, #tpu.memory_space<vmem>>) target_semaphore(%arg18 : memref<!tpu.dma_semaphore, #tpu.memory_space<semaphore_mem>>)
    %dma_start3A_305 = arith.constant 11 : i32
    %dma_start3A_306 = arith.constant 0 : i32
    %dma_start3A_307 = tpu.memref_slice %arg11[%dma_start3A_305, %dma_start3A_306] : memref<16x256xf32, #tpu.memory_space<vmem>> -> memref<1x256xf32, #tpu.memory_space<vmem>>
    %dma_start3A_308 = tpu.memref_squeeze %dma_start3A_307 : memref<1x256xf32, #tpu.memory_space<vmem>> -> memref<256xf32, #tpu.memory_space<vmem>>
    %dma_start3A_309 = tpu.memref_slice %arg3[%mul3A_74] : memref<131072xf32, #tpu.memory_space<hbm>> -> memref<256xf32, #tpu.memory_space<hbm>>
    %dma_start3A_310 = arith.constant 0 : i32
    %dma_start3A_311 = tpu.memref_slice %arg11[%dma_start3A_305, %dma_start3A_310] : memref<16x256xf32, #tpu.memory_space<vmem>> -> memref<1x256xf32, #tpu.memory_space<vmem>>
    %dma_start3A_312 = tpu.memref_squeeze %dma_start3A_311 : memref<1x256xf32, #tpu.memory_space<vmem>> -> memref<256xf32, #tpu.memory_space<vmem>>
    %dma_start3A_313 = tpu.memref_slice %arg3[%mul3A_74] : memref<131072xf32, #tpu.memory_space<hbm>> -> memref<256xf32, #tpu.memory_space<hbm>>
    tpu.enqueue_dma source(%dma_start3A_313 : memref<256xf32, #tpu.memory_space<hbm>>) target(%dma_start3A_312 : memref<256xf32, #tpu.memory_space<vmem>>) target_semaphore(%arg18 : memref<!tpu.dma_semaphore, #tpu.memory_space<semaphore_mem>>)
    %dma_start3A_314 = arith.constant 12 : i32
    %dma_start3A_315 = arith.constant 0 : i32
    %dma_start3A_316 = tpu.memref_slice %arg10[%dma_start3A_314, %dma_start3A_315] : memref<16x64xi32, #tpu.memory_space<vmem>> -> memref<1x64xi32, #tpu.memory_space<vmem>>
    %dma_start3A_317 = tpu.memref_squeeze %dma_start3A_316 : memref<1x64xi32, #tpu.memory_space<vmem>> -> memref<64xi32, #tpu.memory_space<vmem>>
    %dma_start3A_318 = tpu.memref_slice %arg2[%add3A_76] : memref<32768xi32, #tpu.memory_space<hbm>> -> memref<64xi32, #tpu.memory_space<hbm>>
    %dma_start3A_319 = arith.constant 0 : i32
    %dma_start3A_320 = tpu.memref_slice %arg10[%dma_start3A_314, %dma_start3A_319] : memref<16x64xi32, #tpu.memory_space<vmem>> -> memref<1x64xi32, #tpu.memory_space<vmem>>
    %dma_start3A_321 = tpu.memref_squeeze %dma_start3A_320 : memref<1x64xi32, #tpu.memory_space<vmem>> -> memref<64xi32, #tpu.memory_space<vmem>>
    %dma_start3A_322 = tpu.memref_slice %arg2[%add3A_76] : memref<32768xi32, #tpu.memory_space<hbm>> -> memref<64xi32, #tpu.memory_space<hbm>>
    tpu.enqueue_dma source(%dma_start3A_322 : memref<64xi32, #tpu.memory_space<hbm>>) target(%dma_start3A_321 : memref<64xi32, #tpu.memory_space<vmem>>) target_semaphore(%arg18 : memref<!tpu.dma_semaphore, #tpu.memory_space<semaphore_mem>>)
    %dma_start3A_323 = arith.constant 12 : i32
    %dma_start3A_324 = arith.constant 0 : i32
    %dma_start3A_325 = tpu.memref_slice %arg11[%dma_start3A_323, %dma_start3A_324] : memref<16x256xf32, #tpu.memory_space<vmem>> -> memref<1x256xf32, #tpu.memory_space<vmem>>
    %dma_start3A_326 = tpu.memref_squeeze %dma_start3A_325 : memref<1x256xf32, #tpu.memory_space<vmem>> -> memref<256xf32, #tpu.memory_space<vmem>>
    %dma_start3A_327 = tpu.memref_slice %arg3[%mul3A_80] : memref<131072xf32, #tpu.memory_space<hbm>> -> memref<256xf32, #tpu.memory_space<hbm>>
    %dma_start3A_328 = arith.constant 0 : i32
    %dma_start3A_329 = tpu.memref_slice %arg11[%dma_start3A_323, %dma_start3A_328] : memref<16x256xf32, #tpu.memory_space<vmem>> -> memref<1x256xf32, #tpu.memory_space<vmem>>
    %dma_start3A_330 = tpu.memref_squeeze %dma_start3A_329 : memref<1x256xf32, #tpu.memory_space<vmem>> -> memref<256xf32, #tpu.memory_space<vmem>>
    %dma_start3A_331 = tpu.memref_slice %arg3[%mul3A_80] : memref<131072xf32, #tpu.memory_space<hbm>> -> memref<256xf32, #tpu.memory_space<hbm>>
    tpu.enqueue_dma source(%dma_start3A_331 : memref<256xf32, #tpu.memory_space<hbm>>) target(%dma_start3A_330 : memref<256xf32, #tpu.memory_space<vmem>>) target_semaphore(%arg18 : memref<!tpu.dma_semaphore, #tpu.memory_space<semaphore_mem>>)
    %dma_start3A_332 = arith.constant 13 : i32
    %dma_start3A_333 = arith.constant 0 : i32
    %dma_start3A_334 = tpu.memref_slice %arg10[%dma_start3A_332, %dma_start3A_333] : memref<16x64xi32, #tpu.memory_space<vmem>> -> memref<1x64xi32, #tpu.memory_space<vmem>>
    %dma_start3A_335 = tpu.memref_squeeze %dma_start3A_334 : memref<1x64xi32, #tpu.memory_space<vmem>> -> memref<64xi32, #tpu.memory_space<vmem>>
    %dma_start3A_336 = tpu.memref_slice %arg2[%add3A_82] : memref<32768xi32, #tpu.memory_space<hbm>> -> memref<64xi32, #tpu.memory_space<hbm>>
    %dma_start3A_337 = arith.constant 0 : i32
    %dma_start3A_338 = tpu.memref_slice %arg10[%dma_start3A_332, %dma_start3A_337] : memref<16x64xi32, #tpu.memory_space<vmem>> -> memref<1x64xi32, #tpu.memory_space<vmem>>
    %dma_start3A_339 = tpu.memref_squeeze %dma_start3A_338 : memref<1x64xi32, #tpu.memory_space<vmem>> -> memref<64xi32, #tpu.memory_space<vmem>>
    %dma_start3A_340 = tpu.memref_slice %arg2[%add3A_82] : memref<32768xi32, #tpu.memory_space<hbm>> -> memref<64xi32, #tpu.memory_space<hbm>>
    tpu.enqueue_dma source(%dma_start3A_340 : memref<64xi32, #tpu.memory_space<hbm>>) target(%dma_start3A_339 : memref<64xi32, #tpu.memory_space<vmem>>) target_semaphore(%arg18 : memref<!tpu.dma_semaphore, #tpu.memory_space<semaphore_mem>>)
    %dma_start3A_341 = arith.constant 13 : i32
    %dma_start3A_342 = arith.constant 0 : i32
    %dma_start3A_343 = tpu.memref_slice %arg11[%dma_start3A_341, %dma_start3A_342] : memref<16x256xf32, #tpu.memory_space<vmem>> -> memref<1x256xf32, #tpu.memory_space<vmem>>
    %dma_start3A_344 = tpu.memref_squeeze %dma_start3A_343 : memref<1x256xf32, #tpu.memory_space<vmem>> -> memref<256xf32, #tpu.memory_space<vmem>>
    %dma_start3A_345 = tpu.memref_slice %arg3[%mul3A_86] : memref<131072xf32, #tpu.memory_space<hbm>> -> memref<256xf32, #tpu.memory_space<hbm>>
    %dma_start3A_346 = arith.constant 0 : i32
    %dma_start3A_347 = tpu.memref_slice %arg11[%dma_start3A_341, %dma_start3A_346] : memref<16x256xf32, #tpu.memory_space<vmem>> -> memref<1x256xf32, #tpu.memory_space<vmem>>
    %dma_start3A_348 = tpu.memref_squeeze %dma_start3A_347 : memref<1x256xf32, #tpu.memory_space<vmem>> -> memref<256xf32, #tpu.memory_space<vmem>>
    %dma_start3A_349 = tpu.memref_slice %arg3[%mul3A_86] : memref<131072xf32, #tpu.memory_space<hbm>> -> memref<256xf32, #tpu.memory_space<hbm>>
    tpu.enqueue_dma source(%dma_start3A_349 : memref<256xf32, #tpu.memory_space<hbm>>) target(%dma_start3A_348 : memref<256xf32, #tpu.memory_space<vmem>>) target_semaphore(%arg18 : memref<!tpu.dma_semaphore, #tpu.memory_space<semaphore_mem>>)
    %dma_start3A_350 = arith.constant 14 : i32
    %dma_start3A_351 = arith.constant 0 : i32
    %dma_start3A_352 = tpu.memref_slice %arg10[%dma_start3A_350, %dma_start3A_351] : memref<16x64xi32, #tpu.memory_space<vmem>> -> memref<1x64xi32, #tpu.memory_space<vmem>>
    %dma_start3A_353 = tpu.memref_squeeze %dma_start3A_352 : memref<1x64xi32, #tpu.memory_space<vmem>> -> memref<64xi32, #tpu.memory_space<vmem>>
    %dma_start3A_354 = tpu.memref_slice %arg2[%add3A_88] : memref<32768xi32, #tpu.memory_space<hbm>> -> memref<64xi32, #tpu.memory_space<hbm>>
    %dma_start3A_355 = arith.constant 0 : i32
    %dma_start3A_356 = tpu.memref_slice %arg10[%dma_start3A_350, %dma_start3A_355] : memref<16x64xi32, #tpu.memory_space<vmem>> -> memref<1x64xi32, #tpu.memory_space<vmem>>
    %dma_start3A_357 = tpu.memref_squeeze %dma_start3A_356 : memref<1x64xi32, #tpu.memory_space<vmem>> -> memref<64xi32, #tpu.memory_space<vmem>>
    %dma_start3A_358 = tpu.memref_slice %arg2[%add3A_88] : memref<32768xi32, #tpu.memory_space<hbm>> -> memref<64xi32, #tpu.memory_space<hbm>>
    tpu.enqueue_dma source(%dma_start3A_358 : memref<64xi32, #tpu.memory_space<hbm>>) target(%dma_start3A_357 : memref<64xi32, #tpu.memory_space<vmem>>) target_semaphore(%arg18 : memref<!tpu.dma_semaphore, #tpu.memory_space<semaphore_mem>>)
    %dma_start3A_359 = arith.constant 14 : i32
    %dma_start3A_360 = arith.constant 0 : i32
    %dma_start3A_361 = tpu.memref_slice %arg11[%dma_start3A_359, %dma_start3A_360] : memref<16x256xf32, #tpu.memory_space<vmem>> -> memref<1x256xf32, #tpu.memory_space<vmem>>
    %dma_start3A_362 = tpu.memref_squeeze %dma_start3A_361 : memref<1x256xf32, #tpu.memory_space<vmem>> -> memref<256xf32, #tpu.memory_space<vmem>>
    %dma_start3A_363 = tpu.memref_slice %arg3[%mul3A_92] : memref<131072xf32, #tpu.memory_space<hbm>> -> memref<256xf32, #tpu.memory_space<hbm>>
    %dma_start3A_364 = arith.constant 0 : i32
    %dma_start3A_365 = tpu.memref_slice %arg11[%dma_start3A_359, %dma_start3A_364] : memref<16x256xf32, #tpu.memory_space<vmem>> -> memref<1x256xf32, #tpu.memory_space<vmem>>
    %dma_start3A_366 = tpu.memref_squeeze %dma_start3A_365 : memref<1x256xf32, #tpu.memory_space<vmem>> -> memref<256xf32, #tpu.memory_space<vmem>>
    %dma_start3A_367 = tpu.memref_slice %arg3[%mul3A_92] : memref<131072xf32, #tpu.memory_space<hbm>> -> memref<256xf32, #tpu.memory_space<hbm>>
    tpu.enqueue_dma source(%dma_start3A_367 : memref<256xf32, #tpu.memory_space<hbm>>) target(%dma_start3A_366 : memref<256xf32, #tpu.memory_space<vmem>>) target_semaphore(%arg18 : memref<!tpu.dma_semaphore, #tpu.memory_space<semaphore_mem>>)
    %dma_start3A_368 = arith.constant 15 : i32
    %dma_start3A_369 = arith.constant 0 : i32
    %dma_start3A_370 = tpu.memref_slice %arg10[%dma_start3A_368, %dma_start3A_369] : memref<16x64xi32, #tpu.memory_space<vmem>> -> memref<1x64xi32, #tpu.memory_space<vmem>>
    %dma_start3A_371 = tpu.memref_squeeze %dma_start3A_370 : memref<1x64xi32, #tpu.memory_space<vmem>> -> memref<64xi32, #tpu.memory_space<vmem>>
    %dma_start3A_372 = tpu.memref_slice %arg2[%add3A_94] : memref<32768xi32, #tpu.memory_space<hbm>> -> memref<64xi32, #tpu.memory_space<hbm>>
    %dma_start3A_373 = arith.constant 0 : i32
    %dma_start3A_374 = tpu.memref_slice %arg10[%dma_start3A_368, %dma_start3A_373] : memref<16x64xi32, #tpu.memory_space<vmem>> -> memref<1x64xi32, #tpu.memory_space<vmem>>
    %dma_start3A_375 = tpu.memref_squeeze %dma_start3A_374 : memref<1x64xi32, #tpu.memory_space<vmem>> -> memref<64xi32, #tpu.memory_space<vmem>>
    %dma_start3A_376 = tpu.memref_slice %arg2[%add3A_94] : memref<32768xi32, #tpu.memory_space<hbm>> -> memref<64xi32, #tpu.memory_space<hbm>>
    tpu.enqueue_dma source(%dma_start3A_376 : memref<64xi32, #tpu.memory_space<hbm>>) target(%dma_start3A_375 : memref<64xi32, #tpu.memory_space<vmem>>) target_semaphore(%arg18 : memref<!tpu.dma_semaphore, #tpu.memory_space<semaphore_mem>>)
    %dma_start3A_377 = arith.constant 15 : i32
    %dma_start3A_378 = arith.constant 0 : i32
    %dma_start3A_379 = tpu.memref_slice %arg11[%dma_start3A_377, %dma_start3A_378] : memref<16x256xf32, #tpu.memory_space<vmem>> -> memref<1x256xf32, #tpu.memory_space<vmem>>
    %dma_start3A_380 = tpu.memref_squeeze %dma_start3A_379 : memref<1x256xf32, #tpu.memory_space<vmem>> -> memref<256xf32, #tpu.memory_space<vmem>>
    %dma_start3A_381 = tpu.memref_slice %arg3[%mul3A_98] : memref<131072xf32, #tpu.memory_space<hbm>> -> memref<256xf32, #tpu.memory_space<hbm>>
    %dma_start3A_382 = arith.constant 0 : i32
    %dma_start3A_383 = tpu.memref_slice %arg11[%dma_start3A_377, %dma_start3A_382] : memref<16x256xf32, #tpu.memory_space<vmem>> -> memref<1x256xf32, #tpu.memory_space<vmem>>
    %dma_start3A_384 = tpu.memref_squeeze %dma_start3A_383 : memref<1x256xf32, #tpu.memory_space<vmem>> -> memref<256xf32, #tpu.memory_space<vmem>>
    %dma_start3A_385 = tpu.memref_slice %arg3[%mul3A_98] : memref<131072xf32, #tpu.memory_space<hbm>> -> memref<256xf32, #tpu.memory_space<hbm>>
    tpu.enqueue_dma source(%dma_start3A_385 : memref<256xf32, #tpu.memory_space<hbm>>) target(%dma_start3A_384 : memref<256xf32, #tpu.memory_space<vmem>>) target_semaphore(%arg18 : memref<!tpu.dma_semaphore, #tpu.memory_space<semaphore_mem>>)
    tpu.wait_dma2 semaphore(%arg18 : memref<!tpu.dma_semaphore, #tpu.memory_space<semaphore_mem>>) src(%arg4 : memref<16xi32, #tpu.memory_space<hbm>>) dst(%arg8 : memref<16xi32, #tpu.memory_space<vmem>>)
    tpu.wait_dma2 semaphore(%arg18 : memref<!tpu.dma_semaphore, #tpu.memory_space<semaphore_mem>>) src(%arg6 : memref<4x512xf32, #tpu.memory_space<hbm>>) dst(%arg12 : memref<4x512xf32, #tpu.memory_space<vmem>>)
    %dma_wait3A = arith.constant 0 : i32
    %dma_wait3A_386 = arith.constant 0 : i32
    %dma_wait3A_387 = tpu.memref_slice %arg10[%dma_wait3A, %dma_wait3A_386] : memref<16x64xi32, #tpu.memory_space<vmem>> -> memref<1x64xi32, #tpu.memory_space<vmem>>
    %dma_wait3A_388 = tpu.memref_squeeze %dma_wait3A_387 : memref<1x64xi32, #tpu.memory_space<vmem>> -> memref<64xi32, #tpu.memory_space<vmem>>
    %dma_wait3A_389 = tpu.memref_slice %arg2[%add3A_4] : memref<32768xi32, #tpu.memory_space<hbm>> -> memref<64xi32, #tpu.memory_space<hbm>>
    %dma_wait3A_390 = arith.constant 0 : i32
    %dma_wait3A_391 = tpu.memref_slice %arg10[%dma_wait3A, %dma_wait3A_390] : memref<16x64xi32, #tpu.memory_space<vmem>> -> memref<1x64xi32, #tpu.memory_space<vmem>>
    %dma_wait3A_392 = tpu.memref_squeeze %dma_wait3A_391 : memref<1x64xi32, #tpu.memory_space<vmem>> -> memref<64xi32, #tpu.memory_space<vmem>>
    %dma_wait3A_393 = tpu.memref_slice %arg2[%add3A_4] : memref<32768xi32, #tpu.memory_space<hbm>> -> memref<64xi32, #tpu.memory_space<hbm>>
    tpu.wait_dma2 semaphore(%arg18 : memref<!tpu.dma_semaphore, #tpu.memory_space<semaphore_mem>>) src(%dma_wait3A_393 : memref<64xi32, #tpu.memory_space<hbm>>) dst(%dma_wait3A_392 : memref<64xi32, #tpu.memory_space<vmem>>)
    %dma_wait3A_394 = arith.constant 0 : i32
    %dma_wait3A_395 = arith.constant 0 : i32
    %dma_wait3A_396 = tpu.memref_slice %arg11[%dma_wait3A_394, %dma_wait3A_395] : memref<16x256xf32, #tpu.memory_space<vmem>> -> memref<1x256xf32, #tpu.memory_space<vmem>>
    %dma_wait3A_397 = tpu.memref_squeeze %dma_wait3A_396 : memref<1x256xf32, #tpu.memory_space<vmem>> -> memref<256xf32, #tpu.memory_space<vmem>>
    %dma_wait3A_398 = tpu.memref_slice %arg3[%mul3A_8] : memref<131072xf32, #tpu.memory_space<hbm>> -> memref<256xf32, #tpu.memory_space<hbm>>
    %dma_wait3A_399 = arith.constant 0 : i32
    %dma_wait3A_400 = tpu.memref_slice %arg11[%dma_wait3A_394, %dma_wait3A_399] : memref<16x256xf32, #tpu.memory_space<vmem>> -> memref<1x256xf32, #tpu.memory_space<vmem>>
    %dma_wait3A_401 = tpu.memref_squeeze %dma_wait3A_400 : memref<1x256xf32, #tpu.memory_space<vmem>> -> memref<256xf32, #tpu.memory_space<vmem>>
    %dma_wait3A_402 = tpu.memref_slice %arg3[%mul3A_8] : memref<131072xf32, #tpu.memory_space<hbm>> -> memref<256xf32, #tpu.memory_space<hbm>>
    tpu.wait_dma2 semaphore(%arg18 : memref<!tpu.dma_semaphore, #tpu.memory_space<semaphore_mem>>) src(%dma_wait3A_402 : memref<256xf32, #tpu.memory_space<hbm>>) dst(%dma_wait3A_401 : memref<256xf32, #tpu.memory_space<vmem>>)
    %dma_wait3A_403 = arith.constant 1 : i32
    %dma_wait3A_404 = arith.constant 0 : i32
    %dma_wait3A_405 = tpu.memref_slice %arg10[%dma_wait3A_403, %dma_wait3A_404] : memref<16x64xi32, #tpu.memory_space<vmem>> -> memref<1x64xi32, #tpu.memory_space<vmem>>
    %dma_wait3A_406 = tpu.memref_squeeze %dma_wait3A_405 : memref<1x64xi32, #tpu.memory_space<vmem>> -> memref<64xi32, #tpu.memory_space<vmem>>
    %dma_wait3A_407 = tpu.memref_slice %arg2[%add3A_10] : memref<32768xi32, #tpu.memory_space<hbm>> -> memref<64xi32, #tpu.memory_space<hbm>>
    %dma_wait3A_408 = arith.constant 0 : i32
    %dma_wait3A_409 = tpu.memref_slice %arg10[%dma_wait3A_403, %dma_wait3A_408] : memref<16x64xi32, #tpu.memory_space<vmem>> -> memref<1x64xi32, #tpu.memory_space<vmem>>
    %dma_wait3A_410 = tpu.memref_squeeze %dma_wait3A_409 : memref<1x64xi32, #tpu.memory_space<vmem>> -> memref<64xi32, #tpu.memory_space<vmem>>
    %dma_wait3A_411 = tpu.memref_slice %arg2[%add3A_10] : memref<32768xi32, #tpu.memory_space<hbm>> -> memref<64xi32, #tpu.memory_space<hbm>>
    tpu.wait_dma2 semaphore(%arg18 : memref<!tpu.dma_semaphore, #tpu.memory_space<semaphore_mem>>) src(%dma_wait3A_411 : memref<64xi32, #tpu.memory_space<hbm>>) dst(%dma_wait3A_410 : memref<64xi32, #tpu.memory_space<vmem>>)
    %dma_wait3A_412 = arith.constant 1 : i32
    %dma_wait3A_413 = arith.constant 0 : i32
    %dma_wait3A_414 = tpu.memref_slice %arg11[%dma_wait3A_412, %dma_wait3A_413] : memref<16x256xf32, #tpu.memory_space<vmem>> -> memref<1x256xf32, #tpu.memory_space<vmem>>
    %dma_wait3A_415 = tpu.memref_squeeze %dma_wait3A_414 : memref<1x256xf32, #tpu.memory_space<vmem>> -> memref<256xf32, #tpu.memory_space<vmem>>
    %dma_wait3A_416 = tpu.memref_slice %arg3[%mul3A_14] : memref<131072xf32, #tpu.memory_space<hbm>> -> memref<256xf32, #tpu.memory_space<hbm>>
    %dma_wait3A_417 = arith.constant 0 : i32
    %dma_wait3A_418 = tpu.memref_slice %arg11[%dma_wait3A_412, %dma_wait3A_417] : memref<16x256xf32, #tpu.memory_space<vmem>> -> memref<1x256xf32, #tpu.memory_space<vmem>>
    %dma_wait3A_419 = tpu.memref_squeeze %dma_wait3A_418 : memref<1x256xf32, #tpu.memory_space<vmem>> -> memref<256xf32, #tpu.memory_space<vmem>>
    %dma_wait3A_420 = tpu.memref_slice %arg3[%mul3A_14] : memref<131072xf32, #tpu.memory_space<hbm>> -> memref<256xf32, #tpu.memory_space<hbm>>
    tpu.wait_dma2 semaphore(%arg18 : memref<!tpu.dma_semaphore, #tpu.memory_space<semaphore_mem>>) src(%dma_wait3A_420 : memref<256xf32, #tpu.memory_space<hbm>>) dst(%dma_wait3A_419 : memref<256xf32, #tpu.memory_space<vmem>>)
    %dma_wait3A_421 = arith.constant 2 : i32
    %dma_wait3A_422 = arith.constant 0 : i32
    %dma_wait3A_423 = tpu.memref_slice %arg10[%dma_wait3A_421, %dma_wait3A_422] : memref<16x64xi32, #tpu.memory_space<vmem>> -> memref<1x64xi32, #tpu.memory_space<vmem>>
    %dma_wait3A_424 = tpu.memref_squeeze %dma_wait3A_423 : memref<1x64xi32, #tpu.memory_space<vmem>> -> memref<64xi32, #tpu.memory_space<vmem>>
    %dma_wait3A_425 = tpu.memref_slice %arg2[%add3A_16] : memref<32768xi32, #tpu.memory_space<hbm>> -> memref<64xi32, #tpu.memory_space<hbm>>
    %dma_wait3A_426 = arith.constant 0 : i32
    %dma_wait3A_427 = tpu.memref_slice %arg10[%dma_wait3A_421, %dma_wait3A_426] : memref<16x64xi32, #tpu.memory_space<vmem>> -> memref<1x64xi32, #tpu.memory_space<vmem>>
    %dma_wait3A_428 = tpu.memref_squeeze %dma_wait3A_427 : memref<1x64xi32, #tpu.memory_space<vmem>> -> memref<64xi32, #tpu.memory_space<vmem>>
    %dma_wait3A_429 = tpu.memref_slice %arg2[%add3A_16] : memref<32768xi32, #tpu.memory_space<hbm>> -> memref<64xi32, #tpu.memory_space<hbm>>
    tpu.wait_dma2 semaphore(%arg18 : memref<!tpu.dma_semaphore, #tpu.memory_space<semaphore_mem>>) src(%dma_wait3A_429 : memref<64xi32, #tpu.memory_space<hbm>>) dst(%dma_wait3A_428 : memref<64xi32, #tpu.memory_space<vmem>>)
    %dma_wait3A_430 = arith.constant 2 : i32
    %dma_wait3A_431 = arith.constant 0 : i32
    %dma_wait3A_432 = tpu.memref_slice %arg11[%dma_wait3A_430, %dma_wait3A_431] : memref<16x256xf32, #tpu.memory_space<vmem>> -> memref<1x256xf32, #tpu.memory_space<vmem>>
    %dma_wait3A_433 = tpu.memref_squeeze %dma_wait3A_432 : memref<1x256xf32, #tpu.memory_space<vmem>> -> memref<256xf32, #tpu.memory_space<vmem>>
    %dma_wait3A_434 = tpu.memref_slice %arg3[%mul3A_20] : memref<131072xf32, #tpu.memory_space<hbm>> -> memref<256xf32, #tpu.memory_space<hbm>>
    %dma_wait3A_435 = arith.constant 0 : i32
    %dma_wait3A_436 = tpu.memref_slice %arg11[%dma_wait3A_430, %dma_wait3A_435] : memref<16x256xf32, #tpu.memory_space<vmem>> -> memref<1x256xf32, #tpu.memory_space<vmem>>
    %dma_wait3A_437 = tpu.memref_squeeze %dma_wait3A_436 : memref<1x256xf32, #tpu.memory_space<vmem>> -> memref<256xf32, #tpu.memory_space<vmem>>
    %dma_wait3A_438 = tpu.memref_slice %arg3[%mul3A_20] : memref<131072xf32, #tpu.memory_space<hbm>> -> memref<256xf32, #tpu.memory_space<hbm>>
    tpu.wait_dma2 semaphore(%arg18 : memref<!tpu.dma_semaphore, #tpu.memory_space<semaphore_mem>>) src(%dma_wait3A_438 : memref<256xf32, #tpu.memory_space<hbm>>) dst(%dma_wait3A_437 : memref<256xf32, #tpu.memory_space<vmem>>)
    %dma_wait3A_439 = arith.constant 3 : i32
    %dma_wait3A_440 = arith.constant 0 : i32
    %dma_wait3A_441 = tpu.memref_slice %arg10[%dma_wait3A_439, %dma_wait3A_440] : memref<16x64xi32, #tpu.memory_space<vmem>> -> memref<1x64xi32, #tpu.memory_space<vmem>>
    %dma_wait3A_442 = tpu.memref_squeeze %dma_wait3A_441 : memref<1x64xi32, #tpu.memory_space<vmem>> -> memref<64xi32, #tpu.memory_space<vmem>>
    %dma_wait3A_443 = tpu.memref_slice %arg2[%add3A_22] : memref<32768xi32, #tpu.memory_space<hbm>> -> memref<64xi32, #tpu.memory_space<hbm>>
    %dma_wait3A_444 = arith.constant 0 : i32
    %dma_wait3A_445 = tpu.memref_slice %arg10[%dma_wait3A_439, %dma_wait3A_444] : memref<16x64xi32, #tpu.memory_space<vmem>> -> memref<1x64xi32, #tpu.memory_space<vmem>>
    %dma_wait3A_446 = tpu.memref_squeeze %dma_wait3A_445 : memref<1x64xi32, #tpu.memory_space<vmem>> -> memref<64xi32, #tpu.memory_space<vmem>>
    %dma_wait3A_447 = tpu.memref_slice %arg2[%add3A_22] : memref<32768xi32, #tpu.memory_space<hbm>> -> memref<64xi32, #tpu.memory_space<hbm>>
    tpu.wait_dma2 semaphore(%arg18 : memref<!tpu.dma_semaphore, #tpu.memory_space<semaphore_mem>>) src(%dma_wait3A_447 : memref<64xi32, #tpu.memory_space<hbm>>) dst(%dma_wait3A_446 : memref<64xi32, #tpu.memory_space<vmem>>)
    %dma_wait3A_448 = arith.constant 3 : i32
    %dma_wait3A_449 = arith.constant 0 : i32
    %dma_wait3A_450 = tpu.memref_slice %arg11[%dma_wait3A_448, %dma_wait3A_449] : memref<16x256xf32, #tpu.memory_space<vmem>> -> memref<1x256xf32, #tpu.memory_space<vmem>>
    %dma_wait3A_451 = tpu.memref_squeeze %dma_wait3A_450 : memref<1x256xf32, #tpu.memory_space<vmem>> -> memref<256xf32, #tpu.memory_space<vmem>>
    %dma_wait3A_452 = tpu.memref_slice %arg3[%mul3A_26] : memref<131072xf32, #tpu.memory_space<hbm>> -> memref<256xf32, #tpu.memory_space<hbm>>
    %dma_wait3A_453 = arith.constant 0 : i32
    %dma_wait3A_454 = tpu.memref_slice %arg11[%dma_wait3A_448, %dma_wait3A_453] : memref<16x256xf32, #tpu.memory_space<vmem>> -> memref<1x256xf32, #tpu.memory_space<vmem>>
    %dma_wait3A_455 = tpu.memref_squeeze %dma_wait3A_454 : memref<1x256xf32, #tpu.memory_space<vmem>> -> memref<256xf32, #tpu.memory_space<vmem>>
    %dma_wait3A_456 = tpu.memref_slice %arg3[%mul3A_26] : memref<131072xf32, #tpu.memory_space<hbm>> -> memref<256xf32, #tpu.memory_space<hbm>>
    tpu.wait_dma2 semaphore(%arg18 : memref<!tpu.dma_semaphore, #tpu.memory_space<semaphore_mem>>) src(%dma_wait3A_456 : memref<256xf32, #tpu.memory_space<hbm>>) dst(%dma_wait3A_455 : memref<256xf32, #tpu.memory_space<vmem>>)
    %dma_wait3A_457 = arith.constant 4 : i32
    %dma_wait3A_458 = arith.constant 0 : i32
    %dma_wait3A_459 = tpu.memref_slice %arg10[%dma_wait3A_457, %dma_wait3A_458] : memref<16x64xi32, #tpu.memory_space<vmem>> -> memref<1x64xi32, #tpu.memory_space<vmem>>
    %dma_wait3A_460 = tpu.memref_squeeze %dma_wait3A_459 : memref<1x64xi32, #tpu.memory_space<vmem>> -> memref<64xi32, #tpu.memory_space<vmem>>
    %dma_wait3A_461 = tpu.memref_slice %arg2[%add3A_28] : memref<32768xi32, #tpu.memory_space<hbm>> -> memref<64xi32, #tpu.memory_space<hbm>>
    %dma_wait3A_462 = arith.constant 0 : i32
    %dma_wait3A_463 = tpu.memref_slice %arg10[%dma_wait3A_457, %dma_wait3A_462] : memref<16x64xi32, #tpu.memory_space<vmem>> -> memref<1x64xi32, #tpu.memory_space<vmem>>
    %dma_wait3A_464 = tpu.memref_squeeze %dma_wait3A_463 : memref<1x64xi32, #tpu.memory_space<vmem>> -> memref<64xi32, #tpu.memory_space<vmem>>
    %dma_wait3A_465 = tpu.memref_slice %arg2[%add3A_28] : memref<32768xi32, #tpu.memory_space<hbm>> -> memref<64xi32, #tpu.memory_space<hbm>>
    tpu.wait_dma2 semaphore(%arg18 : memref<!tpu.dma_semaphore, #tpu.memory_space<semaphore_mem>>) src(%dma_wait3A_465 : memref<64xi32, #tpu.memory_space<hbm>>) dst(%dma_wait3A_464 : memref<64xi32, #tpu.memory_space<vmem>>)
    %dma_wait3A_466 = arith.constant 4 : i32
    %dma_wait3A_467 = arith.constant 0 : i32
    %dma_wait3A_468 = tpu.memref_slice %arg11[%dma_wait3A_466, %dma_wait3A_467] : memref<16x256xf32, #tpu.memory_space<vmem>> -> memref<1x256xf32, #tpu.memory_space<vmem>>
    %dma_wait3A_469 = tpu.memref_squeeze %dma_wait3A_468 : memref<1x256xf32, #tpu.memory_space<vmem>> -> memref<256xf32, #tpu.memory_space<vmem>>
    %dma_wait3A_470 = tpu.memref_slice %arg3[%mul3A_32] : memref<131072xf32, #tpu.memory_space<hbm>> -> memref<256xf32, #tpu.memory_space<hbm>>
    %dma_wait3A_471 = arith.constant 0 : i32
    %dma_wait3A_472 = tpu.memref_slice %arg11[%dma_wait3A_466, %dma_wait3A_471] : memref<16x256xf32, #tpu.memory_space<vmem>> -> memref<1x256xf32, #tpu.memory_space<vmem>>
    %dma_wait3A_473 = tpu.memref_squeeze %dma_wait3A_472 : memref<1x256xf32, #tpu.memory_space<vmem>> -> memref<256xf32, #tpu.memory_space<vmem>>
    %dma_wait3A_474 = tpu.memref_slice %arg3[%mul3A_32] : memref<131072xf32, #tpu.memory_space<hbm>> -> memref<256xf32, #tpu.memory_space<hbm>>
    tpu.wait_dma2 semaphore(%arg18 : memref<!tpu.dma_semaphore, #tpu.memory_space<semaphore_mem>>) src(%dma_wait3A_474 : memref<256xf32, #tpu.memory_space<hbm>>) dst(%dma_wait3A_473 : memref<256xf32, #tpu.memory_space<vmem>>)
    %dma_wait3A_475 = arith.constant 5 : i32
    %dma_wait3A_476 = arith.constant 0 : i32
    %dma_wait3A_477 = tpu.memref_slice %arg10[%dma_wait3A_475, %dma_wait3A_476] : memref<16x64xi32, #tpu.memory_space<vmem>> -> memref<1x64xi32, #tpu.memory_space<vmem>>
    %dma_wait3A_478 = tpu.memref_squeeze %dma_wait3A_477 : memref<1x64xi32, #tpu.memory_space<vmem>> -> memref<64xi32, #tpu.memory_space<vmem>>
    %dma_wait3A_479 = tpu.memref_slice %arg2[%add3A_34] : memref<32768xi32, #tpu.memory_space<hbm>> -> memref<64xi32, #tpu.memory_space<hbm>>
    %dma_wait3A_480 = arith.constant 0 : i32
    %dma_wait3A_481 = tpu.memref_slice %arg10[%dma_wait3A_475, %dma_wait3A_480] : memref<16x64xi32, #tpu.memory_space<vmem>> -> memref<1x64xi32, #tpu.memory_space<vmem>>
    %dma_wait3A_482 = tpu.memref_squeeze %dma_wait3A_481 : memref<1x64xi32, #tpu.memory_space<vmem>> -> memref<64xi32, #tpu.memory_space<vmem>>
    %dma_wait3A_483 = tpu.memref_slice %arg2[%add3A_34] : memref<32768xi32, #tpu.memory_space<hbm>> -> memref<64xi32, #tpu.memory_space<hbm>>
    tpu.wait_dma2 semaphore(%arg18 : memref<!tpu.dma_semaphore, #tpu.memory_space<semaphore_mem>>) src(%dma_wait3A_483 : memref<64xi32, #tpu.memory_space<hbm>>) dst(%dma_wait3A_482 : memref<64xi32, #tpu.memory_space<vmem>>)
    %dma_wait3A_484 = arith.constant 5 : i32
    %dma_wait3A_485 = arith.constant 0 : i32
    %dma_wait3A_486 = tpu.memref_slice %arg11[%dma_wait3A_484, %dma_wait3A_485] : memref<16x256xf32, #tpu.memory_space<vmem>> -> memref<1x256xf32, #tpu.memory_space<vmem>>
    %dma_wait3A_487 = tpu.memref_squeeze %dma_wait3A_486 : memref<1x256xf32, #tpu.memory_space<vmem>> -> memref<256xf32, #tpu.memory_space<vmem>>
    %dma_wait3A_488 = tpu.memref_slice %arg3[%mul3A_38] : memref<131072xf32, #tpu.memory_space<hbm>> -> memref<256xf32, #tpu.memory_space<hbm>>
    %dma_wait3A_489 = arith.constant 0 : i32
    %dma_wait3A_490 = tpu.memref_slice %arg11[%dma_wait3A_484, %dma_wait3A_489] : memref<16x256xf32, #tpu.memory_space<vmem>> -> memref<1x256xf32, #tpu.memory_space<vmem>>
    %dma_wait3A_491 = tpu.memref_squeeze %dma_wait3A_490 : memref<1x256xf32, #tpu.memory_space<vmem>> -> memref<256xf32, #tpu.memory_space<vmem>>
    %dma_wait3A_492 = tpu.memref_slice %arg3[%mul3A_38] : memref<131072xf32, #tpu.memory_space<hbm>> -> memref<256xf32, #tpu.memory_space<hbm>>
    tpu.wait_dma2 semaphore(%arg18 : memref<!tpu.dma_semaphore, #tpu.memory_space<semaphore_mem>>) src(%dma_wait3A_492 : memref<256xf32, #tpu.memory_space<hbm>>) dst(%dma_wait3A_491 : memref<256xf32, #tpu.memory_space<vmem>>)
    %dma_wait3A_493 = arith.constant 6 : i32
    %dma_wait3A_494 = arith.constant 0 : i32
    %dma_wait3A_495 = tpu.memref_slice %arg10[%dma_wait3A_493, %dma_wait3A_494] : memref<16x64xi32, #tpu.memory_space<vmem>> -> memref<1x64xi32, #tpu.memory_space<vmem>>
    %dma_wait3A_496 = tpu.memref_squeeze %dma_wait3A_495 : memref<1x64xi32, #tpu.memory_space<vmem>> -> memref<64xi32, #tpu.memory_space<vmem>>
    %dma_wait3A_497 = tpu.memref_slice %arg2[%add3A_40] : memref<32768xi32, #tpu.memory_space<hbm>> -> memref<64xi32, #tpu.memory_space<hbm>>
    %dma_wait3A_498 = arith.constant 0 : i32
    %dma_wait3A_499 = tpu.memref_slice %arg10[%dma_wait3A_493, %dma_wait3A_498] : memref<16x64xi32, #tpu.memory_space<vmem>> -> memref<1x64xi32, #tpu.memory_space<vmem>>
    %dma_wait3A_500 = tpu.memref_squeeze %dma_wait3A_499 : memref<1x64xi32, #tpu.memory_space<vmem>> -> memref<64xi32, #tpu.memory_space<vmem>>
    %dma_wait3A_501 = tpu.memref_slice %arg2[%add3A_40] : memref<32768xi32, #tpu.memory_space<hbm>> -> memref<64xi32, #tpu.memory_space<hbm>>
    tpu.wait_dma2 semaphore(%arg18 : memref<!tpu.dma_semaphore, #tpu.memory_space<semaphore_mem>>) src(%dma_wait3A_501 : memref<64xi32, #tpu.memory_space<hbm>>) dst(%dma_wait3A_500 : memref<64xi32, #tpu.memory_space<vmem>>)
    %dma_wait3A_502 = arith.constant 6 : i32
    %dma_wait3A_503 = arith.constant 0 : i32
    %dma_wait3A_504 = tpu.memref_slice %arg11[%dma_wait3A_502, %dma_wait3A_503] : memref<16x256xf32, #tpu.memory_space<vmem>> -> memref<1x256xf32, #tpu.memory_space<vmem>>
    %dma_wait3A_505 = tpu.memref_squeeze %dma_wait3A_504 : memref<1x256xf32, #tpu.memory_space<vmem>> -> memref<256xf32, #tpu.memory_space<vmem>>
    %dma_wait3A_506 = tpu.memref_slice %arg3[%mul3A_44] : memref<131072xf32, #tpu.memory_space<hbm>> -> memref<256xf32, #tpu.memory_space<hbm>>
    %dma_wait3A_507 = arith.constant 0 : i32
    %dma_wait3A_508 = tpu.memref_slice %arg11[%dma_wait3A_502, %dma_wait3A_507] : memref<16x256xf32, #tpu.memory_space<vmem>> -> memref<1x256xf32, #tpu.memory_space<vmem>>
    %dma_wait3A_509 = tpu.memref_squeeze %dma_wait3A_508 : memref<1x256xf32, #tpu.memory_space<vmem>> -> memref<256xf32, #tpu.memory_space<vmem>>
    %dma_wait3A_510 = tpu.memref_slice %arg3[%mul3A_44] : memref<131072xf32, #tpu.memory_space<hbm>> -> memref<256xf32, #tpu.memory_space<hbm>>
    tpu.wait_dma2 semaphore(%arg18 : memref<!tpu.dma_semaphore, #tpu.memory_space<semaphore_mem>>) src(%dma_wait3A_510 : memref<256xf32, #tpu.memory_space<hbm>>) dst(%dma_wait3A_509 : memref<256xf32, #tpu.memory_space<vmem>>)
    %dma_wait3A_511 = arith.constant 7 : i32
    %dma_wait3A_512 = arith.constant 0 : i32
    %dma_wait3A_513 = tpu.memref_slice %arg10[%dma_wait3A_511, %dma_wait3A_512] : memref<16x64xi32, #tpu.memory_space<vmem>> -> memref<1x64xi32, #tpu.memory_space<vmem>>
    %dma_wait3A_514 = tpu.memref_squeeze %dma_wait3A_513 : memref<1x64xi32, #tpu.memory_space<vmem>> -> memref<64xi32, #tpu.memory_space<vmem>>
    %dma_wait3A_515 = tpu.memref_slice %arg2[%add3A_46] : memref<32768xi32, #tpu.memory_space<hbm>> -> memref<64xi32, #tpu.memory_space<hbm>>
    %dma_wait3A_516 = arith.constant 0 : i32
    %dma_wait3A_517 = tpu.memref_slice %arg10[%dma_wait3A_511, %dma_wait3A_516] : memref<16x64xi32, #tpu.memory_space<vmem>> -> memref<1x64xi32, #tpu.memory_space<vmem>>
    %dma_wait3A_518 = tpu.memref_squeeze %dma_wait3A_517 : memref<1x64xi32, #tpu.memory_space<vmem>> -> memref<64xi32, #tpu.memory_space<vmem>>
    %dma_wait3A_519 = tpu.memref_slice %arg2[%add3A_46] : memref<32768xi32, #tpu.memory_space<hbm>> -> memref<64xi32, #tpu.memory_space<hbm>>
    tpu.wait_dma2 semaphore(%arg18 : memref<!tpu.dma_semaphore, #tpu.memory_space<semaphore_mem>>) src(%dma_wait3A_519 : memref<64xi32, #tpu.memory_space<hbm>>) dst(%dma_wait3A_518 : memref<64xi32, #tpu.memory_space<vmem>>)
    %dma_wait3A_520 = arith.constant 7 : i32
    %dma_wait3A_521 = arith.constant 0 : i32
    %dma_wait3A_522 = tpu.memref_slice %arg11[%dma_wait3A_520, %dma_wait3A_521] : memref<16x256xf32, #tpu.memory_space<vmem>> -> memref<1x256xf32, #tpu.memory_space<vmem>>
    %dma_wait3A_523 = tpu.memref_squeeze %dma_wait3A_522 : memref<1x256xf32, #tpu.memory_space<vmem>> -> memref<256xf32, #tpu.memory_space<vmem>>
    %dma_wait3A_524 = tpu.memref_slice %arg3[%mul3A_50] : memref<131072xf32, #tpu.memory_space<hbm>> -> memref<256xf32, #tpu.memory_space<hbm>>
    %dma_wait3A_525 = arith.constant 0 : i32
    %dma_wait3A_526 = tpu.memref_slice %arg11[%dma_wait3A_520, %dma_wait3A_525] : memref<16x256xf32, #tpu.memory_space<vmem>> -> memref<1x256xf32, #tpu.memory_space<vmem>>
    %dma_wait3A_527 = tpu.memref_squeeze %dma_wait3A_526 : memref<1x256xf32, #tpu.memory_space<vmem>> -> memref<256xf32, #tpu.memory_space<vmem>>
    %dma_wait3A_528 = tpu.memref_slice %arg3[%mul3A_50] : memref<131072xf32, #tpu.memory_space<hbm>> -> memref<256xf32, #tpu.memory_space<hbm>>
    tpu.wait_dma2 semaphore(%arg18 : memref<!tpu.dma_semaphore, #tpu.memory_space<semaphore_mem>>) src(%dma_wait3A_528 : memref<256xf32, #tpu.memory_space<hbm>>) dst(%dma_wait3A_527 : memref<256xf32, #tpu.memory_space<vmem>>)
    %dma_wait3A_529 = arith.constant 8 : i32
    %dma_wait3A_530 = arith.constant 0 : i32
    %dma_wait3A_531 = tpu.memref_slice %arg10[%dma_wait3A_529, %dma_wait3A_530] : memref<16x64xi32, #tpu.memory_space<vmem>> -> memref<1x64xi32, #tpu.memory_space<vmem>>
    %dma_wait3A_532 = tpu.memref_squeeze %dma_wait3A_531 : memref<1x64xi32, #tpu.memory_space<vmem>> -> memref<64xi32, #tpu.memory_space<vmem>>
    %dma_wait3A_533 = tpu.memref_slice %arg2[%add3A_52] : memref<32768xi32, #tpu.memory_space<hbm>> -> memref<64xi32, #tpu.memory_space<hbm>>
    %dma_wait3A_534 = arith.constant 0 : i32
    %dma_wait3A_535 = tpu.memref_slice %arg10[%dma_wait3A_529, %dma_wait3A_534] : memref<16x64xi32, #tpu.memory_space<vmem>> -> memref<1x64xi32, #tpu.memory_space<vmem>>
    %dma_wait3A_536 = tpu.memref_squeeze %dma_wait3A_535 : memref<1x64xi32, #tpu.memory_space<vmem>> -> memref<64xi32, #tpu.memory_space<vmem>>
    %dma_wait3A_537 = tpu.memref_slice %arg2[%add3A_52] : memref<32768xi32, #tpu.memory_space<hbm>> -> memref<64xi32, #tpu.memory_space<hbm>>
    tpu.wait_dma2 semaphore(%arg18 : memref<!tpu.dma_semaphore, #tpu.memory_space<semaphore_mem>>) src(%dma_wait3A_537 : memref<64xi32, #tpu.memory_space<hbm>>) dst(%dma_wait3A_536 : memref<64xi32, #tpu.memory_space<vmem>>)
    %dma_wait3A_538 = arith.constant 8 : i32
    %dma_wait3A_539 = arith.constant 0 : i32
    %dma_wait3A_540 = tpu.memref_slice %arg11[%dma_wait3A_538, %dma_wait3A_539] : memref<16x256xf32, #tpu.memory_space<vmem>> -> memref<1x256xf32, #tpu.memory_space<vmem>>
    %dma_wait3A_541 = tpu.memref_squeeze %dma_wait3A_540 : memref<1x256xf32, #tpu.memory_space<vmem>> -> memref<256xf32, #tpu.memory_space<vmem>>
    %dma_wait3A_542 = tpu.memref_slice %arg3[%mul3A_56] : memref<131072xf32, #tpu.memory_space<hbm>> -> memref<256xf32, #tpu.memory_space<hbm>>
    %dma_wait3A_543 = arith.constant 0 : i32
    %dma_wait3A_544 = tpu.memref_slice %arg11[%dma_wait3A_538, %dma_wait3A_543] : memref<16x256xf32, #tpu.memory_space<vmem>> -> memref<1x256xf32, #tpu.memory_space<vmem>>
    %dma_wait3A_545 = tpu.memref_squeeze %dma_wait3A_544 : memref<1x256xf32, #tpu.memory_space<vmem>> -> memref<256xf32, #tpu.memory_space<vmem>>
    %dma_wait3A_546 = tpu.memref_slice %arg3[%mul3A_56] : memref<131072xf32, #tpu.memory_space<hbm>> -> memref<256xf32, #tpu.memory_space<hbm>>
    tpu.wait_dma2 semaphore(%arg18 : memref<!tpu.dma_semaphore, #tpu.memory_space<semaphore_mem>>) src(%dma_wait3A_546 : memref<256xf32, #tpu.memory_space<hbm>>) dst(%dma_wait3A_545 : memref<256xf32, #tpu.memory_space<vmem>>)
    %dma_wait3A_547 = arith.constant 9 : i32
    %dma_wait3A_548 = arith.constant 0 : i32
    %dma_wait3A_549 = tpu.memref_slice %arg10[%dma_wait3A_547, %dma_wait3A_548] : memref<16x64xi32, #tpu.memory_space<vmem>> -> memref<1x64xi32, #tpu.memory_space<vmem>>
    %dma_wait3A_550 = tpu.memref_squeeze %dma_wait3A_549 : memref<1x64xi32, #tpu.memory_space<vmem>> -> memref<64xi32, #tpu.memory_space<vmem>>
    %dma_wait3A_551 = tpu.memref_slice %arg2[%add3A_58] : memref<32768xi32, #tpu.memory_space<hbm>> -> memref<64xi32, #tpu.memory_space<hbm>>
    %dma_wait3A_552 = arith.constant 0 : i32
    %dma_wait3A_553 = tpu.memref_slice %arg10[%dma_wait3A_547, %dma_wait3A_552] : memref<16x64xi32, #tpu.memory_space<vmem>> -> memref<1x64xi32, #tpu.memory_space<vmem>>
    %dma_wait3A_554 = tpu.memref_squeeze %dma_wait3A_553 : memref<1x64xi32, #tpu.memory_space<vmem>> -> memref<64xi32, #tpu.memory_space<vmem>>
    %dma_wait3A_555 = tpu.memref_slice %arg2[%add3A_58] : memref<32768xi32, #tpu.memory_space<hbm>> -> memref<64xi32, #tpu.memory_space<hbm>>
    tpu.wait_dma2 semaphore(%arg18 : memref<!tpu.dma_semaphore, #tpu.memory_space<semaphore_mem>>) src(%dma_wait3A_555 : memref<64xi32, #tpu.memory_space<hbm>>) dst(%dma_wait3A_554 : memref<64xi32, #tpu.memory_space<vmem>>)
    %dma_wait3A_556 = arith.constant 9 : i32
    %dma_wait3A_557 = arith.constant 0 : i32
    %dma_wait3A_558 = tpu.memref_slice %arg11[%dma_wait3A_556, %dma_wait3A_557] : memref<16x256xf32, #tpu.memory_space<vmem>> -> memref<1x256xf32, #tpu.memory_space<vmem>>
    %dma_wait3A_559 = tpu.memref_squeeze %dma_wait3A_558 : memref<1x256xf32, #tpu.memory_space<vmem>> -> memref<256xf32, #tpu.memory_space<vmem>>
    %dma_wait3A_560 = tpu.memref_slice %arg3[%mul3A_62] : memref<131072xf32, #tpu.memory_space<hbm>> -> memref<256xf32, #tpu.memory_space<hbm>>
    %dma_wait3A_561 = arith.constant 0 : i32
    %dma_wait3A_562 = tpu.memref_slice %arg11[%dma_wait3A_556, %dma_wait3A_561] : memref<16x256xf32, #tpu.memory_space<vmem>> -> memref<1x256xf32, #tpu.memory_space<vmem>>
    %dma_wait3A_563 = tpu.memref_squeeze %dma_wait3A_562 : memref<1x256xf32, #tpu.memory_space<vmem>> -> memref<256xf32, #tpu.memory_space<vmem>>
    %dma_wait3A_564 = tpu.memref_slice %arg3[%mul3A_62] : memref<131072xf32, #tpu.memory_space<hbm>> -> memref<256xf32, #tpu.memory_space<hbm>>
    tpu.wait_dma2 semaphore(%arg18 : memref<!tpu.dma_semaphore, #tpu.memory_space<semaphore_mem>>) src(%dma_wait3A_564 : memref<256xf32, #tpu.memory_space<hbm>>) dst(%dma_wait3A_563 : memref<256xf32, #tpu.memory_space<vmem>>)
    %dma_wait3A_565 = arith.constant 10 : i32
    %dma_wait3A_566 = arith.constant 0 : i32
    %dma_wait3A_567 = tpu.memref_slice %arg10[%dma_wait3A_565, %dma_wait3A_566] : memref<16x64xi32, #tpu.memory_space<vmem>> -> memref<1x64xi32, #tpu.memory_space<vmem>>
    %dma_wait3A_568 = tpu.memref_squeeze %dma_wait3A_567 : memref<1x64xi32, #tpu.memory_space<vmem>> -> memref<64xi32, #tpu.memory_space<vmem>>
    %dma_wait3A_569 = tpu.memref_slice %arg2[%add3A_64] : memref<32768xi32, #tpu.memory_space<hbm>> -> memref<64xi32, #tpu.memory_space<hbm>>
    %dma_wait3A_570 = arith.constant 0 : i32
    %dma_wait3A_571 = tpu.memref_slice %arg10[%dma_wait3A_565, %dma_wait3A_570] : memref<16x64xi32, #tpu.memory_space<vmem>> -> memref<1x64xi32, #tpu.memory_space<vmem>>
    %dma_wait3A_572 = tpu.memref_squeeze %dma_wait3A_571 : memref<1x64xi32, #tpu.memory_space<vmem>> -> memref<64xi32, #tpu.memory_space<vmem>>
    %dma_wait3A_573 = tpu.memref_slice %arg2[%add3A_64] : memref<32768xi32, #tpu.memory_space<hbm>> -> memref<64xi32, #tpu.memory_space<hbm>>
    tpu.wait_dma2 semaphore(%arg18 : memref<!tpu.dma_semaphore, #tpu.memory_space<semaphore_mem>>) src(%dma_wait3A_573 : memref<64xi32, #tpu.memory_space<hbm>>) dst(%dma_wait3A_572 : memref<64xi32, #tpu.memory_space<vmem>>)
    %dma_wait3A_574 = arith.constant 10 : i32
    %dma_wait3A_575 = arith.constant 0 : i32
    %dma_wait3A_576 = tpu.memref_slice %arg11[%dma_wait3A_574, %dma_wait3A_575] : memref<16x256xf32, #tpu.memory_space<vmem>> -> memref<1x256xf32, #tpu.memory_space<vmem>>
    %dma_wait3A_577 = tpu.memref_squeeze %dma_wait3A_576 : memref<1x256xf32, #tpu.memory_space<vmem>> -> memref<256xf32, #tpu.memory_space<vmem>>
    %dma_wait3A_578 = tpu.memref_slice %arg3[%mul3A_68] : memref<131072xf32, #tpu.memory_space<hbm>> -> memref<256xf32, #tpu.memory_space<hbm>>
    %dma_wait3A_579 = arith.constant 0 : i32
    %dma_wait3A_580 = tpu.memref_slice %arg11[%dma_wait3A_574, %dma_wait3A_579] : memref<16x256xf32, #tpu.memory_space<vmem>> -> memref<1x256xf32, #tpu.memory_space<vmem>>
    %dma_wait3A_581 = tpu.memref_squeeze %dma_wait3A_580 : memref<1x256xf32, #tpu.memory_space<vmem>> -> memref<256xf32, #tpu.memory_space<vmem>>
    %dma_wait3A_582 = tpu.memref_slice %arg3[%mul3A_68] : memref<131072xf32, #tpu.memory_space<hbm>> -> memref<256xf32, #tpu.memory_space<hbm>>
    tpu.wait_dma2 semaphore(%arg18 : memref<!tpu.dma_semaphore, #tpu.memory_space<semaphore_mem>>) src(%dma_wait3A_582 : memref<256xf32, #tpu.memory_space<hbm>>) dst(%dma_wait3A_581 : memref<256xf32, #tpu.memory_space<vmem>>)
    %dma_wait3A_583 = arith.constant 11 : i32
    %dma_wait3A_584 = arith.constant 0 : i32
    %dma_wait3A_585 = tpu.memref_slice %arg10[%dma_wait3A_583, %dma_wait3A_584] : memref<16x64xi32, #tpu.memory_space<vmem>> -> memref<1x64xi32, #tpu.memory_space<vmem>>
    %dma_wait3A_586 = tpu.memref_squeeze %dma_wait3A_585 : memref<1x64xi32, #tpu.memory_space<vmem>> -> memref<64xi32, #tpu.memory_space<vmem>>
    %dma_wait3A_587 = tpu.memref_slice %arg2[%add3A_70] : memref<32768xi32, #tpu.memory_space<hbm>> -> memref<64xi32, #tpu.memory_space<hbm>>
    %dma_wait3A_588 = arith.constant 0 : i32
    %dma_wait3A_589 = tpu.memref_slice %arg10[%dma_wait3A_583, %dma_wait3A_588] : memref<16x64xi32, #tpu.memory_space<vmem>> -> memref<1x64xi32, #tpu.memory_space<vmem>>
    %dma_wait3A_590 = tpu.memref_squeeze %dma_wait3A_589 : memref<1x64xi32, #tpu.memory_space<vmem>> -> memref<64xi32, #tpu.memory_space<vmem>>
    %dma_wait3A_591 = tpu.memref_slice %arg2[%add3A_70] : memref<32768xi32, #tpu.memory_space<hbm>> -> memref<64xi32, #tpu.memory_space<hbm>>
    tpu.wait_dma2 semaphore(%arg18 : memref<!tpu.dma_semaphore, #tpu.memory_space<semaphore_mem>>) src(%dma_wait3A_591 : memref<64xi32, #tpu.memory_space<hbm>>) dst(%dma_wait3A_590 : memref<64xi32, #tpu.memory_space<vmem>>)
    %dma_wait3A_592 = arith.constant 11 : i32
    %dma_wait3A_593 = arith.constant 0 : i32
    %dma_wait3A_594 = tpu.memref_slice %arg11[%dma_wait3A_592, %dma_wait3A_593] : memref<16x256xf32, #tpu.memory_space<vmem>> -> memref<1x256xf32, #tpu.memory_space<vmem>>
    %dma_wait3A_595 = tpu.memref_squeeze %dma_wait3A_594 : memref<1x256xf32, #tpu.memory_space<vmem>> -> memref<256xf32, #tpu.memory_space<vmem>>
    %dma_wait3A_596 = tpu.memref_slice %arg3[%mul3A_74] : memref<131072xf32, #tpu.memory_space<hbm>> -> memref<256xf32, #tpu.memory_space<hbm>>
    %dma_wait3A_597 = arith.constant 0 : i32
    %dma_wait3A_598 = tpu.memref_slice %arg11[%dma_wait3A_592, %dma_wait3A_597] : memref<16x256xf32, #tpu.memory_space<vmem>> -> memref<1x256xf32, #tpu.memory_space<vmem>>
    %dma_wait3A_599 = tpu.memref_squeeze %dma_wait3A_598 : memref<1x256xf32, #tpu.memory_space<vmem>> -> memref<256xf32, #tpu.memory_space<vmem>>
    %dma_wait3A_600 = tpu.memref_slice %arg3[%mul3A_74] : memref<131072xf32, #tpu.memory_space<hbm>> -> memref<256xf32, #tpu.memory_space<hbm>>
    tpu.wait_dma2 semaphore(%arg18 : memref<!tpu.dma_semaphore, #tpu.memory_space<semaphore_mem>>) src(%dma_wait3A_600 : memref<256xf32, #tpu.memory_space<hbm>>) dst(%dma_wait3A_599 : memref<256xf32, #tpu.memory_space<vmem>>)
    %dma_wait3A_601 = arith.constant 12 : i32
    %dma_wait3A_602 = arith.constant 0 : i32
    %dma_wait3A_603 = tpu.memref_slice %arg10[%dma_wait3A_601, %dma_wait3A_602] : memref<16x64xi32, #tpu.memory_space<vmem>> -> memref<1x64xi32, #tpu.memory_space<vmem>>
    %dma_wait3A_604 = tpu.memref_squeeze %dma_wait3A_603 : memref<1x64xi32, #tpu.memory_space<vmem>> -> memref<64xi32, #tpu.memory_space<vmem>>
    %dma_wait3A_605 = tpu.memref_slice %arg2[%add3A_76] : memref<32768xi32, #tpu.memory_space<hbm>> -> memref<64xi32, #tpu.memory_space<hbm>>
    %dma_wait3A_606 = arith.constant 0 : i32
    %dma_wait3A_607 = tpu.memref_slice %arg10[%dma_wait3A_601, %dma_wait3A_606] : memref<16x64xi32, #tpu.memory_space<vmem>> -> memref<1x64xi32, #tpu.memory_space<vmem>>
    %dma_wait3A_608 = tpu.memref_squeeze %dma_wait3A_607 : memref<1x64xi32, #tpu.memory_space<vmem>> -> memref<64xi32, #tpu.memory_space<vmem>>
    %dma_wait3A_609 = tpu.memref_slice %arg2[%add3A_76] : memref<32768xi32, #tpu.memory_space<hbm>> -> memref<64xi32, #tpu.memory_space<hbm>>
    tpu.wait_dma2 semaphore(%arg18 : memref<!tpu.dma_semaphore, #tpu.memory_space<semaphore_mem>>) src(%dma_wait3A_609 : memref<64xi32, #tpu.memory_space<hbm>>) dst(%dma_wait3A_608 : memref<64xi32, #tpu.memory_space<vmem>>)
    %dma_wait3A_610 = arith.constant 12 : i32
    %dma_wait3A_611 = arith.constant 0 : i32
    %dma_wait3A_612 = tpu.memref_slice %arg11[%dma_wait3A_610, %dma_wait3A_611] : memref<16x256xf32, #tpu.memory_space<vmem>> -> memref<1x256xf32, #tpu.memory_space<vmem>>
    %dma_wait3A_613 = tpu.memref_squeeze %dma_wait3A_612 : memref<1x256xf32, #tpu.memory_space<vmem>> -> memref<256xf32, #tpu.memory_space<vmem>>
    %dma_wait3A_614 = tpu.memref_slice %arg3[%mul3A_80] : memref<131072xf32, #tpu.memory_space<hbm>> -> memref<256xf32, #tpu.memory_space<hbm>>
    %dma_wait3A_615 = arith.constant 0 : i32
    %dma_wait3A_616 = tpu.memref_slice %arg11[%dma_wait3A_610, %dma_wait3A_615] : memref<16x256xf32, #tpu.memory_space<vmem>> -> memref<1x256xf32, #tpu.memory_space<vmem>>
    %dma_wait3A_617 = tpu.memref_squeeze %dma_wait3A_616 : memref<1x256xf32, #tpu.memory_space<vmem>> -> memref<256xf32, #tpu.memory_space<vmem>>
    %dma_wait3A_618 = tpu.memref_slice %arg3[%mul3A_80] : memref<131072xf32, #tpu.memory_space<hbm>> -> memref<256xf32, #tpu.memory_space<hbm>>
    tpu.wait_dma2 semaphore(%arg18 : memref<!tpu.dma_semaphore, #tpu.memory_space<semaphore_mem>>) src(%dma_wait3A_618 : memref<256xf32, #tpu.memory_space<hbm>>) dst(%dma_wait3A_617 : memref<256xf32, #tpu.memory_space<vmem>>)
    %dma_wait3A_619 = arith.constant 13 : i32
    %dma_wait3A_620 = arith.constant 0 : i32
    %dma_wait3A_621 = tpu.memref_slice %arg10[%dma_wait3A_619, %dma_wait3A_620] : memref<16x64xi32, #tpu.memory_space<vmem>> -> memref<1x64xi32, #tpu.memory_space<vmem>>
    %dma_wait3A_622 = tpu.memref_squeeze %dma_wait3A_621 : memref<1x64xi32, #tpu.memory_space<vmem>> -> memref<64xi32, #tpu.memory_space<vmem>>
    %dma_wait3A_623 = tpu.memref_slice %arg2[%add3A_82] : memref<32768xi32, #tpu.memory_space<hbm>> -> memref<64xi32, #tpu.memory_space<hbm>>
    %dma_wait3A_624 = arith.constant 0 : i32
    %dma_wait3A_625 = tpu.memref_slice %arg10[%dma_wait3A_619, %dma_wait3A_624] : memref<16x64xi32, #tpu.memory_space<vmem>> -> memref<1x64xi32, #tpu.memory_space<vmem>>
    %dma_wait3A_626 = tpu.memref_squeeze %dma_wait3A_625 : memref<1x64xi32, #tpu.memory_space<vmem>> -> memref<64xi32, #tpu.memory_space<vmem>>
    %dma_wait3A_627 = tpu.memref_slice %arg2[%add3A_82] : memref<32768xi32, #tpu.memory_space<hbm>> -> memref<64xi32, #tpu.memory_space<hbm>>
    tpu.wait_dma2 semaphore(%arg18 : memref<!tpu.dma_semaphore, #tpu.memory_space<semaphore_mem>>) src(%dma_wait3A_627 : memref<64xi32, #tpu.memory_space<hbm>>) dst(%dma_wait3A_626 : memref<64xi32, #tpu.memory_space<vmem>>)
    %dma_wait3A_628 = arith.constant 13 : i32
    %dma_wait3A_629 = arith.constant 0 : i32
    %dma_wait3A_630 = tpu.memref_slice %arg11[%dma_wait3A_628, %dma_wait3A_629] : memref<16x256xf32, #tpu.memory_space<vmem>> -> memref<1x256xf32, #tpu.memory_space<vmem>>
    %dma_wait3A_631 = tpu.memref_squeeze %dma_wait3A_630 : memref<1x256xf32, #tpu.memory_space<vmem>> -> memref<256xf32, #tpu.memory_space<vmem>>
    %dma_wait3A_632 = tpu.memref_slice %arg3[%mul3A_86] : memref<131072xf32, #tpu.memory_space<hbm>> -> memref<256xf32, #tpu.memory_space<hbm>>
    %dma_wait3A_633 = arith.constant 0 : i32
    %dma_wait3A_634 = tpu.memref_slice %arg11[%dma_wait3A_628, %dma_wait3A_633] : memref<16x256xf32, #tpu.memory_space<vmem>> -> memref<1x256xf32, #tpu.memory_space<vmem>>
    %dma_wait3A_635 = tpu.memref_squeeze %dma_wait3A_634 : memref<1x256xf32, #tpu.memory_space<vmem>> -> memref<256xf32, #tpu.memory_space<vmem>>
    %dma_wait3A_636 = tpu.memref_slice %arg3[%mul3A_86] : memref<131072xf32, #tpu.memory_space<hbm>> -> memref<256xf32, #tpu.memory_space<hbm>>
    tpu.wait_dma2 semaphore(%arg18 : memref<!tpu.dma_semaphore, #tpu.memory_space<semaphore_mem>>) src(%dma_wait3A_636 : memref<256xf32, #tpu.memory_space<hbm>>) dst(%dma_wait3A_635 : memref<256xf32, #tpu.memory_space<vmem>>)
    %dma_wait3A_637 = arith.constant 14 : i32
    %dma_wait3A_638 = arith.constant 0 : i32
    %dma_wait3A_639 = tpu.memref_slice %arg10[%dma_wait3A_637, %dma_wait3A_638] : memref<16x64xi32, #tpu.memory_space<vmem>> -> memref<1x64xi32, #tpu.memory_space<vmem>>
    %dma_wait3A_640 = tpu.memref_squeeze %dma_wait3A_639 : memref<1x64xi32, #tpu.memory_space<vmem>> -> memref<64xi32, #tpu.memory_space<vmem>>
    %dma_wait3A_641 = tpu.memref_slice %arg2[%add3A_88] : memref<32768xi32, #tpu.memory_space<hbm>> -> memref<64xi32, #tpu.memory_space<hbm>>
    %dma_wait3A_642 = arith.constant 0 : i32
    %dma_wait3A_643 = tpu.memref_slice %arg10[%dma_wait3A_637, %dma_wait3A_642] : memref<16x64xi32, #tpu.memory_space<vmem>> -> memref<1x64xi32, #tpu.memory_space<vmem>>
    %dma_wait3A_644 = tpu.memref_squeeze %dma_wait3A_643 : memref<1x64xi32, #tpu.memory_space<vmem>> -> memref<64xi32, #tpu.memory_space<vmem>>
    %dma_wait3A_645 = tpu.memref_slice %arg2[%add3A_88] : memref<32768xi32, #tpu.memory_space<hbm>> -> memref<64xi32, #tpu.memory_space<hbm>>
    tpu.wait_dma2 semaphore(%arg18 : memref<!tpu.dma_semaphore, #tpu.memory_space<semaphore_mem>>) src(%dma_wait3A_645 : memref<64xi32, #tpu.memory_space<hbm>>) dst(%dma_wait3A_644 : memref<64xi32, #tpu.memory_space<vmem>>)
    %dma_wait3A_646 = arith.constant 14 : i32
    %dma_wait3A_647 = arith.constant 0 : i32
    %dma_wait3A_648 = tpu.memref_slice %arg11[%dma_wait3A_646, %dma_wait3A_647] : memref<16x256xf32, #tpu.memory_space<vmem>> -> memref<1x256xf32, #tpu.memory_space<vmem>>
    %dma_wait3A_649 = tpu.memref_squeeze %dma_wait3A_648 : memref<1x256xf32, #tpu.memory_space<vmem>> -> memref<256xf32, #tpu.memory_space<vmem>>
    %dma_wait3A_650 = tpu.memref_slice %arg3[%mul3A_92] : memref<131072xf32, #tpu.memory_space<hbm>> -> memref<256xf32, #tpu.memory_space<hbm>>
    %dma_wait3A_651 = arith.constant 0 : i32
    %dma_wait3A_652 = tpu.memref_slice %arg11[%dma_wait3A_646, %dma_wait3A_651] : memref<16x256xf32, #tpu.memory_space<vmem>> -> memref<1x256xf32, #tpu.memory_space<vmem>>
    %dma_wait3A_653 = tpu.memref_squeeze %dma_wait3A_652 : memref<1x256xf32, #tpu.memory_space<vmem>> -> memref<256xf32, #tpu.memory_space<vmem>>
    %dma_wait3A_654 = tpu.memref_slice %arg3[%mul3A_92] : memref<131072xf32, #tpu.memory_space<hbm>> -> memref<256xf32, #tpu.memory_space<hbm>>
    tpu.wait_dma2 semaphore(%arg18 : memref<!tpu.dma_semaphore, #tpu.memory_space<semaphore_mem>>) src(%dma_wait3A_654 : memref<256xf32, #tpu.memory_space<hbm>>) dst(%dma_wait3A_653 : memref<256xf32, #tpu.memory_space<vmem>>)
    %dma_wait3A_655 = arith.constant 15 : i32
    %dma_wait3A_656 = arith.constant 0 : i32
    %dma_wait3A_657 = tpu.memref_slice %arg10[%dma_wait3A_655, %dma_wait3A_656] : memref<16x64xi32, #tpu.memory_space<vmem>> -> memref<1x64xi32, #tpu.memory_space<vmem>>
    %dma_wait3A_658 = tpu.memref_squeeze %dma_wait3A_657 : memref<1x64xi32, #tpu.memory_space<vmem>> -> memref<64xi32, #tpu.memory_space<vmem>>
    %dma_wait3A_659 = tpu.memref_slice %arg2[%add3A_94] : memref<32768xi32, #tpu.memory_space<hbm>> -> memref<64xi32, #tpu.memory_space<hbm>>
    %dma_wait3A_660 = arith.constant 0 : i32
    %dma_wait3A_661 = tpu.memref_slice %arg10[%dma_wait3A_655, %dma_wait3A_660] : memref<16x64xi32, #tpu.memory_space<vmem>> -> memref<1x64xi32, #tpu.memory_space<vmem>>
    %dma_wait3A_662 = tpu.memref_squeeze %dma_wait3A_661 : memref<1x64xi32, #tpu.memory_space<vmem>> -> memref<64xi32, #tpu.memory_space<vmem>>
    %dma_wait3A_663 = tpu.memref_slice %arg2[%add3A_94] : memref<32768xi32, #tpu.memory_space<hbm>> -> memref<64xi32, #tpu.memory_space<hbm>>
    tpu.wait_dma2 semaphore(%arg18 : memref<!tpu.dma_semaphore, #tpu.memory_space<semaphore_mem>>) src(%dma_wait3A_663 : memref<64xi32, #tpu.memory_space<hbm>>) dst(%dma_wait3A_662 : memref<64xi32, #tpu.memory_space<vmem>>)
    %dma_wait3A_664 = arith.constant 15 : i32
    %dma_wait3A_665 = arith.constant 0 : i32
    %dma_wait3A_666 = tpu.memref_slice %arg11[%dma_wait3A_664, %dma_wait3A_665] : memref<16x256xf32, #tpu.memory_space<vmem>> -> memref<1x256xf32, #tpu.memory_space<vmem>>
    %dma_wait3A_667 = tpu.memref_squeeze %dma_wait3A_666 : memref<1x256xf32, #tpu.memory_space<vmem>> -> memref<256xf32, #tpu.memory_space<vmem>>
    %dma_wait3A_668 = tpu.memref_slice %arg3[%mul3A_98] : memref<131072xf32, #tpu.memory_space<hbm>> -> memref<256xf32, #tpu.memory_space<hbm>>
    %dma_wait3A_669 = arith.constant 0 : i32
    %dma_wait3A_670 = tpu.memref_slice %arg11[%dma_wait3A_664, %dma_wait3A_669] : memref<16x256xf32, #tpu.memory_space<vmem>> -> memref<1x256xf32, #tpu.memory_space<vmem>>
    %dma_wait3A_671 = tpu.memref_squeeze %dma_wait3A_670 : memref<1x256xf32, #tpu.memory_space<vmem>> -> memref<256xf32, #tpu.memory_space<vmem>>
    %dma_wait3A_672 = tpu.memref_slice %arg3[%mul3A_98] : memref<131072xf32, #tpu.memory_space<hbm>> -> memref<256xf32, #tpu.memory_space<hbm>>
    tpu.wait_dma2 semaphore(%arg18 : memref<!tpu.dma_semaphore, #tpu.memory_space<semaphore_mem>>) src(%dma_wait3A_672 : memref<256xf32, #tpu.memory_space<hbm>>) dst(%dma_wait3A_671 : memref<256xf32, #tpu.memory_space<vmem>>)
    %get3A = arith.constant 0 : index
    %get3A_673 = tpu.vector_load %arg8[%get3A] {strides = array<i32>} : memref<16xi32, #tpu.memory_space<vmem>>, vector<16xi32>,
    %iota3A = tpu.iota {dimensions = array<i32: 0>} : vector<16xi32>
    %mul3A_674 = arith.constant 16 : i32
    %mul3A_675 = vector.broadcast %mul3A_674 : i32 to vector<16xi32>
    %mul3A_676 = arith.muli %get3A_673, %mul3A_675 : vector<16xi32>
    %sub3A = arith.subi %iota3A, %mul3A_676 : vector<16xi32>
    %masked_sort3A = arith.constant dense<true> : vector<16xi1>
    %masked_sort3A_677 = arith.constant -2147483648 : i32
    %masked_sort3A_678 = vector.broadcast %masked_sort3A_677 : i32 to vector<16xi32>
    %masked_sort3A_679 = arith.xori %sub3A, %masked_sort3A_678 : vector<16xi32>
    %masked_sort3A_680, %masked_sort3A_681, %masked_sort3A_682 = tpu.sort %masked_sort3A_679, %iota3A masked %masked_sort3A : (vector<16xi32>, vector<16xi32>, vector<16xi1>) -> (vector<16xi1>, vector<16xi32>, vector<16xi32>)
    %masked_sort3A_683 = arith.xori %masked_sort3A_681, %masked_sort3A_678 : vector<16xi32>
    %gather3A = tpu.vector_load_idx %arg8[%masked_sort3A_682] : memref<16xi32, #tpu.memory_space<vmem>>[vector<16xi32>], vector<16xi32>,
    %broadcast_in_dim3A = arith.constant 0 : i32
    %broadcast_in_dim3A_684 = vector.broadcast %broadcast_in_dim3A : i32 to vector<16xi32>
    %swap3A = arith.constant 0 : i32
    %swap3A_685 = arith.index_cast %swap3A : i32 to index
    %swap3A_686 = arith.constant 0 : index
    %swap3A_687 = tpu.vector_load %arg13[%swap3A_685, %swap3A_686] {strides = array<i32>} : memref<16x64xi32, #tpu.memory_space<vmem>>, vector<16xi32>,
    tpu.vector_store %arg13[%swap3A_685, %swap3A_686], %broadcast_in_dim3A_684 {strides = array<i32>} : memref<16x64xi32, #tpu.memory_space<vmem>>, vector<16xi32>,
    %swap3A_688 = arith.constant 0 : i32
    %swap3A_689 = arith.index_cast %swap3A_688 : i32 to index
    %swap3A_690 = arith.constant 16 : index
    %swap3A_691 = tpu.vector_load %arg13[%swap3A_689, %swap3A_690] {strides = array<i32>} : memref<16x64xi32, #tpu.memory_space<vmem>>, vector<16xi32>,
    tpu.vector_store %arg13[%swap3A_689, %swap3A_690], %broadcast_in_dim3A_684 {strides = array<i32>} : memref<16x64xi32, #tpu.memory_space<vmem>>, vector<16xi32>,
    %swap3A_692 = arith.constant 0 : i32
    %swap3A_693 = arith.index_cast %swap3A_692 : i32 to index
    %swap3A_694 = arith.constant 32 : index
    %swap3A_695 = tpu.vector_load %arg13[%swap3A_693, %swap3A_694] {strides = array<i32>} : memref<16x64xi32, #tpu.memory_space<vmem>>, vector<16xi32>,
    tpu.vector_store %arg13[%swap3A_693, %swap3A_694], %broadcast_in_dim3A_684 {strides = array<i32>} : memref<16x64xi32, #tpu.memory_space<vmem>>, vector<16xi32>,
    %swap3A_696 = arith.constant 0 : i32
    %swap3A_697 = arith.index_cast %swap3A_696 : i32 to index
    %swap3A_698 = arith.constant 48 : index
    %swap3A_699 = tpu.vector_load %arg13[%swap3A_697, %swap3A_698] {strides = array<i32>} : memref<16x64xi32, #tpu.memory_space<vmem>>, vector<16xi32>,
    tpu.vector_store %arg13[%swap3A_697, %swap3A_698], %broadcast_in_dim3A_684 {strides = array<i32>} : memref<16x64xi32, #tpu.memory_space<vmem>>, vector<16xi32>,
    %swap3A_700 = arith.constant 1 : i32
    %swap3A_701 = arith.index_cast %swap3A_700 : i32 to index
    %swap3A_702 = arith.constant 0 : index
    %swap3A_703 = tpu.vector_load %arg13[%swap3A_701, %swap3A_702] {strides = array<i32>} : memref<16x64xi32, #tpu.memory_space<vmem>>, vector<16xi32>,
    tpu.vector_store %arg13[%swap3A_701, %swap3A_702], %broadcast_in_dim3A_684 {strides = array<i32>} : memref<16x64xi32, #tpu.memory_space<vmem>>, vector<16xi32>,
    %swap3A_704 = arith.constant 1 : i32
    %swap3A_705 = arith.index_cast %swap3A_704 : i32 to index
    %swap3A_706 = arith.constant 16 : index
    %swap3A_707 = tpu.vector_load %arg13[%swap3A_705, %swap3A_706] {strides = array<i32>} : memref<16x64xi32, #tpu.memory_space<vmem>>, vector<16xi32>,
    tpu.vector_store %arg13[%swap3A_705, %swap3A_706], %broadcast_in_dim3A_684 {strides = array<i32>} : memref<16x64xi32, #tpu.memory_space<vmem>>, vector<16xi32>,
    %swap3A_708 = arith.constant 1 : i32
    %swap3A_709 = arith.index_cast %swap3A_708 : i32 to index
    %swap3A_710 = arith.constant 32 : index
    %swap3A_711 = tpu.vector_load %arg13[%swap3A_709, %swap3A_710] {strides = array<i32>} : memref<16x64xi32, #tpu.memory_space<vmem>>, vector<16xi32>,
    tpu.vector_store %arg13[%swap3A_709, %swap3A_710], %broadcast_in_dim3A_684 {strides = array<i32>} : memref<16x64xi32, #tpu.memory_space<vmem>>, vector<16xi32>,
    %swap3A_712 = arith.constant 1 : i32
    %swap3A_713 = arith.index_cast %swap3A_712 : i32 to index
    %swap3A_714 = arith.constant 48 : index
    %swap3A_715 = tpu.vector_load %arg13[%swap3A_713, %swap3A_714] {strides = array<i32>} : memref<16x64xi32, #tpu.memory_space<vmem>>, vector<16xi32>,
    tpu.vector_store %arg13[%swap3A_713, %swap3A_714], %broadcast_in_dim3A_684 {strides = array<i32>} : memref<16x64xi32, #tpu.memory_space<vmem>>, vector<16xi32>,
    %swap3A_716 = arith.constant 2 : i32
    %swap3A_717 = arith.index_cast %swap3A_716 : i32 to index
    %swap3A_718 = arith.constant 0 : index
    %swap3A_719 = tpu.vector_load %arg13[%swap3A_717, %swap3A_718] {strides = array<i32>} : memref<16x64xi32, #tpu.memory_space<vmem>>, vector<16xi32>,
    tpu.vector_store %arg13[%swap3A_717, %swap3A_718], %broadcast_in_dim3A_684 {strides = array<i32>} : memref<16x64xi32, #tpu.memory_space<vmem>>, vector<16xi32>,
    %swap3A_720 = arith.constant 2 : i32
    %swap3A_721 = arith.index_cast %swap3A_720 : i32 to index
    %swap3A_722 = arith.constant 16 : index
    %swap3A_723 = tpu.vector_load %arg13[%swap3A_721, %swap3A_722] {strides = array<i32>} : memref<16x64xi32, #tpu.memory_space<vmem>>, vector<16xi32>,
    tpu.vector_store %arg13[%swap3A_721, %swap3A_722], %broadcast_in_dim3A_684 {strides = array<i32>} : memref<16x64xi32, #tpu.memory_space<vmem>>, vector<16xi32>,
    %swap3A_724 = arith.constant 2 : i32
    %swap3A_725 = arith.index_cast %swap3A_724 : i32 to index
    %swap3A_726 = arith.constant 32 : index
    %swap3A_727 = tpu.vector_load %arg13[%swap3A_725, %swap3A_726] {strides = array<i32>} : memref<16x64xi32, #tpu.memory_space<vmem>>, vector<16xi32>,
    tpu.vector_store %arg13[%swap3A_725, %swap3A_726], %broadcast_in_dim3A_684 {strides = array<i32>} : memref<16x64xi32, #tpu.memory_space<vmem>>, vector<16xi32>,
    %swap3A_728 = arith.constant 2 : i32
    %swap3A_729 = arith.index_cast %swap3A_728 : i32 to index
    %swap3A_730 = arith.constant 48 : index
    %swap3A_731 = tpu.vector_load %arg13[%swap3A_729, %swap3A_730] {strides = array<i32>} : memref<16x64xi32, #tpu.memory_space<vmem>>, vector<16xi32>,
    tpu.vector_store %arg13[%swap3A_729, %swap3A_730], %broadcast_in_dim3A_684 {strides = array<i32>} : memref<16x64xi32, #tpu.memory_space<vmem>>, vector<16xi32>,
    %swap3A_732 = arith.constant 3 : i32
    %swap3A_733 = arith.index_cast %swap3A_732 : i32 to index
    %swap3A_734 = arith.constant 0 : index
    %swap3A_735 = tpu.vector_load %arg13[%swap3A_733, %swap3A_734] {strides = array<i32>} : memref<16x64xi32, #tpu.memory_space<vmem>>, vector<16xi32>,
    tpu.vector_store %arg13[%swap3A_733, %swap3A_734], %broadcast_in_dim3A_684 {strides = array<i32>} : memref<16x64xi32, #tpu.memory_space<vmem>>, vector<16xi32>,
    %swap3A_736 = arith.constant 3 : i32
    %swap3A_737 = arith.index_cast %swap3A_736 : i32 to index
    %swap3A_738 = arith.constant 16 : index
    %swap3A_739 = tpu.vector_load %arg13[%swap3A_737, %swap3A_738] {strides = array<i32>} : memref<16x64xi32, #tpu.memory_space<vmem>>, vector<16xi32>,
    tpu.vector_store %arg13[%swap3A_737, %swap3A_738], %broadcast_in_dim3A_684 {strides = array<i32>} : memref<16x64xi32, #tpu.memory_space<vmem>>, vector<16xi32>,
    %swap3A_740 = arith.constant 3 : i32
    %swap3A_741 = arith.index_cast %swap3A_740 : i32 to index
    %swap3A_742 = arith.constant 32 : index
    %swap3A_743 = tpu.vector_load %arg13[%swap3A_741, %swap3A_742] {strides = array<i32>} : memref<16x64xi32, #tpu.memory_space<vmem>>, vector<16xi32>,
    tpu.vector_store %arg13[%swap3A_741, %swap3A_742], %broadcast_in_dim3A_684 {strides = array<i32>} : memref<16x64xi32, #tpu.memory_space<vmem>>, vector<16xi32>,
    %swap3A_744 = arith.constant 3 : i32
    %swap3A_745 = arith.index_cast %swap3A_744 : i32 to index
    %swap3A_746 = arith.constant 48 : index
    %swap3A_747 = tpu.vector_load %arg13[%swap3A_745, %swap3A_746] {strides = array<i32>} : memref<16x64xi32, #tpu.memory_space<vmem>>, vector<16xi32>,
    tpu.vector_store %arg13[%swap3A_745, %swap3A_746], %broadcast_in_dim3A_684 {strides = array<i32>} : memref<16x64xi32, #tpu.memory_space<vmem>>, vector<16xi32>,
    %swap3A_748 = arith.constant 4 : i32
    %swap3A_749 = arith.index_cast %swap3A_748 : i32 to index
    %swap3A_750 = arith.constant 0 : index
    %swap3A_751 = tpu.vector_load %arg13[%swap3A_749, %swap3A_750] {strides = array<i32>} : memref<16x64xi32, #tpu.memory_space<vmem>>, vector<16xi32>,
    tpu.vector_store %arg13[%swap3A_749, %swap3A_750], %broadcast_in_dim3A_684 {strides = array<i32>} : memref<16x64xi32, #tpu.memory_space<vmem>>, vector<16xi32>,
    %swap3A_752 = arith.constant 4 : i32
    %swap3A_753 = arith.index_cast %swap3A_752 : i32 to index
    %swap3A_754 = arith.constant 16 : index
    %swap3A_755 = tpu.vector_load %arg13[%swap3A_753, %swap3A_754] {strides = array<i32>} : memref<16x64xi32, #tpu.memory_space<vmem>>, vector<16xi32>,
    tpu.vector_store %arg13[%swap3A_753, %swap3A_754], %broadcast_in_dim3A_684 {strides = array<i32>} : memref<16x64xi32, #tpu.memory_space<vmem>>, vector<16xi32>,
    %swap3A_756 = arith.constant 4 : i32
    %swap3A_757 = arith.index_cast %swap3A_756 : i32 to index
    %swap3A_758 = arith.constant 32 : index
    %swap3A_759 = tpu.vector_load %arg13[%swap3A_757, %swap3A_758] {strides = array<i32>} : memref<16x64xi32, #tpu.memory_space<vmem>>, vector<16xi32>,
    tpu.vector_store %arg13[%swap3A_757, %swap3A_758], %broadcast_in_dim3A_684 {strides = array<i32>} : memref<16x64xi32, #tpu.memory_space<vmem>>, vector<16xi32>,
    %swap3A_760 = arith.constant 4 : i32
    %swap3A_761 = arith.index_cast %swap3A_760 : i32 to index
    %swap3A_762 = arith.constant 48 : index
    %swap3A_763 = tpu.vector_load %arg13[%swap3A_761, %swap3A_762] {strides = array<i32>} : memref<16x64xi32, #tpu.memory_space<vmem>>, vector<16xi32>,
    tpu.vector_store %arg13[%swap3A_761, %swap3A_762], %broadcast_in_dim3A_684 {strides = array<i32>} : memref<16x64xi32, #tpu.memory_space<vmem>>, vector<16xi32>,
    %swap3A_764 = arith.constant 5 : i32
    %swap3A_765 = arith.index_cast %swap3A_764 : i32 to index
    %swap3A_766 = arith.constant 0 : index
    %swap3A_767 = tpu.vector_load %arg13[%swap3A_765, %swap3A_766] {strides = array<i32>} : memref<16x64xi32, #tpu.memory_space<vmem>>, vector<16xi32>,
    tpu.vector_store %arg13[%swap3A_765, %swap3A_766], %broadcast_in_dim3A_684 {strides = array<i32>} : memref<16x64xi32, #tpu.memory_space<vmem>>, vector<16xi32>,
    %swap3A_768 = arith.constant 5 : i32
    %swap3A_769 = arith.index_cast %swap3A_768 : i32 to index
    %swap3A_770 = arith.constant 16 : index
    %swap3A_771 = tpu.vector_load %arg13[%swap3A_769, %swap3A_770] {strides = array<i32>} : memref<16x64xi32, #tpu.memory_space<vmem>>, vector<16xi32>,
    tpu.vector_store %arg13[%swap3A_769, %swap3A_770], %broadcast_in_dim3A_684 {strides = array<i32>} : memref<16x64xi32, #tpu.memory_space<vmem>>, vector<16xi32>,
    %swap3A_772 = arith.constant 5 : i32
    %swap3A_773 = arith.index_cast %swap3A_772 : i32 to index
    %swap3A_774 = arith.constant 32 : index
    %swap3A_775 = tpu.vector_load %arg13[%swap3A_773, %swap3A_774] {strides = array<i32>} : memref<16x64xi32, #tpu.memory_space<vmem>>, vector<16xi32>,
    tpu.vector_store %arg13[%swap3A_773, %swap3A_774], %broadcast_in_dim3A_684 {strides = array<i32>} : memref<16x64xi32, #tpu.memory_space<vmem>>, vector<16xi32>,
    %swap3A_776 = arith.constant 5 : i32
    %swap3A_777 = arith.index_cast %swap3A_776 : i32 to index
    %swap3A_778 = arith.constant 48 : index
    %swap3A_779 = tpu.vector_load %arg13[%swap3A_777, %swap3A_778] {strides = array<i32>} : memref<16x64xi32, #tpu.memory_space<vmem>>, vector<16xi32>,
    tpu.vector_store %arg13[%swap3A_777, %swap3A_778], %broadcast_in_dim3A_684 {strides = array<i32>} : memref<16x64xi32, #tpu.memory_space<vmem>>, vector<16xi32>,
    %swap3A_780 = arith.constant 6 : i32
    %swap3A_781 = arith.index_cast %swap3A_780 : i32 to index
    %swap3A_782 = arith.constant 0 : index
    %swap3A_783 = tpu.vector_load %arg13[%swap3A_781, %swap3A_782] {strides = array<i32>} : memref<16x64xi32, #tpu.memory_space<vmem>>, vector<16xi32>,
    tpu.vector_store %arg13[%swap3A_781, %swap3A_782], %broadcast_in_dim3A_684 {strides = array<i32>} : memref<16x64xi32, #tpu.memory_space<vmem>>, vector<16xi32>,
    %swap3A_784 = arith.constant 6 : i32
    %swap3A_785 = arith.index_cast %swap3A_784 : i32 to index
    %swap3A_786 = arith.constant 16 : index
    %swap3A_787 = tpu.vector_load %arg13[%swap3A_785, %swap3A_786] {strides = array<i32>} : memref<16x64xi32, #tpu.memory_space<vmem>>, vector<16xi32>,
    tpu.vector_store %arg13[%swap3A_785, %swap3A_786], %broadcast_in_dim3A_684 {strides = array<i32>} : memref<16x64xi32, #tpu.memory_space<vmem>>, vector<16xi32>,
    %swap3A_788 = arith.constant 6 : i32
    %swap3A_789 = arith.index_cast %swap3A_788 : i32 to index
    %swap3A_790 = arith.constant 32 : index
    %swap3A_791 = tpu.vector_load %arg13[%swap3A_789, %swap3A_790] {strides = array<i32>} : memref<16x64xi32, #tpu.memory_space<vmem>>, vector<16xi32>,
    tpu.vector_store %arg13[%swap3A_789, %swap3A_790], %broadcast_in_dim3A_684 {strides = array<i32>} : memref<16x64xi32, #tpu.memory_space<vmem>>, vector<16xi32>,
    %swap3A_792 = arith.constant 6 : i32
    %swap3A_793 = arith.index_cast %swap3A_792 : i32 to index
    %swap3A_794 = arith.constant 48 : index
    %swap3A_795 = tpu.vector_load %arg13[%swap3A_793, %swap3A_794] {strides = array<i32>} : memref<16x64xi32, #tpu.memory_space<vmem>>, vector<16xi32>,
    tpu.vector_store %arg13[%swap3A_793, %swap3A_794], %broadcast_in_dim3A_684 {strides = array<i32>} : memref<16x64xi32, #tpu.memory_space<vmem>>, vector<16xi32>,
    %swap3A_796 = arith.constant 7 : i32
    %swap3A_797 = arith.index_cast %swap3A_796 : i32 to index
    %swap3A_798 = arith.constant 0 : index
    %swap3A_799 = tpu.vector_load %arg13[%swap3A_797, %swap3A_798] {strides = array<i32>} : memref<16x64xi32, #tpu.memory_space<vmem>>, vector<16xi32>,
    tpu.vector_store %arg13[%swap3A_797, %swap3A_798], %broadcast_in_dim3A_684 {strides = array<i32>} : memref<16x64xi32, #tpu.memory_space<vmem>>, vector<16xi32>,
    %swap3A_800 = arith.constant 7 : i32
    %swap3A_801 = arith.index_cast %swap3A_800 : i32 to index
    %swap3A_802 = arith.constant 16 : index
    %swap3A_803 = tpu.vector_load %arg13[%swap3A_801, %swap3A_802] {strides = array<i32>} : memref<16x64xi32, #tpu.memory_space<vmem>>, vector<16xi32>,
    tpu.vector_store %arg13[%swap3A_801, %swap3A_802], %broadcast_in_dim3A_684 {strides = array<i32>} : memref<16x64xi32, #tpu.memory_space<vmem>>, vector<16xi32>,
    %swap3A_804 = arith.constant 7 : i32
    %swap3A_805 = arith.index_cast %swap3A_804 : i32 to index
    %swap3A_806 = arith.constant 32 : index
    %swap3A_807 = tpu.vector_load %arg13[%swap3A_805, %swap3A_806] {strides = array<i32>} : memref<16x64xi32, #tpu.memory_space<vmem>>, vector<16xi32>,
    tpu.vector_store %arg13[%swap3A_805, %swap3A_806], %broadcast_in_dim3A_684 {strides = array<i32>} : memref<16x64xi32, #tpu.memory_space<vmem>>, vector<16xi32>,
    %swap3A_808 = arith.constant 7 : i32
    %swap3A_809 = arith.index_cast %swap3A_808 : i32 to index
    %swap3A_810 = arith.constant 48 : index
    %swap3A_811 = tpu.vector_load %arg13[%swap3A_809, %swap3A_810] {strides = array<i32>} : memref<16x64xi32, #tpu.memory_space<vmem>>, vector<16xi32>,
    tpu.vector_store %arg13[%swap3A_809, %swap3A_810], %broadcast_in_dim3A_684 {strides = array<i32>} : memref<16x64xi32, #tpu.memory_space<vmem>>, vector<16xi32>,
    %swap3A_812 = arith.constant 8 : i32
    %swap3A_813 = arith.index_cast %swap3A_812 : i32 to index
    %swap3A_814 = arith.constant 0 : index
    %swap3A_815 = tpu.vector_load %arg13[%swap3A_813, %swap3A_814] {strides = array<i32>} : memref<16x64xi32, #tpu.memory_space<vmem>>, vector<16xi32>,
    tpu.vector_store %arg13[%swap3A_813, %swap3A_814], %broadcast_in_dim3A_684 {strides = array<i32>} : memref<16x64xi32, #tpu.memory_space<vmem>>, vector<16xi32>,
    %swap3A_816 = arith.constant 8 : i32
    %swap3A_817 = arith.index_cast %swap3A_816 : i32 to index
    %swap3A_818 = arith.constant 16 : index
    %swap3A_819 = tpu.vector_load %arg13[%swap3A_817, %swap3A_818] {strides = array<i32>} : memref<16x64xi32, #tpu.memory_space<vmem>>, vector<16xi32>,
    tpu.vector_store %arg13[%swap3A_817, %swap3A_818], %broadcast_in_dim3A_684 {strides = array<i32>} : memref<16x64xi32, #tpu.memory_space<vmem>>, vector<16xi32>,
    %swap3A_820 = arith.constant 8 : i32
    %swap3A_821 = arith.index_cast %swap3A_820 : i32 to index
    %swap3A_822 = arith.constant 32 : index
    %swap3A_823 = tpu.vector_load %arg13[%swap3A_821, %swap3A_822] {strides = array<i32>} : memref<16x64xi32, #tpu.memory_space<vmem>>, vector<16xi32>,
    tpu.vector_store %arg13[%swap3A_821, %swap3A_822], %broadcast_in_dim3A_684 {strides = array<i32>} : memref<16x64xi32, #tpu.memory_space<vmem>>, vector<16xi32>,
    %swap3A_824 = arith.constant 8 : i32
    %swap3A_825 = arith.index_cast %swap3A_824 : i32 to index
    %swap3A_826 = arith.constant 48 : index
    %swap3A_827 = tpu.vector_load %arg13[%swap3A_825, %swap3A_826] {strides = array<i32>} : memref<16x64xi32, #tpu.memory_space<vmem>>, vector<16xi32>,
    tpu.vector_store %arg13[%swap3A_825, %swap3A_826], %broadcast_in_dim3A_684 {strides = array<i32>} : memref<16x64xi32, #tpu.memory_space<vmem>>, vector<16xi32>,
    %swap3A_828 = arith.constant 9 : i32
    %swap3A_829 = arith.index_cast %swap3A_828 : i32 to index
    %swap3A_830 = arith.constant 0 : index
    %swap3A_831 = tpu.vector_load %arg13[%swap3A_829, %swap3A_830] {strides = array<i32>} : memref<16x64xi32, #tpu.memory_space<vmem>>, vector<16xi32>,
    tpu.vector_store %arg13[%swap3A_829, %swap3A_830], %broadcast_in_dim3A_684 {strides = array<i32>} : memref<16x64xi32, #tpu.memory_space<vmem>>, vector<16xi32>,
    %swap3A_832 = arith.constant 9 : i32
    %swap3A_833 = arith.index_cast %swap3A_832 : i32 to index
    %swap3A_834 = arith.constant 16 : index
    %swap3A_835 = tpu.vector_load %arg13[%swap3A_833, %swap3A_834] {strides = array<i32>} : memref<16x64xi32, #tpu.memory_space<vmem>>, vector<16xi32>,
    tpu.vector_store %arg13[%swap3A_833, %swap3A_834], %broadcast_in_dim3A_684 {strides = array<i32>} : memref<16x64xi32, #tpu.memory_space<vmem>>, vector<16xi32>,
    %swap3A_836 = arith.constant 9 : i32
    %swap3A_837 = arith.index_cast %swap3A_836 : i32 to index
    %swap3A_838 = arith.constant 32 : index
    %swap3A_839 = tpu.vector_load %arg13[%swap3A_837, %swap3A_838] {strides = array<i32>} : memref<16x64xi32, #tpu.memory_space<vmem>>, vector<16xi32>,
    tpu.vector_store %arg13[%swap3A_837, %swap3A_838], %broadcast_in_dim3A_684 {strides = array<i32>} : memref<16x64xi32, #tpu.memory_space<vmem>>, vector<16xi32>,
    %swap3A_840 = arith.constant 9 : i32
    %swap3A_841 = arith.index_cast %swap3A_840 : i32 to index
    %swap3A_842 = arith.constant 48 : index
    %swap3A_843 = tpu.vector_load %arg13[%swap3A_841, %swap3A_842] {strides = array<i32>} : memref<16x64xi32, #tpu.memory_space<vmem>>, vector<16xi32>,
    tpu.vector_store %arg13[%swap3A_841, %swap3A_842], %broadcast_in_dim3A_684 {strides = array<i32>} : memref<16x64xi32, #tpu.memory_space<vmem>>, vector<16xi32>,
    %swap3A_844 = arith.constant 10 : i32
    %swap3A_845 = arith.index_cast %swap3A_844 : i32 to index
    %swap3A_846 = arith.constant 0 : index
    %swap3A_847 = tpu.vector_load %arg13[%swap3A_845, %swap3A_846] {strides = array<i32>} : memref<16x64xi32, #tpu.memory_space<vmem>>, vector<16xi32>,
    tpu.vector_store %arg13[%swap3A_845, %swap3A_846], %broadcast_in_dim3A_684 {strides = array<i32>} : memref<16x64xi32, #tpu.memory_space<vmem>>, vector<16xi32>,
    %swap3A_848 = arith.constant 10 : i32
    %swap3A_849 = arith.index_cast %swap3A_848 : i32 to index
    %swap3A_850 = arith.constant 16 : index
    %swap3A_851 = tpu.vector_load %arg13[%swap3A_849, %swap3A_850] {strides = array<i32>} : memref<16x64xi32, #tpu.memory_space<vmem>>, vector<16xi32>,
    tpu.vector_store %arg13[%swap3A_849, %swap3A_850], %broadcast_in_dim3A_684 {strides = array<i32>} : memref<16x64xi32, #tpu.memory_space<vmem>>, vector<16xi32>,
    %swap3A_852 = arith.constant 10 : i32
    %swap3A_853 = arith.index_cast %swap3A_852 : i32 to index
    %swap3A_854 = arith.constant 32 : index
    %swap3A_855 = tpu.vector_load %arg13[%swap3A_853, %swap3A_854] {strides = array<i32>} : memref<16x64xi32, #tpu.memory_space<vmem>>, vector<16xi32>,
    tpu.vector_store %arg13[%swap3A_853, %swap3A_854], %broadcast_in_dim3A_684 {strides = array<i32>} : memref<16x64xi32, #tpu.memory_space<vmem>>, vector<16xi32>,
    %swap3A_856 = arith.constant 10 : i32
    %swap3A_857 = arith.index_cast %swap3A_856 : i32 to index
    %swap3A_858 = arith.constant 48 : index
    %swap3A_859 = tpu.vector_load %arg13[%swap3A_857, %swap3A_858] {strides = array<i32>} : memref<16x64xi32, #tpu.memory_space<vmem>>, vector<16xi32>,
    tpu.vector_store %arg13[%swap3A_857, %swap3A_858], %broadcast_in_dim3A_684 {strides = array<i32>} : memref<16x64xi32, #tpu.memory_space<vmem>>, vector<16xi32>,
    %swap3A_860 = arith.constant 11 : i32
    %swap3A_861 = arith.index_cast %swap3A_860 : i32 to index
    %swap3A_862 = arith.constant 0 : index
    %swap3A_863 = tpu.vector_load %arg13[%swap3A_861, %swap3A_862] {strides = array<i32>} : memref<16x64xi32, #tpu.memory_space<vmem>>, vector<16xi32>,
    tpu.vector_store %arg13[%swap3A_861, %swap3A_862], %broadcast_in_dim3A_684 {strides = array<i32>} : memref<16x64xi32, #tpu.memory_space<vmem>>, vector<16xi32>,
    %swap3A_864 = arith.constant 11 : i32
    %swap3A_865 = arith.index_cast %swap3A_864 : i32 to index
    %swap3A_866 = arith.constant 16 : index
    %swap3A_867 = tpu.vector_load %arg13[%swap3A_865, %swap3A_866] {strides = array<i32>} : memref<16x64xi32, #tpu.memory_space<vmem>>, vector<16xi32>,
    tpu.vector_store %arg13[%swap3A_865, %swap3A_866], %broadcast_in_dim3A_684 {strides = array<i32>} : memref<16x64xi32, #tpu.memory_space<vmem>>, vector<16xi32>,
    %swap3A_868 = arith.constant 11 : i32
    %swap3A_869 = arith.index_cast %swap3A_868 : i32 to index
    %swap3A_870 = arith.constant 32 : index
    %swap3A_871 = tpu.vector_load %arg13[%swap3A_869, %swap3A_870] {strides = array<i32>} : memref<16x64xi32, #tpu.memory_space<vmem>>, vector<16xi32>,
    tpu.vector_store %arg13[%swap3A_869, %swap3A_870], %broadcast_in_dim3A_684 {strides = array<i32>} : memref<16x64xi32, #tpu.memory_space<vmem>>, vector<16xi32>,
    %swap3A_872 = arith.constant 11 : i32
    %swap3A_873 = arith.index_cast %swap3A_872 : i32 to index
    %swap3A_874 = arith.constant 48 : index
    %swap3A_875 = tpu.vector_load %arg13[%swap3A_873, %swap3A_874] {strides = array<i32>} : memref<16x64xi32, #tpu.memory_space<vmem>>, vector<16xi32>,
    tpu.vector_store %arg13[%swap3A_873, %swap3A_874], %broadcast_in_dim3A_684 {strides = array<i32>} : memref<16x64xi32, #tpu.memory_space<vmem>>, vector<16xi32>,
    %swap3A_876 = arith.constant 12 : i32
    %swap3A_877 = arith.index_cast %swap3A_876 : i32 to index
    %swap3A_878 = arith.constant 0 : index
    %swap3A_879 = tpu.vector_load %arg13[%swap3A_877, %swap3A_878] {strides = array<i32>} : memref<16x64xi32, #tpu.memory_space<vmem>>, vector<16xi32>,
    tpu.vector_store %arg13[%swap3A_877, %swap3A_878], %broadcast_in_dim3A_684 {strides = array<i32>} : memref<16x64xi32, #tpu.memory_space<vmem>>, vector<16xi32>,
    %swap3A_880 = arith.constant 12 : i32
    %swap3A_881 = arith.index_cast %swap3A_880 : i32 to index
    %swap3A_882 = arith.constant 16 : index
    %swap3A_883 = tpu.vector_load %arg13[%swap3A_881, %swap3A_882] {strides = array<i32>} : memref<16x64xi32, #tpu.memory_space<vmem>>, vector<16xi32>,
    tpu.vector_store %arg13[%swap3A_881, %swap3A_882], %broadcast_in_dim3A_684 {strides = array<i32>} : memref<16x64xi32, #tpu.memory_space<vmem>>, vector<16xi32>,
    %swap3A_884 = arith.constant 12 : i32
    %swap3A_885 = arith.index_cast %swap3A_884 : i32 to index
    %swap3A_886 = arith.constant 32 : index
    %swap3A_887 = tpu.vector_load %arg13[%swap3A_885, %swap3A_886] {strides = array<i32>} : memref<16x64xi32, #tpu.memory_space<vmem>>, vector<16xi32>,
    tpu.vector_store %arg13[%swap3A_885, %swap3A_886], %broadcast_in_dim3A_684 {strides = array<i32>} : memref<16x64xi32, #tpu.memory_space<vmem>>, vector<16xi32>,
    %swap3A_888 = arith.constant 12 : i32
    %swap3A_889 = arith.index_cast %swap3A_888 : i32 to index
    %swap3A_890 = arith.constant 48 : index
    %swap3A_891 = tpu.vector_load %arg13[%swap3A_889, %swap3A_890] {strides = array<i32>} : memref<16x64xi32, #tpu.memory_space<vmem>>, vector<16xi32>,
    tpu.vector_store %arg13[%swap3A_889, %swap3A_890], %broadcast_in_dim3A_684 {strides = array<i32>} : memref<16x64xi32, #tpu.memory_space<vmem>>, vector<16xi32>,
    %swap3A_892 = arith.constant 13 : i32
    %swap3A_893 = arith.index_cast %swap3A_892 : i32 to index
    %swap3A_894 = arith.constant 0 : index
    %swap3A_895 = tpu.vector_load %arg13[%swap3A_893, %swap3A_894] {strides = array<i32>} : memref<16x64xi32, #tpu.memory_space<vmem>>, vector<16xi32>,
    tpu.vector_store %arg13[%swap3A_893, %swap3A_894], %broadcast_in_dim3A_684 {strides = array<i32>} : memref<16x64xi32, #tpu.memory_space<vmem>>, vector<16xi32>,
    %swap3A_896 = arith.constant 13 : i32
    %swap3A_897 = arith.index_cast %swap3A_896 : i32 to index
    %swap3A_898 = arith.constant 16 : index
    %swap3A_899 = tpu.vector_load %arg13[%swap3A_897, %swap3A_898] {strides = array<i32>} : memref<16x64xi32, #tpu.memory_space<vmem>>, vector<16xi32>,
    tpu.vector_store %arg13[%swap3A_897, %swap3A_898], %broadcast_in_dim3A_684 {strides = array<i32>} : memref<16x64xi32, #tpu.memory_space<vmem>>, vector<16xi32>,
    %swap3A_900 = arith.constant 13 : i32
    %swap3A_901 = arith.index_cast %swap3A_900 : i32 to index
    %swap3A_902 = arith.constant 32 : index
    %swap3A_903 = tpu.vector_load %arg13[%swap3A_901, %swap3A_902] {strides = array<i32>} : memref<16x64xi32, #tpu.memory_space<vmem>>, vector<16xi32>,
    tpu.vector_store %arg13[%swap3A_901, %swap3A_902], %broadcast_in_dim3A_684 {strides = array<i32>} : memref<16x64xi32, #tpu.memory_space<vmem>>, vector<16xi32>,
    %swap3A_904 = arith.constant 13 : i32
    %swap3A_905 = arith.index_cast %swap3A_904 : i32 to index
    %swap3A_906 = arith.constant 48 : index
    %swap3A_907 = tpu.vector_load %arg13[%swap3A_905, %swap3A_906] {strides = array<i32>} : memref<16x64xi32, #tpu.memory_space<vmem>>, vector<16xi32>,
    tpu.vector_store %arg13[%swap3A_905, %swap3A_906], %broadcast_in_dim3A_684 {strides = array<i32>} : memref<16x64xi32, #tpu.memory_space<vmem>>, vector<16xi32>,
    %swap3A_908 = arith.constant 14 : i32
    %swap3A_909 = arith.index_cast %swap3A_908 : i32 to index
    %swap3A_910 = arith.constant 0 : index
    %swap3A_911 = tpu.vector_load %arg13[%swap3A_909, %swap3A_910] {strides = array<i32>} : memref<16x64xi32, #tpu.memory_space<vmem>>, vector<16xi32>,
    tpu.vector_store %arg13[%swap3A_909, %swap3A_910], %broadcast_in_dim3A_684 {strides = array<i32>} : memref<16x64xi32, #tpu.memory_space<vmem>>, vector<16xi32>,
    %swap3A_912 = arith.constant 14 : i32
    %swap3A_913 = arith.index_cast %swap3A_912 : i32 to index
    %swap3A_914 = arith.constant 16 : index
    %swap3A_915 = tpu.vector_load %arg13[%swap3A_913, %swap3A_914] {strides = array<i32>} : memref<16x64xi32, #tpu.memory_space<vmem>>, vector<16xi32>,
    tpu.vector_store %arg13[%swap3A_913, %swap3A_914], %broadcast_in_dim3A_684 {strides = array<i32>} : memref<16x64xi32, #tpu.memory_space<vmem>>, vector<16xi32>,
    %swap3A_916 = arith.constant 14 : i32
    %swap3A_917 = arith.index_cast %swap3A_916 : i32 to index
    %swap3A_918 = arith.constant 32 : index
    %swap3A_919 = tpu.vector_load %arg13[%swap3A_917, %swap3A_918] {strides = array<i32>} : memref<16x64xi32, #tpu.memory_space<vmem>>, vector<16xi32>,
    tpu.vector_store %arg13[%swap3A_917, %swap3A_918], %broadcast_in_dim3A_684 {strides = array<i32>} : memref<16x64xi32, #tpu.memory_space<vmem>>, vector<16xi32>,
    %swap3A_920 = arith.constant 14 : i32
    %swap3A_921 = arith.index_cast %swap3A_920 : i32 to index
    %swap3A_922 = arith.constant 48 : index
    %swap3A_923 = tpu.vector_load %arg13[%swap3A_921, %swap3A_922] {strides = array<i32>} : memref<16x64xi32, #tpu.memory_space<vmem>>, vector<16xi32>,
    tpu.vector_store %arg13[%swap3A_921, %swap3A_922], %broadcast_in_dim3A_684 {strides = array<i32>} : memref<16x64xi32, #tpu.memory_space<vmem>>, vector<16xi32>,
    %swap3A_924 = arith.constant 15 : i32
    %swap3A_925 = arith.index_cast %swap3A_924 : i32 to index
    %swap3A_926 = arith.constant 0 : index
    %swap3A_927 = tpu.vector_load %arg13[%swap3A_925, %swap3A_926] {strides = array<i32>} : memref<16x64xi32, #tpu.memory_space<vmem>>, vector<16xi32>,
    tpu.vector_store %arg13[%swap3A_925, %swap3A_926], %broadcast_in_dim3A_684 {strides = array<i32>} : memref<16x64xi32, #tpu.memory_space<vmem>>, vector<16xi32>,
    %swap3A_928 = arith.constant 15 : i32
    %swap3A_929 = arith.index_cast %swap3A_928 : i32 to index
    %swap3A_930 = arith.constant 16 : index
    %swap3A_931 = tpu.vector_load %arg13[%swap3A_929, %swap3A_930] {strides = array<i32>} : memref<16x64xi32, #tpu.memory_space<vmem>>, vector<16xi32>,
    tpu.vector_store %arg13[%swap3A_929, %swap3A_930], %broadcast_in_dim3A_684 {strides = array<i32>} : memref<16x64xi32, #tpu.memory_space<vmem>>, vector<16xi32>,
    %swap3A_932 = arith.constant 15 : i32
    %swap3A_933 = arith.index_cast %swap3A_932 : i32 to index
    %swap3A_934 = arith.constant 32 : index
    %swap3A_935 = tpu.vector_load %arg13[%swap3A_933, %swap3A_934] {strides = array<i32>} : memref<16x64xi32, #tpu.memory_space<vmem>>, vector<16xi32>,
    tpu.vector_store %arg13[%swap3A_933, %swap3A_934], %broadcast_in_dim3A_684 {strides = array<i32>} : memref<16x64xi32, #tpu.memory_space<vmem>>, vector<16xi32>,
    %swap3A_936 = arith.constant 15 : i32
    %swap3A_937 = arith.index_cast %swap3A_936 : i32 to index
    %swap3A_938 = arith.constant 48 : index
    %swap3A_939 = tpu.vector_load %arg13[%swap3A_937, %swap3A_938] {strides = array<i32>} : memref<16x64xi32, #tpu.memory_space<vmem>>, vector<16xi32>,
    tpu.vector_store %arg13[%swap3A_937, %swap3A_938], %broadcast_in_dim3A_684 {strides = array<i32>} : memref<16x64xi32, #tpu.memory_space<vmem>>, vector<16xi32>,
    %scan3A = arith.constant 0 : i32
    %scan3A_940 = arith.constant 0 : i32
    %scan3A_941 = arith.constant 64 : i32
    %scan3A_942 = arith.addi %scan3A_940, %scan3A_941 : i32
    %scan3A_943 = arith.constant 1 : i32
    scf.for %scan3A_958 = %scan3A_940 to %scan3A_942 step %scan3A_943  : i32 {
      %add3A_959 = arith.addi %mul3A_2, %scan3A_958 : i32
      %jit3A = arith.constant 4 : i32
      %div3A = arith.divsi %scan3A_958, %jit3A : i32
      %sign3A = arith.constant 0 : i32
      %sign3A_960 = arith.cmpi sgt, %scan3A_958, %sign3A : i32
      %sign3A_961 = arith.extui %sign3A_960 : i1 to i32
      %sign3A_962 = arith.constant 0 : i32
      %sign3A_963 = arith.cmpi slt, %scan3A_958, %sign3A_962 : i32
      %sign3A_964 = arith.extui %sign3A_963 : i1 to i32
      %sign3A_965 = arith.subi %sign3A_961, %sign3A_964 : i32
      %sign3A_966 = arith.constant 0 : i32
      %sign3A_967 = arith.cmpi sgt, %jit3A, %sign3A_966 : i32
      %sign3A_968 = arith.extui %sign3A_967 : i1 to i32
      %sign3A_969 = arith.constant 0 : i32
      %sign3A_970 = arith.cmpi slt, %jit3A, %sign3A_969 : i32
      %sign3A_971 = arith.extui %sign3A_970 : i1 to i32
      %sign3A_972 = arith.subi %sign3A_968, %sign3A_971 : i32
      %ne3A = arith.cmpi ne, %sign3A_965, %sign3A_972 : i32
      %rem3A = arith.remsi %scan3A_958, %jit3A : i32
      %ne3A_973 = arith.constant 0 : i32
      %ne3A_974 = arith.cmpi ne, %rem3A, %ne3A_973 : i32
      %and3A = arith.andi %ne3A, %ne3A_974 : i1
      %sub3A_975 = arith.constant 1 : i32
      %sub3A_976 = arith.subi %div3A, %sub3A_975 : i32
      %select_n3A = arith.select %and3A, %sub3A_976, %div3A : i32
      %jit3A_977 = arith.constant 4 : i32
      %eq3A = arith.constant 0 : i32
      %eq3A_978 = arith.cmpi eq, %jit3A_977, %eq3A : i32
      %jit3A_979 = arith.constant 1 : i32
      %select_n3A_980 = arith.select %eq3A_978, %jit3A_979, %jit3A_977 : i32
      %rem3A_981 = arith.remsi %scan3A_958, %select_n3A_980 : i32
      %ne3A_982 = arith.constant 0 : i32
      %ne3A_983 = arith.cmpi ne, %rem3A_981, %ne3A_982 : i32
      %lt3A = arith.constant 0 : i32
      %lt3A_984 = arith.cmpi slt, %rem3A_981, %lt3A : i32
      %lt3A_985 = arith.constant 0 : i32
      %lt3A_986 = arith.cmpi slt, %select_n3A_980, %lt3A_985 : i32
      %ne3A_987 = arith.xori %lt3A_984, %lt3A_986 : i1
      %and3A_988 = arith.andi %ne3A_987, %ne3A_983 : i1
      %add3A_989 = arith.addi %rem3A_981, %select_n3A_980 : i32
      %select_n3A_990 = arith.select %and3A_988, %add3A_989, %rem3A_981 : i32
      %mul3A_991 = arith.constant 16 : i32
      %mul3A_992 = arith.muli %select_n3A_990, %mul3A_991 : i32
      %broadcast_in_dim3A_993 = vector.broadcast %scan3A_958 : i32 to vector<16xi32>
      %gather3A_994 = tpu.vector_load_idx %arg10[%masked_sort3A_682, %broadcast_in_dim3A_993] : memref<16x64xi32, #tpu.memory_space<vmem>>[vector<16xi32>, vector<16xi32>], vector<16xi32>,
      %broadcast_in_dim3A_995 = vector.broadcast %add3A_959 : i32 to vector<16xi32>
      %lt3A_996 = arith.cmpi slt, %broadcast_in_dim3A_995, %gather3A : vector<16xi32>
      %mul3A_997 = arith.constant 1024 : i32
      %mul3A_998 = arith.muli %add3A, %mul3A_997 : i32
      %mul3A_999 = arith.constant 16 : i32
      %mul3A_1000 = arith.muli %scan3A_958, %mul3A_999 : i32
      %add3A_1001 = arith.addi %mul3A_998, %mul3A_1000 : i32
      %broadcast_in_dim3A_1002 = vector.broadcast %add3A_1001 : i32 to vector<16xi32>
      %add3A_1003 = arith.addi %broadcast_in_dim3A_1002, %iota3A : vector<16xi32>
      %select_n3A_1004 = arith.select %lt3A_996, %gather3A_994, %add3A_1003 : vector<16xi1>, vector<16xi32>
      %jit3A_1005 = arith.constant 0 : i32
      %jit3A_1006 = arith.constant 49999 : i32
      %max3A = vector.broadcast %jit3A_1005 : i32 to vector<16xi32>
      %max3A_1007 = arith.maxsi %max3A, %select_n3A_1004 : vector<16xi32>
      %min3A = vector.broadcast %jit3A_1006 : i32 to vector<16xi32>
      %min3A_1008 = arith.minsi %min3A, %max3A_1007 : vector<16xi32>
      %swap3A_1009 = arith.index_cast %select_n3A : i32 to index
      %swap3A_1010 = arith.index_cast %mul3A_992 : i32 to index
      %swap3A_1011 = tpu.vector_load %arg13[%swap3A_1009, %swap3A_1010] {strides = array<i32>} : memref<16x64xi32, #tpu.memory_space<vmem>>, vector<16xi32>,
      tpu.vector_store %arg13[%swap3A_1009, %swap3A_1010], %min3A_1008 {strides = array<i32>} : memref<16x64xi32, #tpu.memory_space<vmem>>, vector<16xi32>,
      %broadcast_in_dim3A_1012 = arith.constant 1.000000e+00 : f32
      %broadcast_in_dim3A_1013 = vector.broadcast %broadcast_in_dim3A_1012 : f32 to vector<16xf32>
      %broadcast_in_dim3A_1014 = arith.constant 0.000000e+00 : f32
      %broadcast_in_dim3A_1015 = vector.broadcast %broadcast_in_dim3A_1014 : f32 to vector<16xf32>
      %select_n3A_1016 = arith.select %lt3A_996, %broadcast_in_dim3A_1013, %broadcast_in_dim3A_1015 : vector<16xi1>, vector<16xf32>
      %mul3A_1017 = arith.constant 16 : i32
      %mul3A_1018 = arith.muli %scan3A_958, %mul3A_1017 : i32
      %swap3A_1019 = arith.index_cast %mul3A_1018 : i32 to index
      %swap3A_1020 = tpu.vector_load %arg14[%swap3A_1019] {strides = array<i32>} : memref<1024xf32, #tpu.memory_space<vmem>>, vector<16xf32>,
      tpu.vector_store %arg14[%swap3A_1019], %select_n3A_1016 {strides = array<i32>} : memref<1024xf32, #tpu.memory_space<vmem>>, vector<16xf32>,
      %mul3A_1021 = arith.constant 4 : i32
      %mul3A_1022 = arith.muli %scan3A_958, %mul3A_1021 : i32
      %add3A_1023 = arith.constant 0 : i32
      %add3A_1024 = arith.addi %mul3A_1022, %add3A_1023 : i32
      %broadcast_in_dim3A_1025 = vector.broadcast %add3A_1024 : i32 to vector<16xi32>
      %gather3A_1026 = tpu.vector_load_idx %arg11[%masked_sort3A_682, %broadcast_in_dim3A_1025] : memref<16x256xf32, #tpu.memory_space<vmem>>[vector<16xi32>, vector<16xi32>], vector<16xf32>,
      %mul3A_1027 = arith.constant 16 : i32
      %mul3A_1028 = arith.muli %scan3A_958, %mul3A_1027 : i32
      %swap3A_1029 = arith.constant 0 : i32
      %swap3A_1030 = arith.index_cast %swap3A_1029 : i32 to index
      %swap3A_1031 = arith.index_cast %mul3A_1028 : i32 to index
      %swap3A_1032 = tpu.vector_load %arg15[%swap3A_1030, %swap3A_1031] {strides = array<i32>} : memref<4x1024xf32, #tpu.memory_space<vmem>>, vector<16xf32>,
      tpu.vector_store %arg15[%swap3A_1030, %swap3A_1031], %gather3A_1026 {strides = array<i32>} : memref<4x1024xf32, #tpu.memory_space<vmem>>, vector<16xf32>,
      %mul3A_1033 = arith.constant 4 : i32
      %mul3A_1034 = arith.muli %scan3A_958, %mul3A_1033 : i32
      %add3A_1035 = arith.constant 1 : i32
      %add3A_1036 = arith.addi %mul3A_1034, %add3A_1035 : i32
      %broadcast_in_dim3A_1037 = vector.broadcast %add3A_1036 : i32 to vector<16xi32>
      %gather3A_1038 = tpu.vector_load_idx %arg11[%masked_sort3A_682, %broadcast_in_dim3A_1037] : memref<16x256xf32, #tpu.memory_space<vmem>>[vector<16xi32>, vector<16xi32>], vector<16xf32>,
      %mul3A_1039 = arith.constant 16 : i32
      %mul3A_1040 = arith.muli %scan3A_958, %mul3A_1039 : i32
      %swap3A_1041 = arith.constant 1 : i32
      %swap3A_1042 = arith.index_cast %swap3A_1041 : i32 to index
      %swap3A_1043 = arith.index_cast %mul3A_1040 : i32 to index
      %swap3A_1044 = tpu.vector_load %arg15[%swap3A_1042, %swap3A_1043] {strides = array<i32>} : memref<4x1024xf32, #tpu.memory_space<vmem>>, vector<16xf32>,
      tpu.vector_store %arg15[%swap3A_1042, %swap3A_1043], %gather3A_1038 {strides = array<i32>} : memref<4x1024xf32, #tpu.memory_space<vmem>>, vector<16xf32>,
      %mul3A_1045 = arith.constant 4 : i32
      %mul3A_1046 = arith.muli %scan3A_958, %mul3A_1045 : i32
      %add3A_1047 = arith.constant 2 : i32
      %add3A_1048 = arith.addi %mul3A_1046, %add3A_1047 : i32
      %broadcast_in_dim3A_1049 = vector.broadcast %add3A_1048 : i32 to vector<16xi32>
      %gather3A_1050 = tpu.vector_load_idx %arg11[%masked_sort3A_682, %broadcast_in_dim3A_1049] : memref<16x256xf32, #tpu.memory_space<vmem>>[vector<16xi32>, vector<16xi32>], vector<16xf32>,
      %mul3A_1051 = arith.constant 16 : i32
      %mul3A_1052 = arith.muli %scan3A_958, %mul3A_1051 : i32
      %swap3A_1053 = arith.constant 2 : i32
      %swap3A_1054 = arith.index_cast %swap3A_1053 : i32 to index
      %swap3A_1055 = arith.index_cast %mul3A_1052 : i32 to index
      %swap3A_1056 = tpu.vector_load %arg15[%swap3A_1054, %swap3A_1055] {strides = array<i32>} : memref<4x1024xf32, #tpu.memory_space<vmem>>, vector<16xf32>,
      tpu.vector_store %arg15[%swap3A_1054, %swap3A_1055], %gather3A_1050 {strides = array<i32>} : memref<4x1024xf32, #tpu.memory_space<vmem>>, vector<16xf32>,
      %mul3A_1057 = arith.constant 4 : i32
      %mul3A_1058 = arith.muli %scan3A_958, %mul3A_1057 : i32
      %add3A_1059 = arith.constant 3 : i32
      %add3A_1060 = arith.addi %mul3A_1058, %add3A_1059 : i32
      %broadcast_in_dim3A_1061 = vector.broadcast %add3A_1060 : i32 to vector<16xi32>
      %gather3A_1062 = tpu.vector_load_idx %arg11[%masked_sort3A_682, %broadcast_in_dim3A_1061] : memref<16x256xf32, #tpu.memory_space<vmem>>[vector<16xi32>, vector<16xi32>], vector<16xf32>,
      %mul3A_1063 = arith.constant 16 : i32
      %mul3A_1064 = arith.muli %scan3A_958, %mul3A_1063 : i32
      %swap3A_1065 = arith.constant 3 : i32
      %swap3A_1066 = arith.index_cast %swap3A_1065 : i32 to index
      %swap3A_1067 = arith.index_cast %mul3A_1064 : i32 to index
      %swap3A_1068 = tpu.vector_load %arg15[%swap3A_1066, %swap3A_1067] {strides = array<i32>} : memref<4x1024xf32, #tpu.memory_space<vmem>>, vector<16xf32>,
      tpu.vector_store %arg15[%swap3A_1066, %swap3A_1067], %gather3A_1062 {strides = array<i32>} : memref<4x1024xf32, #tpu.memory_space<vmem>>, vector<16xf32>,
    }
    %scan3A_944 = arith.constant 64 : i32
    %dma_start3A_945 = arith.constant 0 : i32
    %dma_start3A_946 = arith.constant 0 : i32
    %dma_start3A_947 = tpu.memref_slice %arg13[%dma_start3A_945, %dma_start3A_946] : memref<16x64xi32, #tpu.memory_space<vmem>> -> memref<1x64xi32, #tpu.memory_space<vmem>>
    %dma_start3A_948 = tpu.memref_squeeze %dma_start3A_947 : memref<1x64xi32, #tpu.memory_space<vmem>> -> memref<64xi32, #tpu.memory_space<vmem>>
    %dma_start3A_949 = arith.constant 0 : i32
    %dma_start3A_950 = arith.constant 0 : i32
    %dma_start3A_951 = tpu.memref_slice %arg5[%dma_start3A_949, %dma_start3A_950] : memref<50000x512xf32, #tpu.memory_space<hbm>> -> memref<50000x512xf32, #tpu.memory_space<hbm>>
    tpu.enqueue_indirect_dma source(%dma_start3A_951 : memref<50000x512xf32, #tpu.memory_space<hbm>>) target(%arg16 : memref<64x512xf32, #tpu.memory_space<vmem>>) offsets(%dma_start3A_948 : memref<64xi32, #tpu.memory_space<vmem>>) semaphore(%arg18 : memref<!tpu.dma_semaphore, #tpu.memory_space<semaphore_mem>>)
    %scan3A_952 = arith.constant 0 : i32
    %scan3A_953 = arith.constant 0 : i32
    %scan3A_954 = arith.constant 8 : i32
    %scan3A_955 = arith.addi %scan3A_953, %scan3A_954 : i32
    %scan3A_956 = arith.constant 1 : i32
    scf.for %scan3A_958 = %scan3A_953 to %scan3A_955 step %scan3A_956  : i32 {
      %mul3A_959 = arith.constant 2 : i32
      %mul3A_960 = arith.muli %mul3A_959, %scan3A_958 : i32
      %add3A_961 = arith.constant 0 : i32
      %add3A_962 = arith.addi %mul3A_960, %add3A_961 : i32
      %dma_wait3A_963 = arith.constant 0 : i32
      %dma_wait3A_964 = tpu.memref_slice %arg13[%add3A_962, %dma_wait3A_963] : memref<16x64xi32, #tpu.memory_space<vmem>> -> memref<1x64xi32, #tpu.memory_space<vmem>>
      %dma_wait3A_965 = tpu.memref_squeeze %dma_wait3A_964 : memref<1x64xi32, #tpu.memory_space<vmem>> -> memref<64xi32, #tpu.memory_space<vmem>>
      %dma_wait3A_966 = arith.constant 0 : i32
      %dma_wait3A_967 = arith.constant 0 : i32
      %dma_wait3A_968 = tpu.memref_slice %arg5[%dma_wait3A_966, %dma_wait3A_967] : memref<50000x512xf32, #tpu.memory_space<hbm>> -> memref<50000x512xf32, #tpu.memory_space<hbm>>
      tpu.wait_indirect_dma semaphore(%arg18 : memref<!tpu.dma_semaphore, #tpu.memory_space<semaphore_mem>>) src(%dma_wait3A_968 : memref<50000x512xf32, #tpu.memory_space<hbm>>) dst(%arg16 : memref<64x512xf32, #tpu.memory_space<vmem>>)
      %add3A_969 = arith.constant 2 : i32
      %add3A_970 = arith.addi %add3A_962, %add3A_969 : i32
      %sub3A_971 = arith.constant 1 : i32
      %sub3A_972 = arith.subi %add3A_970, %sub3A_971 : i32
      %lt3A = arith.constant 16 : i32
      %lt3A_973 = arith.cmpi slt, %sub3A_972, %lt3A : i32
      %convert_element_type3A = arith.extui %lt3A_973 : i1 to i32
      %cond3A = arith.constant 0 : i32
      %cond3A_974 = arith.cmpi ne, %convert_element_type3A, %cond3A : i32
      scf.if %cond3A_974 {
        %add3A_1014 = arith.constant 2 : i32
        %add3A_1015 = arith.addi %add3A_962, %add3A_1014 : i32
        %sub3A_1016 = arith.constant 1 : i32
        %sub3A_1017 = arith.subi %add3A_1015, %sub3A_1016 : i32
        %dma_start3A_1018 = arith.constant 0 : i32
        %dma_start3A_1019 = tpu.memref_slice %arg13[%sub3A_1017, %dma_start3A_1018] : memref<16x64xi32, #tpu.memory_space<vmem>> -> memref<1x64xi32, #tpu.memory_space<vmem>>
        %dma_start3A_1020 = tpu.memref_squeeze %dma_start3A_1019 : memref<1x64xi32, #tpu.memory_space<vmem>> -> memref<64xi32, #tpu.memory_space<vmem>>
        %dma_start3A_1021 = arith.constant 0 : i32
        %dma_start3A_1022 = arith.constant 0 : i32
        %dma_start3A_1023 = tpu.memref_slice %arg5[%dma_start3A_1021, %dma_start3A_1022] : memref<50000x512xf32, #tpu.memory_space<hbm>> -> memref<50000x512xf32, #tpu.memory_space<hbm>>
        tpu.enqueue_indirect_dma source(%dma_start3A_1023 : memref<50000x512xf32, #tpu.memory_space<hbm>>) target(%arg17 : memref<64x512xf32, #tpu.memory_space<vmem>>) offsets(%dma_start3A_1020 : memref<64xi32, #tpu.memory_space<vmem>>) semaphore(%arg19 : memref<!tpu.dma_semaphore, #tpu.memory_space<semaphore_mem>>)
      } else {
      }
      %mul3A_975 = arith.constant 64 : i32
      %mul3A_976 = arith.muli %add3A_962, %mul3A_975 : i32
      %scan3A_977 = arith.constant 0 : i32
      %scan3A_978 = arith.constant 0 : i32
      %scan3A_979 = arith.constant 64 : i32
      %scan3A_980 = arith.addi %scan3A_978, %scan3A_979 : i32
      %scan3A_981 = arith.constant 1 : i32
      scf.for %scan3A_1014 = %scan3A_978 to %scan3A_980 step %scan3A_981  : i32 {
        %add3A_1015 = arith.addi %mul3A_976, %scan3A_1014 : i32
        %broadcast_in_dim3A_1016 = vector.broadcast %add3A_1015 : i32 to vector<16xi32>
        %gather3A_1017 = tpu.vector_load_idx %arg14[%broadcast_in_dim3A_1016] : memref<1024xf32, #tpu.memory_space<vmem>>[vector<16xi32>], vector<16xf32>,
        %broadcast_in_dim3A_1018 = arith.constant 0 : i32
        %broadcast_in_dim3A_1019 = vector.broadcast %broadcast_in_dim3A_1018 : i32 to vector<16xi32>
        %gather3A_1020 = tpu.vector_load_idx %arg15[%broadcast_in_dim3A_1019, %broadcast_in_dim3A_1016] : memref<4x1024xf32, #tpu.memory_space<vmem>>[vector<16xi32>, vector<16xi32>], vector<16xf32>,
        %broadcast_in_dim3A_1021 = arith.constant 1 : i32
        %broadcast_in_dim3A_1022 = vector.broadcast %broadcast_in_dim3A_1021 : i32 to vector<16xi32>
        %gather3A_1023 = tpu.vector_load_idx %arg15[%broadcast_in_dim3A_1022, %broadcast_in_dim3A_1016] : memref<4x1024xf32, #tpu.memory_space<vmem>>[vector<16xi32>, vector<16xi32>], vector<16xf32>,
        %broadcast_in_dim3A_1024 = arith.constant 2 : i32
        %broadcast_in_dim3A_1025 = vector.broadcast %broadcast_in_dim3A_1024 : i32 to vector<16xi32>
        %gather3A_1026 = tpu.vector_load_idx %arg15[%broadcast_in_dim3A_1025, %broadcast_in_dim3A_1016] : memref<4x1024xf32, #tpu.memory_space<vmem>>[vector<16xi32>, vector<16xi32>], vector<16xf32>,
        %broadcast_in_dim3A_1027 = arith.constant 3 : i32
        %broadcast_in_dim3A_1028 = vector.broadcast %broadcast_in_dim3A_1027 : i32 to vector<16xi32>
        %gather3A_1029 = tpu.vector_load_idx %arg15[%broadcast_in_dim3A_1028, %broadcast_in_dim3A_1016] : memref<4x1024xf32, #tpu.memory_space<vmem>>[vector<16xi32>, vector<16xi32>], vector<16xf32>,
        %scan3A_1030 = arith.constant 0 : i32
        %scan3A_1031 = arith.constant 0 : i32
        %scan3A_1032 = arith.constant 32 : i32
        %scan3A_1033 = arith.addi %scan3A_1031, %scan3A_1032 : i32
        %scan3A_1034 = arith.constant 1 : i32
        scf.for %scan3A_1036 = %scan3A_1031 to %scan3A_1033 step %scan3A_1034  : i32 {
          %mul3A_1037 = arith.constant 16 : i32
          %mul3A_1038 = arith.muli %scan3A_1036, %mul3A_1037 : i32
          %get3A_1039 = arith.index_cast %scan3A_1014 : i32 to index
          %get3A_1040 = arith.index_cast %mul3A_1038 : i32 to index
          %get3A_1041 = tpu.vector_load %arg16[%get3A_1039, %get3A_1040] {strides = array<i32>} : memref<64x512xf32, #tpu.memory_space<vmem>>, vector<16xf32>,
          %get3A_1042 = arith.constant 0 : i32
          %get3A_1043 = arith.index_cast %get3A_1042 : i32 to index
          %get3A_1044 = arith.index_cast %mul3A_1038 : i32 to index
          %get3A_1045 = tpu.vector_load %arg12[%get3A_1043, %get3A_1044] {strides = array<i32>} : memref<4x512xf32, #tpu.memory_space<vmem>>, vector<16xf32>,
          %mul3A_1046 = arith.mulf %gather3A_1020, %get3A_1045 : vector<16xf32>
          %add3A_1047 = arith.addf %get3A_1041, %mul3A_1046 : vector<16xf32>
          %get3A_1048 = arith.constant 1 : i32
          %get3A_1049 = arith.index_cast %get3A_1048 : i32 to index
          %get3A_1050 = arith.index_cast %mul3A_1038 : i32 to index
          %get3A_1051 = tpu.vector_load %arg12[%get3A_1049, %get3A_1050] {strides = array<i32>} : memref<4x512xf32, #tpu.memory_space<vmem>>, vector<16xf32>,
          %mul3A_1052 = arith.mulf %gather3A_1023, %get3A_1051 : vector<16xf32>
          %add3A_1053 = arith.addf %add3A_1047, %mul3A_1052 : vector<16xf32>
          %get3A_1054 = arith.constant 2 : i32
          %get3A_1055 = arith.index_cast %get3A_1054 : i32 to index
          %get3A_1056 = arith.index_cast %mul3A_1038 : i32 to index
          %get3A_1057 = tpu.vector_load %arg12[%get3A_1055, %get3A_1056] {strides = array<i32>} : memref<4x512xf32, #tpu.memory_space<vmem>>, vector<16xf32>,
          %mul3A_1058 = arith.mulf %gather3A_1026, %get3A_1057 : vector<16xf32>
          %add3A_1059 = arith.addf %add3A_1053, %mul3A_1058 : vector<16xf32>
          %get3A_1060 = arith.constant 3 : i32
          %get3A_1061 = arith.index_cast %get3A_1060 : i32 to index
          %get3A_1062 = arith.index_cast %mul3A_1038 : i32 to index
          %get3A_1063 = tpu.vector_load %arg12[%get3A_1061, %get3A_1062] {strides = array<i32>} : memref<4x512xf32, #tpu.memory_space<vmem>>, vector<16xf32>,
          %mul3A_1064 = arith.mulf %gather3A_1029, %get3A_1063 : vector<16xf32>
          %add3A_1065 = arith.addf %add3A_1059, %mul3A_1064 : vector<16xf32>
          %mul3A_1066 = arith.mulf %add3A_1065, %gather3A_1017 : vector<16xf32>
          %swap3A_1067 = arith.index_cast %scan3A_1014 : i32 to index
          %swap3A_1068 = arith.index_cast %mul3A_1038 : i32 to index
          %swap3A_1069 = tpu.vector_load %arg16[%swap3A_1067, %swap3A_1068] {strides = array<i32>} : memref<64x512xf32, #tpu.memory_space<vmem>>, vector<16xf32>,
          tpu.vector_store %arg16[%swap3A_1067, %swap3A_1068], %mul3A_1066 {strides = array<i32>} : memref<64x512xf32, #tpu.memory_space<vmem>>, vector<16xf32>,
        }
        %scan3A_1035 = arith.constant 32 : i32
      }
      %scan3A_982 = arith.constant 64 : i32
      %mul3A_983 = arith.constant 1024 : i32
      %mul3A_984 = arith.muli %add3A, %mul3A_983 : i32
      %add3A_985 = arith.addi %mul3A_984, %mul3A_976 : i32
      "tpu.region"() ({
        %run_scoped3A = tpu.sem_alloc : memref<!tpu.dma_semaphore, #tpu.memory_space<semaphore_mem>>
        %dma_start3A_1014 = arith.constant 0 : i32
        %dma_start3A_1015 = tpu.memref_slice %arg7[%add3A_985, %dma_start3A_1014] : memref<32768x512xf32, #tpu.memory_space<hbm>> -> memref<64x512xf32, #tpu.memory_space<hbm>>
        %dma_start3A_1016 = arith.constant 0 : i32
        %dma_start3A_1017 = tpu.memref_slice %arg7[%add3A_985, %dma_start3A_1016] : memref<32768x512xf32, #tpu.memory_space<hbm>> -> memref<64x512xf32, #tpu.memory_space<hbm>>
        tpu.enqueue_dma source(%arg16 : memref<64x512xf32, #tpu.memory_space<vmem>>) target(%dma_start3A_1017 : memref<64x512xf32, #tpu.memory_space<hbm>>) target_semaphore(%run_scoped3A : memref<!tpu.dma_semaphore, #tpu.memory_space<semaphore_mem>>)
        %dma_wait3A_1018 = arith.constant 0 : i32
        %dma_wait3A_1019 = tpu.memref_slice %arg7[%add3A_985, %dma_wait3A_1018] : memref<32768x512xf32, #tpu.memory_space<hbm>> -> memref<64x512xf32, #tpu.memory_space<hbm>>
        %dma_wait3A_1020 = arith.constant 0 : i32
        %dma_wait3A_1021 = tpu.memref_slice %arg7[%add3A_985, %dma_wait3A_1020] : memref<32768x512xf32, #tpu.memory_space<hbm>> -> memref<64x512xf32, #tpu.memory_space<hbm>>
        tpu.wait_dma2 semaphore(%run_scoped3A : memref<!tpu.dma_semaphore, #tpu.memory_space<semaphore_mem>>) src(%arg16 : memref<64x512xf32, #tpu.memory_space<vmem>>) dst(%dma_wait3A_1021 : memref<64x512xf32, #tpu.memory_space<hbm>>)
        tpu.yield
      }) : () -> ()
      %add3A_986 = arith.constant 1 : i32
      %add3A_987 = arith.addi %mul3A_960, %add3A_986 : i32
      %dma_wait3A_988 = arith.constant 0 : i32
      %dma_wait3A_989 = tpu.memref_slice %arg13[%add3A_987, %dma_wait3A_988] : memref<16x64xi32, #tpu.memory_space<vmem>> -> memref<1x64xi32, #tpu.memory_space<vmem>>
      %dma_wait3A_990 = tpu.memref_squeeze %dma_wait3A_989 : memref<1x64xi32, #tpu.memory_space<vmem>> -> memref<64xi32, #tpu.memory_space<vmem>>
      %dma_wait3A_991 = arith.constant 0 : i32
      %dma_wait3A_992 = arith.constant 0 : i32
      %dma_wait3A_993 = tpu.memref_slice %arg5[%dma_wait3A_991, %dma_wait3A_992] : memref<50000x512xf32, #tpu.memory_space<hbm>> -> memref<50000x512xf32, #tpu.memory_space<hbm>>
      tpu.wait_indirect_dma semaphore(%arg19 : memref<!tpu.dma_semaphore, #tpu.memory_space<semaphore_mem>>) src(%dma_wait3A_993 : memref<50000x512xf32, #tpu.memory_space<hbm>>) dst(%arg17 : memref<64x512xf32, #tpu.memory_space<vmem>>)
      %add3A_994 = arith.constant 2 : i32
      %add3A_995 = arith.addi %add3A_987, %add3A_994 : i32
      %sub3A_996 = arith.constant 1 : i32
      %sub3A_997 = arith.subi %add3A_995, %sub3A_996 : i32
      %lt3A_998 = arith.constant 16 : i32
      %lt3A_999 = arith.cmpi slt, %sub3A_997, %lt3A_998 : i32
      %convert_element_type3A_1000 = arith.extui %lt3A_999 : i1 to i32
      %cond3A_1001 = arith.constant 0 : i32
      %cond3A_1002 = arith.cmpi ne, %convert_element_type3A_1000, %cond3A_1001 : i32
      scf.if %cond3A_1002 {
        %add3A_1014 = arith.constant 2 : i32
        %add3A_1015 = arith.addi %add3A_987, %add3A_1014 : i32
        %sub3A_1016 = arith.constant 1 : i32
        %sub3A_1017 = arith.subi %add3A_1015, %sub3A_1016 : i32
        %dma_start3A_1018 = arith.constant 0 : i32
        %dma_start3A_1019 = tpu.memref_slice %arg13[%sub3A_1017, %dma_start3A_1018] : memref<16x64xi32, #tpu.memory_space<vmem>> -> memref<1x64xi32, #tpu.memory_space<vmem>>
        %dma_start3A_1020 = tpu.memref_squeeze %dma_start3A_1019 : memref<1x64xi32, #tpu.memory_space<vmem>> -> memref<64xi32, #tpu.memory_space<vmem>>
        %dma_start3A_1021 = arith.constant 0 : i32
        %dma_start3A_1022 = arith.constant 0 : i32
        %dma_start3A_1023 = tpu.memref_slice %arg5[%dma_start3A_1021, %dma_start3A_1022] : memref<50000x512xf32, #tpu.memory_space<hbm>> -> memref<50000x512xf32, #tpu.memory_space<hbm>>
        tpu.enqueue_indirect_dma source(%dma_start3A_1023 : memref<50000x512xf32, #tpu.memory_space<hbm>>) target(%arg16 : memref<64x512xf32, #tpu.memory_space<vmem>>) offsets(%dma_start3A_1020 : memref<64xi32, #tpu.memory_space<vmem>>) semaphore(%arg18 : memref<!tpu.dma_semaphore, #tpu.memory_space<semaphore_mem>>)
      } else {
      }
      %mul3A_1003 = arith.constant 64 : i32
      %mul3A_1004 = arith.muli %add3A_987, %mul3A_1003 : i32
      %scan3A_1005 = arith.constant 0 : i32
      %scan3A_1006 = arith.constant 0 : i32
      %scan3A_1007 = arith.constant 64 : i32
      %scan3A_1008 = arith.addi %scan3A_1006, %scan3A_1007 : i32
      %scan3A_1009 = arith.constant 1 : i32
      scf.for %scan3A_1014 = %scan3A_1006 to %scan3A_1008 step %scan3A_1009  : i32 {
        %add3A_1015 = arith.addi %mul3A_1004, %scan3A_1014 : i32
        %broadcast_in_dim3A_1016 = vector.broadcast %add3A_1015 : i32 to vector<16xi32>
        %gather3A_1017 = tpu.vector_load_idx %arg14[%broadcast_in_dim3A_1016] : memref<1024xf32, #tpu.memory_space<vmem>>[vector<16xi32>], vector<16xf32>,
        %broadcast_in_dim3A_1018 = arith.constant 0 : i32
        %broadcast_in_dim3A_1019 = vector.broadcast %broadcast_in_dim3A_1018 : i32 to vector<16xi32>
        %gather3A_1020 = tpu.vector_load_idx %arg15[%broadcast_in_dim3A_1019, %broadcast_in_dim3A_1016] : memref<4x1024xf32, #tpu.memory_space<vmem>>[vector<16xi32>, vector<16xi32>], vector<16xf32>,
        %broadcast_in_dim3A_1021 = arith.constant 1 : i32
        %broadcast_in_dim3A_1022 = vector.broadcast %broadcast_in_dim3A_1021 : i32 to vector<16xi32>
        %gather3A_1023 = tpu.vector_load_idx %arg15[%broadcast_in_dim3A_1022, %broadcast_in_dim3A_1016] : memref<4x1024xf32, #tpu.memory_space<vmem>>[vector<16xi32>, vector<16xi32>], vector<16xf32>,
        %broadcast_in_dim3A_1024 = arith.constant 2 : i32
        %broadcast_in_dim3A_1025 = vector.broadcast %broadcast_in_dim3A_1024 : i32 to vector<16xi32>
        %gather3A_1026 = tpu.vector_load_idx %arg15[%broadcast_in_dim3A_1025, %broadcast_in_dim3A_1016] : memref<4x1024xf32, #tpu.memory_space<vmem>>[vector<16xi32>, vector<16xi32>], vector<16xf32>,
        %broadcast_in_dim3A_1027 = arith.constant 3 : i32
        %broadcast_in_dim3A_1028 = vector.broadcast %broadcast_in_dim3A_1027 : i32 to vector<16xi32>
        %gather3A_1029 = tpu.vector_load_idx %arg15[%broadcast_in_dim3A_1028, %broadcast_in_dim3A_1016] : memref<4x1024xf32, #tpu.memory_space<vmem>>[vector<16xi32>, vector<16xi32>], vector<16xf32>,
        %scan3A_1030 = arith.constant 0 : i32
        %scan3A_1031 = arith.constant 0 : i32
        %scan3A_1032 = arith.constant 32 : i32
        %scan3A_1033 = arith.addi %scan3A_1031, %scan3A_1032 : i32
        %scan3A_1034 = arith.constant 1 : i32
        scf.for %scan3A_1036 = %scan3A_1031 to %scan3A_1033 step %scan3A_1034  : i32 {
          %mul3A_1037 = arith.constant 16 : i32
          %mul3A_1038 = arith.muli %scan3A_1036, %mul3A_1037 : i32
          %get3A_1039 = arith.index_cast %scan3A_1014 : i32 to index
          %get3A_1040 = arith.index_cast %mul3A_1038 : i32 to index
          %get3A_1041 = tpu.vector_load %arg17[%get3A_1039, %get3A_1040] {strides = array<i32>} : memref<64x512xf32, #tpu.memory_space<vmem>>, vector<16xf32>,
          %get3A_1042 = arith.constant 0 : i32
          %get3A_1043 = arith.index_cast %get3A_1042 : i32 to index
          %get3A_1044 = arith.index_cast %mul3A_1038 : i32 to index
          %get3A_1045 = tpu.vector_load %arg12[%get3A_1043, %get3A_1044] {strides = array<i32>} : memref<4x512xf32, #tpu.memory_space<vmem>>, vector<16xf32>,
          %mul3A_1046 = arith.mulf %gather3A_1020, %get3A_1045 : vector<16xf32>
          %add3A_1047 = arith.addf %get3A_1041, %mul3A_1046 : vector<16xf32>
          %get3A_1048 = arith.constant 1 : i32
          %get3A_1049 = arith.index_cast %get3A_1048 : i32 to index
          %get3A_1050 = arith.index_cast %mul3A_1038 : i32 to index
          %get3A_1051 = tpu.vector_load %arg12[%get3A_1049, %get3A_1050] {strides = array<i32>} : memref<4x512xf32, #tpu.memory_space<vmem>>, vector<16xf32>,
          %mul3A_1052 = arith.mulf %gather3A_1023, %get3A_1051 : vector<16xf32>
          %add3A_1053 = arith.addf %add3A_1047, %mul3A_1052 : vector<16xf32>
          %get3A_1054 = arith.constant 2 : i32
          %get3A_1055 = arith.index_cast %get3A_1054 : i32 to index
          %get3A_1056 = arith.index_cast %mul3A_1038 : i32 to index
          %get3A_1057 = tpu.vector_load %arg12[%get3A_1055, %get3A_1056] {strides = array<i32>} : memref<4x512xf32, #tpu.memory_space<vmem>>, vector<16xf32>,
          %mul3A_1058 = arith.mulf %gather3A_1026, %get3A_1057 : vector<16xf32>
          %add3A_1059 = arith.addf %add3A_1053, %mul3A_1058 : vector<16xf32>
          %get3A_1060 = arith.constant 3 : i32
          %get3A_1061 = arith.index_cast %get3A_1060 : i32 to index
          %get3A_1062 = arith.index_cast %mul3A_1038 : i32 to index
          %get3A_1063 = tpu.vector_load %arg12[%get3A_1061, %get3A_1062] {strides = array<i32>} : memref<4x512xf32, #tpu.memory_space<vmem>>, vector<16xf32>,
          %mul3A_1064 = arith.mulf %gather3A_1029, %get3A_1063 : vector<16xf32>
          %add3A_1065 = arith.addf %add3A_1059, %mul3A_1064 : vector<16xf32>
          %mul3A_1066 = arith.mulf %add3A_1065, %gather3A_1017 : vector<16xf32>
          %swap3A_1067 = arith.index_cast %scan3A_1014 : i32 to index
          %swap3A_1068 = arith.index_cast %mul3A_1038 : i32 to index
          %swap3A_1069 = tpu.vector_load %arg17[%swap3A_1067, %swap3A_1068] {strides = array<i32>} : memref<64x512xf32, #tpu.memory_space<vmem>>, vector<16xf32>,
          tpu.vector_store %arg17[%swap3A_1067, %swap3A_1068], %mul3A_1066 {strides = array<i32>} : memref<64x512xf32, #tpu.memory_space<vmem>>, vector<16xf32>,
        }
        %scan3A_1035 = arith.constant 32 : i32
      }
      %scan3A_1010 = arith.constant 64 : i32
      %mul3A_1011 = arith.constant 1024 : i32
      %mul3A_1012 = arith.muli %add3A, %mul3A_1011 : i32
      %add3A_1013 = arith.addi %mul3A_1012, %mul3A_1004 : i32
      "tpu.region"() ({
        %run_scoped3A = tpu.sem_alloc : memref<!tpu.dma_semaphore, #tpu.memory_space<semaphore_mem>>
        %dma_start3A_1014 = arith.constant 0 : i32
        %dma_start3A_1015 = tpu.memref_slice %arg7[%add3A_1013, %dma_start3A_1014] : memref<32768x512xf32, #tpu.memory_space<hbm>> -> memref<64x512xf32, #tpu.memory_space<hbm>>
        %dma_start3A_1016 = arith.constant 0 : i32
        %dma_start3A_1017 = tpu.memref_slice %arg7[%add3A_1013, %dma_start3A_1016] : memref<32768x512xf32, #tpu.memory_space<hbm>> -> memref<64x512xf32, #tpu.memory_space<hbm>>
        tpu.enqueue_dma source(%arg17 : memref<64x512xf32, #tpu.memory_space<vmem>>) target(%dma_start3A_1017 : memref<64x512xf32, #tpu.memory_space<hbm>>) target_semaphore(%run_scoped3A : memref<!tpu.dma_semaphore, #tpu.memory_space<semaphore_mem>>)
        %dma_wait3A_1018 = arith.constant 0 : i32
        %dma_wait3A_1019 = tpu.memref_slice %arg7[%add3A_1013, %dma_wait3A_1018] : memref<32768x512xf32, #tpu.memory_space<hbm>> -> memref<64x512xf32, #tpu.memory_space<hbm>>
        %dma_wait3A_1020 = arith.constant 0 : i32
        %dma_wait3A_1021 = tpu.memref_slice %arg7[%add3A_1013, %dma_wait3A_1020] : memref<32768x512xf32, #tpu.memory_space<hbm>> -> memref<64x512xf32, #tpu.memory_space<hbm>>
        tpu.wait_dma2 semaphore(%run_scoped3A : memref<!tpu.dma_semaphore, #tpu.memory_space<semaphore_mem>>) src(%arg17 : memref<64x512xf32, #tpu.memory_space<vmem>>) dst(%dma_wait3A_1021 : memref<64x512xf32, #tpu.memory_space<hbm>>)
        tpu.yield
      }) : () -> ()
    }
    %scan3A_957 = arith.constant 8 : i32
    return
  }
}

</mosaic_0001>

<sc_bundles>
// kernel: kernel.3.cloned.1.call-start
scs
__scs_entry_jumppad:
0x0: {  	(pc) =	sbr.rel $0x88, $3  }
0x1: {  	(tag) =	ssettag $0x0;
	lr =	simm.s32 $0x1  }
0x2: {  	[smem:$0x3F9C] =	sst lr;
	_ =	strace $0xD0000000  }
0x3: {  	_ = 	snop  }
0x4: {  	_ = 	snop  }
0x5: {  	_ = 	snop  }
0x6: {  	_ = 	snop  }
0x7: {  	_ = 	snop  }
__scs_overlays_trampoline_lowered:
0x8: {  	[smem:$0x3FAB] =	sst s0  }
0x9: {  	[smem:$0x3FAC] =	sst s1  }
0xa: {  	[smem:$0x3FAD] =	sst s2  }
0xb: {  	[smem:$0x3FAE] =	sst s3  }
0xc: {  	[smem:$0x3FAF] =	sst s4  }
0xd: {  	[smem:$0x3FB0] =	sst s5  }
0xe: {  	[smem:$0x3FB1] =	sst s6  }
0xf: {  	[smem:$0x3FB2] =	sst s7  }
0x10: {  	[smem:$0x3FB3] =	sst s8  }
0x11: {  	[smem:$0x3FB4] =	sst s9;
	s0 =	simm.s32 @!p0 $0x0  }
0x12: {  	s1 =	sld [smem:$0x3F9A];
	s0 =	simm.s32 @p0 $0x1  }
0x13: {  	[smem:$0x3FB5] =	sst s0;
	s0 =	simm.s32 @!p1 $0x0  }
0x14: {  	s2 =	sld [smem:$0x3F99];
	s0 =	simm.s32 @p1 $0x1  }
0x15: {  	[smem:$0x3FB6] =	sst s0;
	s0 =	simm.s32 @!p2 $0x0  }
0x16: {  	s3 =	sld [smem:$0x3FDB];
	s0 =	simm.s32 @p2 $0x1  }
0x17: {  	s4 =	simm.s32 $0x1BF5;
	[smem:$0x3FB8] =	sst s0  }
0x18: {  	s0 =	sld [smem:$0x3F9B];
	_ =	swait.ge [sflag:s4], $0x0  }
0x19: {  	s7 =	sld [smem:$0x3F9C]  }
0x1a: {  	s8 =	sadd.s32 $0xFFFFE003, lr  }
0x1b: {  	s9 =	sadd.s32 $0xFFFFFEF7, lr;
	s5 =	simm.s32 $0xFFFFFFFF;
	p2 =	slt.u32 s8, $0xFFFFF086  }
0x1c: {  	p1 =	slt.u32 s9, $0xF7A;
	s5 =	simm.s32 @!p2 $0x0  }
0x1d: {  	s5 =	simm.s32 @p1 $0x1;
	p0 =	seq.s32 s7, s2  }
0x1e: {  	s7 =	smul.u32 @!p0 $0xF7A, s2;
	p2 =	seq.s32 @!p0 s5, $0x0  }
0x1f: {  	s9 =	smul.u32 $0xF7A, s1;
	s8 =	simm.s32 @!p0 $0x1BF5;
	p2 =	por !p2, p0  }
0x20: {  	[sflag:s8] =	ssyncset.s32 @!p0 $0xFFFFF086;
	s6 =	sadd.s32 @!p0 s3, s7;
	s7 =	simm.s32 @!p0 $0x108  }
0x21: {  	s3 =	sadd.s32 s3, s9;
	s6 =	sadd.s32 @!p0 $0x88, s6;
	s7 =	simm.s32 @p2 $0x1082  }
0x22: {  	[simem:s7], [sflag:s8] =	dma.local @!p0 [hbm:s6], $0xF7A  }
0x23: {  	s9 =	sor.u32 $0xD0000000, s2;
	s6 =	simm.s32 $0x108;
	_ =	swait.ge @!p0 [sflag:s8], $0x0  }
0x24: {  	s3 =	sadd.s32 $0x88, s3;
	s6 =	simm.s32 @!p1 $0x1082;
	[sflag:s4] =	ssyncset.s32 $0xFFFFF086  }
0x25: {  	[simem:s6], [sflag:s4] =	dma.local [hbm:s3], $0xF7A  }
0x26: {  	[smem:$0x3F9C] =	sst s1;
	(tag) =	ssettag s2;
	_ =	strace s9  }
0x27: {  	s1 =	sld [smem:$0x3FAC]  }
0x28: {  	s2 =	sld [smem:$0x3FAD]  }
0x29: {  	s4 =	sld [smem:$0x3FAF]  }
0x2a: {  	p0 =	seq.s32 s5, $0x0;
	s5 =	sld [smem:$0x3FB0]  }
0x2b: {  	s6 =	sld [smem:$0x3FB1]  }
0x2c: {  	s7 =	sld [smem:$0x3FB2]  }
0x2d: {  	s3 =	simm.s32 $0x108;
	s8 =	sld [smem:$0x3FB3]  }
0x2e: {  	s3 =	simm.s32 @!p0 $0x1082;
	s9 =	sld [smem:$0x3FB4]  }
0x2f: {  	lr =	sadd.s32 s0, s3;
	s0 =	sld [smem:$0x3FAB]  }
0x30: {  	s3 =	sld [smem:$0x3FAE]  }
0x31: {  	[smem:$0x3FB7] =	sst s10  }
0x32: {  	s10 =	sld [smem:$0x3FB5];
	_ =	sdelay $0x3  }
0x33: {  	p0 =	seq.s32 s10, $0x1;
	s10 =	sld [smem:$0x3FB7];
	_ =	sdelay $0x3  }
0x34: {  	[smem:$0x3FB7] =	sst s10  }
0x35: {  	s10 =	sld [smem:$0x3FB6];
	_ =	sdelay $0x3  }
0x36: {  	p1 =	seq.s32 s10, $0x1;
	s10 =	sld [smem:$0x3FB7];
	_ =	sdelay $0x3  }
0x37: {  	[smem:$0x3FB7] =	sst s10  }
0x38: {  	s10 =	sld [smem:$0x3FB8]  }
0x39: {  	_ = 	snop;
	(pc) =	sbr.ind lr, $3  }
0x3a: {  	_ = 	snop  }
0x3b: {  	_ = 	snop  }
0x3c: {  	p2 =	seq.s32 s10, $0x1;
	s10 =	sld [smem:$0x3FB7]  }
0x3d: {  	_ =	shalt  }
0x3e: {  	_ =	shalt  }
0x3f: {  	_ =	shalt  }
0x40: {  	_ =	shalt  }
0x41: {  	_ =	shalt  }
0x42: {  	_ =	shalt  }
0x43: {  	_ =	shalt  }
0x44: {  	_ =	shalt  }
0x45: {  	_ =	shalt  }
0x46: {  	_ =	shalt  }
0x47: {  	_ =	shalt  }
0x48: {  	_ =	shalt  }
0x49: {  	_ =	shalt  }
0x4a: {  	_ =	shalt  }
0x4b: {  	_ =	shalt  }
0x4c: {  	_ =	shalt  }
0x4d: {  	_ =	shalt  }
0x4e: {  	_ =	shalt  }
0x4f: {  	_ =	shalt  }
0x50: {  	_ =	shalt  }
0x51: {  	_ =	shalt  }
0x52: {  	_ =	shalt  }
0x53: {  	_ =	shalt  }
0x54: {  	_ =	shalt  }
0x55: {  	_ =	shalt  }
0x56: {  	_ =	shalt  }
0x57: {  	_ =	shalt  }
0x58: {  	_ =	shalt  }
0x59: {  	_ =	shalt  }
0x5a: {  	_ =	shalt  }
0x5b: {  	_ =	shalt  }
0x5c: {  	_ =	shalt  }
0x5d: {  	_ =	shalt  }
0x5e: {  	_ =	shalt  }
0x5f: {  	_ =	shalt  }
0x60: {  	_ =	shalt  }
0x61: {  	_ =	shalt  }
0x62: {  	_ =	shalt  }
0x63: {  	_ =	shalt  }
0x64: {  	_ =	shalt  }
0x65: {  	_ =	shalt  }
0x66: {  	_ =	shalt  }
0x67: {  	_ =	shalt  }
0x68: {  	_ =	shalt  }
0x69: {  	_ =	shalt  }
0x6a: {  	_ =	shalt  }
0x6b: {  	_ =	shalt  }
0x6c: {  	_ =	shalt  }
0x6d: {  	_ =	shalt  }
0x6e: {  	_ =	shalt  }
0x6f: {  	_ =	shalt  }
0x70: {  	_ =	shalt  }
0x71: {  	_ =	shalt  }
0x72: {  	_ =	shalt  }
0x73: {  	_ =	shalt  }
0x74: {  	_ =	shalt  }
0x75: {  	_ =	shalt  }
0x76: {  	_ =	shalt  }
0x77: {  	_ =	shalt  }
0x78: {  	_ =	shalt  }
0x79: {  	_ =	shalt  }
0x7a: {  	_ =	shalt  }
0x7b: {  	_ =	shalt  }
0x7c: {  	_ =	shalt  }
0x7d: {  	_ =	shalt  }
0x7e: {  	_ =	shalt  }
0x7f: {  	_ =	shalt  }
0x80: {  	_ =	shalt  }
0x81: {  	_ =	shalt  }
0x82: {  	_ =	shalt  }
0x83: {  	_ =	shalt  }
0x84: {  	_ =	shalt  }
0x85: {  	_ =	shalt  }
0x86: {  	_ =	shalt  }
0x87: {  	_ =	shalt  }
.Lfunc_end0:
.L_simem_size_0:
called_computation_lowered:
.L_overlay_start_0:
0x88: {  	s2 =	sld [smem:$0x3FD9]  }
0x89: {  	s3 =	sld [smem:$0x3FFE];
	_ =	sdelay $0x1  }
0x8a: {  	s1 =	srdreg.scid  }
0x8b: {  	s0 =	sand.u32 $0x1, s1  }
0x8c: {  	s17 =	sshll.u32 s0, $0xA;
	s2 =	sadd.s32 s3, s2  }
0x8d: {  	s2 =	sadd.s32 s2, s17  }
0x8e: {  	[smem:$0x3FC3] =	sst s2  }
0x8f: {  	_ = 	snop  }
0x90: {  	s2 =	sld [smem:$0x3FC7]  }
0x91: {  	s18 =	sld [smem:$0x3FC6]  }
0x92: {  	s4 =	sld [smem:$0x3FC5]  }
0x93: {  	s5 =	sld [smem:$0x3FD0];
	(tm) =	ssettm $0x1  }
0x94: {  	s6 =	sld [smem:$0x3FFB];
	_ =	sdelay $0x3  }
0x95: {  	_ =	strace s6  }
0x96: {  	s6 =	sld [smem:$0x3FFC];
	_ =	sdelay $0x3  }
0x97: {  	_ =	strace s6  }
0x98: {  	s6 =	sld [smem:$0x3FFD];
	_ =	sdelay $0x3  }
0x99: {  	_ =	strace s6  }
0x9a: {  	_ =	strace $0x8FFFFFFF  }
0x9b: {  	s19 =	sld [smem:$0x3FDB];
	_ =	sdelay $0x1  }
0x9c: {  	s7 =	simm.s32 $_scs_section_size  }
0x9d: {  	s8 =	simm.s32 $_size__tile_overlayer_lowered;
	s9 =	simm.s32 $_tile_overlayer_lowered  }
0x9e: {  	s22 =	simm.s32 $0x1BFF;
	s21 =	sshll.u32 s9, $0x1;
	s6 =	sadd.s32 s7, s19  }
0x9f: {  	s10 =	simm.s32 $0x0;
	s20 =	sshll.u32 s8, $0x1;
	s8 =	sadd.s32 s21, s6  }
0xa0: {  	[timem:s10], [sflag:s22] =	dma.local [hbm:s8], s20  }
0xa1: {  	_ =	swait.ge [sflag:s22], s20  }
0xa2: {  	s7 =	ssub.s32 $0x0, s20;
	[sflag:s22] =	ssyncset.done $0x0  }
0xa3: {  	[sflag:s22] =	ssyncadd.s32 s7;
	_ =	sdelay $0x1  }
0xa4: {  	s23 =	simm.s32 $0x1B8B  }
0xa5: {  	_ =	swait.ge [sflag:s23], $0x1  }
0xa6: {  	[sflag:s23] =	ssyncset.done $0x0  }
0xa7: {  	s25 =	simm.s32 $0x1B8E;
	s24 =	sld [smem:$0x3FFE];
	[sflag:s23] =	ssyncadd.s32 $0xFFFFFFFF  }
0xa8: {  	s26 =	simm.s32 $execute0_lowered;
	[smem:$0x3FD2] =	sst s25  }
0xa9: {  	s8 =	sshll.u32 s26, $0x1;
	_ =	strace $0x80000046;
	[dreg:$0x1] =	wrdreg $0xFFFFFFFF  }
0xaa: {  	s28 =	simm.s32 $_size_execute0_lowered;
	s6 =	sadd.s32 s6, s8;
	[dreg:$0x0] =	wrdreg $0x0  }
0xab: {  	s8 =	sshll.u32 s28, $0x1;
	[dreg:$0x2] =	wrdreg s6  }
0xac: {  	[dreg:$0x3] =	wrdreg s8  }
0xad: {  	[dreg:$0x4] =	wrdreg $0xC0  }
0xae: {  	_ =	task [dreg:s10], $0x5FFFF  }
0xaf: {  	[dreg:$0x1] =	wrdreg $0xFFFFFFFF  }
0xb0: {  	[dreg:$0x0] =	wrdreg $0x60  }
0xb1: {  	[dreg:$0x2] =	wrdreg s24  }
0xb2: {  	[dreg:$0x3] =	wrdreg s2  }
0xb3: {  	[dreg:$0x4] =	wrdreg s18  }
0xb4: {  	[dreg:$0x5] =	wrdreg s4  }
0xb5: {  	[dreg:$0x6] =	wrdreg s5  }
0xb6: {  	[dreg:$0x7] =	wrdreg $0x9  }
0xb7: {  	_ =	task.clear_ibuf [dreg:s10], $0x8FFFF;
	_ =	strace $0x90000046  }
0xb8: {  	s29 =	simm.s32 $0x9;
	_ =	strace $0x80000048  }
0xb9: {  	_ =	swait.ge [sflag:s29], $0x1  }
0xba: {  	[sflag:s29] =	ssyncadd.s32 $0xFFFFFFFF  }
0xbb: {  	_ =	strace $0x90000048  }
0xbc: {  	_ =	sfence  }
0xbd: {  	s30 =	sld [smem:$0x0];
	_ =	sdelay $0x2  }
0xbe: {  	s31 =	sshll.u32 s1, $0xD;
	s1 =	sshrl.u32 s1, $0x2  }
0xbf: {  	s3 =	sand.u32 $0x4000, s31;
	s1 =	sadd.s32 s1, s30  }
0xc0: {  	s0 =	sor.u32 s3, s0;
	s1 =	sshll.u32 s1, $0x11  }
0xc1: {  	s0 =	sor.u32 s1, s0  }
0xc2: {  	s0 =	sadd.s32 $0x8F2B, s0  }
0xc3: {  	[sflag:s0] =	ssyncadd.remote.s32 $0x1  }
0xc4: {  	_ =	sfence.sel $0xFFFF  }
0xc5: {  	[dreg:$0x0] =	wrdreg $0xFFFFFFFF;
	(pc) =	sbr.abs _section_cstart, $3  }
0xc6: {  	[dreg:$0x1] =	wrdreg $0xFFFFFFFF  }
0xc7: {  	_ =	task.clear_ibuf [dreg:s10], $0x2FFFF;
	_ =	strace $0x9FFFFFFF  }
0xc8: {  	(tm) =	ssettm $0x7FFFFFFF  }
0xc9: {  	_ =	shalt  }
tec
execute0_lowered:
.L_overlay_start_1:
0x0: {  	(tag) =	ssettag $0x1  }
0x1: {  	s0 =	srdreg.scid  }
0x2: {  	s23 =	stileid.u32;
	s6 =	rddreg [dreg:$0x0];
	s1 =	sand.u32 $0x1, s0  }
0x3: {  	s25 =	sshll.u32 s23, $0x1;
	s7 =	sadd.s32 $0x400, s6;
	s2 =	ssub.s32 $0x2, s1  }
0x4: {  	s6 =	sadd.s32 $0x1400, s6;
	s0 =	sor.u32 s1, s25;
	s3 =	sshrl.u32 s2, $0x1  }
0x5: {  	s8 =	sshll.u32 s0, $0x6;
	s17 =	sshll.u32 s0, $0x3;
	s3 =	ssub.s32 s2, s3  }
0x6: {  	s9 =	sor.u32 $0x800, s8;
	s10 =	sor.u32 $0x1000, s8;
	s11 =	sor.u32 $0x1800, s8  }
0x7: {  	s12 =	sor.u32 $0x2000, s8;
	s13 =	sor.u32 $0x2800, s8;
	s14 =	sor.u32 $0x3000, s8  }
0x8: {  	s15 =	sor.u32 $0x3800, s8;
	s16 =	sor.u32 $0x4000, s8;
	s18 =	sor.u32 $0x4800, s8  }
0x9: {  	s19 =	sor.u32 $0x5000, s8;
	s20 =	sor.u32 $0x5800, s8;
	s21 =	sor.u32 $0x6000, s8  }
0xa: {  	s4 =	sor.u32 $0x6800, s8;
	s5 =	sor.u32 $0x7000, s8;
	s26 =	sadd.s32 s7, s17  }
0xb: {  	s2 =	sor.u32 $0x7800, s8;
	[dreg:$0x6] =	wrdreg s26;
	s28 =	sshrl.u32 s9, $0x3  }
0xc: {  	s29 =	sshrl.u32 s10, $0x3;
	s22 =	sshrl.u32 s11, $0x3;
	s8 =	sadd.s32 s7, s28  }
0xd: {  	s26 =	sshrl.u32 s12, $0x3;
	s24 =	sadd.s32 s7, s29;
	[dreg:$0x7] =	wrdreg s8  }
0xe: {  	s9 =	sshrl.u32 s9, $0x1;
	s25 =	sadd.s32 s7, s22;
	[dreg:$0x8] =	wrdreg s24  }
0xf: {  	s28 =	sshrl.u32 s13, $0x3;
	[dreg:$0x9] =	wrdreg s25;
	s8 =	sadd.s32 s7, s26  }
0x10: {  	s29 =	sshrl.u32 s14, $0x3;
	s24 =	sadd.s32 s7, s28;
	[dreg:$0xa] =	wrdreg s8  }
0x11: {  	s25 =	sadd.s32 s7, s29;
	s26 =	sshrl.u32 s15, $0x3;
	[dreg:$0xb] =	wrdreg s24  }
0x12: {  	s28 =	sshrl.u32 s16, $0x3;
	[dreg:$0xc] =	wrdreg s25;
	s8 =	sadd.s32 s7, s26  }
0x13: {  	s29 =	sshrl.u32 s18, $0x3;
	s24 =	sadd.s32 s7, s28;
	[dreg:$0xd] =	wrdreg s8  }
0x14: {  	s25 =	sadd.s32 s7, s29;
	s26 =	sshrl.u32 s19, $0x3;
	[dreg:$0xe] =	wrdreg s24  }
0x15: {  	s28 =	sshrl.u32 s20, $0x3;
	[dreg:$0xf] =	wrdreg s25;
	s8 =	sadd.s32 s7, s26  }
0x16: {  	s29 =	sshrl.u32 s21, $0x3;
	s17 =	sadd.s32 s7, s28;
	[dreg:$0x10] =	wrdreg s8  }
0x17: {  	s24 =	sadd.s32 s7, s29;
	s25 =	sshrl.u32 s4, $0x3;
	[dreg:$0x11] =	wrdreg s17  }
0x18: {  	s26 =	sshrl.u32 s5, $0x3;
	[dreg:$0x12] =	wrdreg s24;
	s8 =	sadd.s32 s7, s25  }
0x19: {  	s28 =	sshrl.u32 s2, $0x3;
	s29 =	sadd.s32 s7, s26;
	[dreg:$0x13] =	wrdreg s8  }
0x1a: {  	s10 =	sshrl.u32 s10, $0x1;
	s7 =	sadd.s32 s7, s28;
	[dreg:$0x14] =	wrdreg s29  }
0x1b: {  	s11 =	sshrl.u32 s11, $0x1;
	s17 =	simm.s32 $0x0;
	[dreg:$0x15] =	wrdreg s7  }
0x1c: {  	s24 =	sadd.s32 s6, s9;
	s26 =	sshrl.u32 s20, $0x1;
	[smem:$0x7FF] =	sst s17  }
0x1d: {  	s29 =	sshrl.u32 s5, $0x1;
	s5 =	sshrl.u32 s2, $0x1;
	s2 =	rddreg [dreg:$0x2]  }
0x1e: {  	s20 =	sadd.s32 s6, s26;
	s26 =	sadd.s32 s6, s5;
	s5 =	rddreg [dreg:$0x4]  }
0x1f: {  	s10 =	sadd.s32 s6, s10;
	_ =	strace $0x80000047;
	[dreg:$0x17] =	wrdreg s24  }
0x20: {  	s12 =	sshrl.u32 s12, $0x1;
	s11 =	sadd.s32 s6, s11;
	[dreg:$0x18] =	wrdreg s10  }
0x21: {  	s12 =	sadd.s32 s6, s12;
	s13 =	sshrl.u32 s13, $0x1;
	[dreg:$0x19] =	wrdreg s11  }
0x22: {  	s14 =	sshrl.u32 s14, $0x1;
	s13 =	sadd.s32 s6, s13;
	[dreg:$0x1a] =	wrdreg s12  }
0x23: {  	s14 =	sadd.s32 s6, s14;
	s15 =	sshrl.u32 s15, $0x1;
	[dreg:$0x1b] =	wrdreg s13  }
0x24: {  	s16 =	sshrl.u32 s16, $0x1;
	s15 =	sadd.s32 s6, s15;
	[dreg:$0x1c] =	wrdreg s14  }
0x25: {  	s18 =	sshrl.u32 s18, $0x1;
	s16 =	sadd.s32 s6, s16;
	[dreg:$0x1d] =	wrdreg s15  }
0x26: {  	s18 =	sadd.s32 s6, s18;
	s25 =	sshrl.u32 s19, $0x1;
	[dreg:$0x1e] =	wrdreg s16  }
0x27: {  	s19 =	sadd.s32 s6, s25;
	[dreg:$0x1f] =	wrdreg s18  }
0x28: {  	s4 =	sshrl.u32 s4, $0x1;
	s28 =	sshrl.u32 s21, $0x1;
	[smem:$0x7F2] =	sst s19  }
0x29: {  	s21 =	sadd.s32 s6, s4;
	s8 =	sshll.u32 s0, $0x5;
	[smem:$0x7F4] =	sst s20  }
0x2a: {  	s25 =	sadd.s32 s6, s29;
	s29 =	smax.u32 s3, $0x1;
	[smem:$0x7F8] =	sst s21  }
0x2b: {  	s22 =	sadd.s32 s6, s8;
	[smem:$0x7E7] =	sst s29  }
0x2c: {  	s3 =	sadd.s32 $0x10, s24;
	[dreg:$0x16] =	wrdreg s22  }
0x2d: {  	s10 =	sadd.s32 $0x10, s10;
	[smem:$0x7E9] =	sst s3  }
0x2e: {  	s30 =	simm.s32 $0x12480;
	s11 =	sadd.s32 $0x10, s11;
	[smem:$0x7EA] =	sst s10  }
0x2f: {  	s31 =	simm.s32 $0x13480;
	s12 =	sadd.s32 $0x10, s12;
	[smem:$0x7EB] =	sst s11  }
0x30: {  	s9 =	sshll.u32 s1, $0x6;
	s13 =	sadd.s32 $0x10, s13;
	[smem:$0x7EC] =	sst s12  }
0x31: {  	s1 =	sshll.u32 s1, $0xA;
	s14 =	sadd.s32 $0x10, s14;
	[smem:$0x7ED] =	sst s13  }
0x32: {  	s7 =	sshll.u32 s23, $0x7;
	s15 =	sadd.s32 $0x10, s15;
	[smem:$0x7EE] =	sst s14  }
0x33: {  	s8 =	sadd.s32 s6, s28;
	s16 =	sadd.s32 $0x10, s16;
	[smem:$0x7EF] =	sst s15  }
0x34: {  	s4 =	sor.u32 s9, s7;
	s18 =	sadd.s32 $0x10, s18;
	[smem:$0x7F0] =	sst s16  }
0x35: {  	s28 =	sshll.u32 s23, $0xB;
	s19 =	sadd.s32 $0x10, s19;
	[smem:$0x7F1] =	sst s18  }
0x36: {  	s7 =	sshll.u32 s0, $0xA;
	s9 =	sadd.s32 $0x100, s2;
	[smem:$0x7F3] =	sst s19  }
0x37: {  	s24 =	sadd.s32 $0x10, s21;
	s21 =	simm.s32 $0x2880;
	[smem:$0x7F6] =	sst s8  }
0x38: {  	s0 =	simm.s32 $0x3;
	s6 =	sor.u32 s1, s28;
	[smem:$0x7F9] =	sst s24  }
0x39: {  	s1 =	sadd.s32 $0x10, s22;
	s22 =	sadd.s32 $0x10, s20;
	[smem:$0x7FA] =	sst s25  }
0x3a: {  	s23 =	sadd.s32 $0x10, s8;
	s28 =	sadd.s32 $0x10, s25;
	[smem:$0x7FC] =	sst s26  }
0x3b: {  	s29 =	sadd.s32 $0x10, s26;
	s10 =	simm.s32 $0x80;
	[smem:$0x7E8] =	sst s1  }
0x3c: {  	s11 =	simm.s32 $0x880;
	s12 =	simm.s32 $0x1;
	[smem:$0x7F5] =	sst s22  }
0x3d: {  	v0 =	vlaneseq.u32;
	v1 =	vimm.s32 $0x0;
	s26 =	simm.s32 $0x3C80;
	s8 =	simm.s32 $0xBC80;
	[smem:$0x7F7] =	sst s23  }
0x3e: {  	v2 =	vimm.f32 $0.0e+00;
	vm0 =	vmmov $0xffff;
	v4 =	vshrl.u32 v0, $0x3;
	s20 =	simm.s32 $0x12C80;
	s3 =	simm.s32 $0x0;
	[smem:$0x7FB] =	sst s28  }
0x3f: {  	v3 =	vand.u32 $0x7, v0;
	v5 =	vor.u32 $0x8, v0;
	v4 =	vmul.u32 $0x8, v4;
	[smem:$0x7FD] =	sst s29;
	s22 =	simm.s32 $0x2C80;
	s23 =	simm.s32 $0x2  }
.LBB2_1:
0x40: {  	[smem:$0x7E6] =	sst s3  }
0x41: {  	s1 =	rddreg [dreg:$0x1]  }
0x42: {  	s16 =	rddreg [dreg:$0x3]  }
0x43: {  	[tilespmem:s17], [sflag:$0x1] =	stream.linear.gather [hbm4b:s1+s17], $0x80, $0x38;
	[tilespmem:$0x13C80] =	vst v63  }
0x44: {  	s18 =	simm.s32 $0x1880;
	s19 =	rddreg [dreg:$0x6]  }
0x45: {  	[tilespmem:s18], [sflag:$0x1] =	stream.linear.gather [hbm4b:s16+s17], $0x800, $0x38;
	[tilespmem:$0x13C80] =	vst v63  }
0x46: {  	s24 =	rddreg [dreg:$0x16]  }
0x47: {  	[tilespmem:s10], [sflag:$0x1] =	stream.linear.gather [hbm4b:s19+s17], $0x40, $0x38;
	[tilespmem:$0x13C80] =	vst v63  }
0x48: {  	s25 =	sld [smem:$0x7E8]  }
0x49: {  	[tilespmem:s11], [sflag:$0x1] =	stream.linear.gather [hbm4b:s24+s17], $0x80, $0x38;
	[tilespmem:$0x13C80] =	vst v63  }
0x4a: {  	s29 =	simm.s32 $0xC80;
	s3 =	rddreg [dreg:$0x7]  }
0x4b: {  	[tilespmem:s29], [sflag:$0x1] =	stream.linear.gather [hbm4b:s25+s17], $0x80, $0x38;
	[tilespmem:$0x13C80] =	vst v63  }
0x4c: {  	s13 =	simm.s32 $0x100;
	s14 =	rddreg [dreg:$0x17]  }
0x4d: {  	[tilespmem:s13], [sflag:$0x1] =	stream.linear.gather [hbm4b:s3+s17], $0x40, $0x38;
	[tilespmem:$0x13C80] =	vst v63  }
0x4e: {  	s15 =	simm.s32 $0x900;
	s16 =	sld [smem:$0x7E9]  }
0x4f: {  	[tilespmem:s15], [sflag:$0x1] =	stream.linear.gather [hbm4b:s14+s17], $0x80, $0x38;
	[tilespmem:$0x13C80] =	vst v63  }
0x50: {  	s18 =	simm.s32 $0xD00;
	s19 =	rddreg [dreg:$0x8]  }
0x51: {  	[tilespmem:s18], [sflag:$0x1] =	stream.linear.gather [hbm4b:s16+s17], $0x80, $0x38;
	[tilespmem:$0x13C80] =	vst v63  }
0x52: {  	s24 =	simm.s32 $0x180;
	s25 =	rddreg [dreg:$0x18]  }
0x53: {  	[tilespmem:s24], [sflag:$0x1] =	stream.linear.gather [hbm4b:s19+s17], $0x40, $0x38;
	[tilespmem:$0x13C80] =	vst v63  }
0x54: {  	s29 =	simm.s32 $0x980;
	s3 =	sld [smem:$0x7EA]  }
0x55: {  	[tilespmem:s29], [sflag:$0x1] =	stream.linear.gather [hbm4b:s25+s17], $0x80, $0x38;
	[tilespmem:$0x13C80] =	vst v63  }
0x56: {  	s13 =	simm.s32 $0xD80;
	s14 =	rddreg [dreg:$0x9]  }
0x57: {  	[tilespmem:s13], [sflag:$0x1] =	stream.linear.gather [hbm4b:s3+s17], $0x80, $0x38;
	[tilespmem:$0x13C80] =	vst v63  }
0x58: {  	s15 =	simm.s32 $0x200;
	s16 =	rddreg [dreg:$0x19]  }
0x59: {  	[tilespmem:s15], [sflag:$0x1] =	stream.linear.gather [hbm4b:s14+s17], $0x40, $0x38;
	[tilespmem:$0x13C80] =	vst v63  }
0x5a: {  	s18 =	simm.s32 $0xA00;
	s19 =	sld [smem:$0x7EB]  }
0x5b: {  	[tilespmem:s18], [sflag:$0x1] =	stream.linear.gather [hbm4b:s16+s17], $0x80, $0x38;
	[tilespmem:$0x13C80] =	vst v63  }
0x5c: {  	s24 =	simm.s32 $0xE00;
	s25 =	rddreg [dreg:$0xa]  }
0x5d: {  	[tilespmem:s24], [sflag:$0x1] =	stream.linear.gather [hbm4b:s19+s17], $0x80, $0x38;
	[tilespmem:$0x13C80] =	vst v63  }
0x5e: {  	s29 =	simm.s32 $0x280;
	s3 =	rddreg [dreg:$0x1a]  }
0x5f: {  	[tilespmem:s29], [sflag:$0x1] =	stream.linear.gather [hbm4b:s25+s17], $0x40, $0x38;
	[tilespmem:$0x13C80] =	vst v63  }
0x60: {  	s13 =	simm.s32 $0xA80;
	s14 =	sld [smem:$0x7EC]  }
0x61: {  	[tilespmem:s13], [sflag:$0x1] =	stream.linear.gather [hbm4b:s3+s17], $0x80, $0x38;
	[tilespmem:$0x13C80] =	vst v63  }
0x62: {  	s15 =	simm.s32 $0xE80;
	s16 =	rddreg [dreg:$0xb]  }
0x63: {  	[tilespmem:s15], [sflag:$0x1] =	stream.linear.gather [hbm4b:s14+s17], $0x80, $0x38;
	[tilespmem:$0x13C80] =	vst v63  }
0x64: {  	s18 =	simm.s32 $0x300;
	s19 =	rddreg [dreg:$0x1b]  }
0x65: {  	[tilespmem:s18], [sflag:$0x1] =	stream.linear.gather [hbm4b:s16+s17], $0x40, $0x38;
	[tilespmem:$0x13C80] =	vst v63  }
0x66: {  	s24 =	simm.s32 $0xB00;
	s25 =	sld [smem:$0x7ED]  }
0x67: {  	[tilespmem:s24], [sflag:$0x1] =	stream.linear.gather [hbm4b:s19+s17], $0x80, $0x38;
	[tilespmem:$0x13C80] =	vst v63  }
0x68: {  	s29 =	simm.s32 $0xF00;
	s3 =	rddreg [dreg:$0xc]  }
0x69: {  	[tilespmem:s29], [sflag:$0x1] =	stream.linear.gather [hbm4b:s25+s17], $0x80, $0x38;
	[tilespmem:$0x13C80] =	vst v63  }
0x6a: {  	s13 =	simm.s32 $0x380;
	s14 =	rddreg [dreg:$0x1c]  }
0x6b: {  	[tilespmem:s13], [sflag:$0x1] =	stream.linear.gather [hbm4b:s3+s17], $0x40, $0x38;
	[tilespmem:$0x13C80] =	vst v63  }
0x6c: {  	s15 =	simm.s32 $0xB80;
	s16 =	sld [smem:$0x7EE]  }
0x6d: {  	[tilespmem:s15], [sflag:$0x1] =	stream.linear.gather [hbm4b:s14+s17], $0x80, $0x38;
	[tilespmem:$0x13C80] =	vst v63  }
0x6e: {  	s18 =	simm.s32 $0xF80;
	s19 =	rddreg [dreg:$0xd]  }
0x6f: {  	[tilespmem:s18], [sflag:$0x1] =	stream.linear.gather [hbm4b:s16+s17], $0x80, $0x38;
	[tilespmem:$0x13C80] =	vst v63  }
0x70: {  	s24 =	simm.s32 $0x400;
	s25 =	rddreg [dreg:$0x1d]  }
0x71: {  	[tilespmem:s24], [sflag:$0x1] =	stream.linear.gather [hbm4b:s19+s17], $0x40, $0x38;
	[tilespmem:$0x13C80] =	vst v63  }
0x72: {  	s29 =	simm.s32 $0xC00;
	s3 =	sld [smem:$0x7EF]  }
0x73: {  	[tilespmem:s29], [sflag:$0x1] =	stream.linear.gather [hbm4b:s25+s17], $0x80, $0x38;
	[tilespmem:$0x13C80] =	vst v63  }
0x74: {  	s13 =	simm.s32 $0x1000;
	s14 =	rddreg [dreg:$0xe]  }
0x75: {  	[tilespmem:s13], [sflag:$0x1] =	stream.linear.gather [hbm4b:s3+s17], $0x80, $0x38;
	[tilespmem:$0x13C80] =	vst v63  }
0x76: {  	s15 =	simm.s32 $0x480;
	s16 =	rddreg [dreg:$0x1e]  }
0x77: {  	[tilespmem:s15], [sflag:$0x1] =	stream.linear.gather [hbm4b:s14+s17], $0x40, $0x38;
	[tilespmem:$0x13C80] =	vst v63  }
0x78: {  	s18 =	simm.s32 $0x1080;
	s19 =	sld [smem:$0x7F0]  }
0x79: {  	[tilespmem:s18], [sflag:$0x1] =	stream.linear.gather [hbm4b:s16+s17], $0x80, $0x38;
	[tilespmem:$0x13C80] =	vst v63  }
0x7a: {  	s24 =	simm.s32 $0x1480;
	s25 =	rddreg [dreg:$0xf]  }
0x7b: {  	[tilespmem:s24], [sflag:$0x1] =	stream.linear.gather [hbm4b:s19+s17], $0x80, $0x38;
	[tilespmem:$0x13C80] =	vst v63  }
0x7c: {  	s29 =	simm.s32 $0x500;
	s3 =	rddreg [dreg:$0x1f]  }
0x7d: {  	[tilespmem:s29], [sflag:$0x1] =	stream.linear.gather [hbm4b:s25+s17], $0x40, $0x38;
	[tilespmem:$0x13C80] =	vst v63  }
0x7e: {  	s13 =	simm.s32 $0x1100;
	s14 =	sld [smem:$0x7F1]  }
0x7f: {  	[tilespmem:s13], [sflag:$0x1] =	stream.linear.gather [hbm4b:s3+s17], $0x80, $0x38;
	[tilespmem:$0x13C80] =	vst v63  }
0x80: {  	s15 =	simm.s32 $0x1500;
	s16 =	rddreg [dreg:$0x10]  }
0x81: {  	[tilespmem:s15], [sflag:$0x1] =	stream.linear.gather [hbm4b:s14+s17], $0x80, $0x38;
	[tilespmem:$0x13C80] =	vst v63  }
0x82: {  	s18 =	simm.s32 $0x580;
	s19 =	sld [smem:$0x7F2]  }
0x83: {  	[tilespmem:s18], [sflag:$0x1] =	stream.linear.gather [hbm4b:s16+s17], $0x40, $0x38;
	[tilespmem:$0x13C80] =	vst v63  }
0x84: {  	s24 =	simm.s32 $0x1180;
	s25 =	sld [smem:$0x7F3]  }
0x85: {  	[tilespmem:s24], [sflag:$0x1] =	stream.linear.gather [hbm4b:s19+s17], $0x80, $0x38;
	[tilespmem:$0x13C80] =	vst v63  }
0x86: {  	s29 =	simm.s32 $0x1580;
	s3 =	rddreg [dreg:$0x11]  }
0x87: {  	[tilespmem:s29], [sflag:$0x1] =	stream.linear.gather [hbm4b:s25+s17], $0x80, $0x38;
	[tilespmem:$0x13C80] =	vst v63  }
0x88: {  	s13 =	simm.s32 $0x600;
	s14 =	sld [smem:$0x7F4]  }
0x89: {  	[tilespmem:s13], [sflag:$0x1] =	stream.linear.gather [hbm4b:s3+s17], $0x40, $0x38;
	[tilespmem:$0x13C80] =	vst v63  }
0x8a: {  	s15 =	simm.s32 $0x1200;
	s16 =	sld [smem:$0x7F5]  }
0x8b: {  	[tilespmem:s15], [sflag:$0x1] =	stream.linear.gather [hbm4b:s14+s17], $0x80, $0x38;
	[tilespmem:$0x13C80] =	vst v63  }
0x8c: {  	s18 =	simm.s32 $0x1600;
	s19 =	rddreg [dreg:$0x12]  }
0x8d: {  	[tilespmem:s18], [sflag:$0x1] =	stream.linear.gather [hbm4b:s16+s17], $0x80, $0x38;
	[tilespmem:$0x13C80] =	vst v63  }
0x8e: {  	s24 =	simm.s32 $0x680;
	s25 =	sld [smem:$0x7F6]  }
0x8f: {  	[tilespmem:s24], [sflag:$0x1] =	stream.linear.gather [hbm4b:s19+s17], $0x40, $0x38;
	[tilespmem:$0x13C80] =	vst v63  }
0x90: {  	s29 =	simm.s32 $0x1280;
	s3 =	sld [smem:$0x7F7]  }
0x91: {  	[tilespmem:s29], [sflag:$0x1] =	stream.linear.gather [hbm4b:s25+s17], $0x80, $0x38;
	[tilespmem:$0x13C80] =	vst v63  }
0x92: {  	s13 =	simm.s32 $0x1680;
	s14 =	rddreg [dreg:$0x13]  }
0x93: {  	[tilespmem:s13], [sflag:$0x1] =	stream.linear.gather [hbm4b:s3+s17], $0x80, $0x38;
	[tilespmem:$0x13C80] =	vst v63  }
0x94: {  	s15 =	simm.s32 $0x700;
	s16 =	sld [smem:$0x7F8]  }
0x95: {  	[tilespmem:s15], [sflag:$0x1] =	stream.linear.gather [hbm4b:s14+s17], $0x40, $0x38;
	[tilespmem:$0x13C80] =	vst v63  }
0x96: {  	s18 =	simm.s32 $0x1300;
	s19 =	sld [smem:$0x7F9]  }
0x97: {  	[tilespmem:s18], [sflag:$0x1] =	stream.linear.gather [hbm4b:s16+s17], $0x80, $0x38;
	[tilespmem:$0x13C80] =	vst v63  }
0x98: {  	s24 =	simm.s32 $0x1700;
	s25 =	rddreg [dreg:$0x14]  }
0x99: {  	[tilespmem:s24], [sflag:$0x1] =	stream.linear.gather [hbm4b:s19+s17], $0x80, $0x38;
	[tilespmem:$0x13C80] =	vst v63  }
0x9a: {  	s29 =	simm.s32 $0x780;
	s3 =	sld [smem:$0x7FA]  }
0x9b: {  	[tilespmem:s29], [sflag:$0x1] =	stream.linear.gather [hbm4b:s25+s17], $0x40, $0x38;
	[tilespmem:$0x13C80] =	vst v63  }
0x9c: {  	s13 =	simm.s32 $0x1380;
	s14 =	sld [smem:$0x7FB]  }
0x9d: {  	[tilespmem:s13], [sflag:$0x1] =	stream.linear.gather [hbm4b:s3+s17], $0x80, $0x38;
	[tilespmem:$0x13C80] =	vst v63  }
0x9e: {  	s15 =	simm.s32 $0x1780;
	s16 =	rddreg [dreg:$0x15]  }
0x9f: {  	[tilespmem:s15], [sflag:$0x1] =	stream.linear.gather [hbm4b:s14+s17], $0x80, $0x38;
	[tilespmem:$0x13C80] =	vst v63  }
0xa0: {  	s18 =	simm.s32 $0x800;
	s19 =	sld [smem:$0x7FC]  }
0xa1: {  	[tilespmem:s18], [sflag:$0x1] =	stream.linear.gather [hbm4b:s16+s17], $0x40, $0x38;
	[tilespmem:$0x13C80] =	vst v63  }
0xa2: {  	s24 =	simm.s32 $0x1400;
	s25 =	sld [smem:$0x7FD]  }
0xa3: {  	[tilespmem:s24], [sflag:$0x1] =	stream.linear.gather [hbm4b:s19+s17], $0x80, $0x38;
	[tilespmem:$0x13C80] =	vst v63  }
0xa4: {  	s29 =	simm.s32 $0x1800  }
0xa5: {  	[tilespmem:s29], [sflag:$0x1] =	stream.linear.gather [hbm4b:s25+s17], $0x80, $0x38;
	[tilespmem:$0x13C80] =	vst v63  }
0xa6: {  	_ =	swait.ge [sflag:s12], $0x80  }
0xa7: {  	[sflag:s12] =	ssyncset.done $0x0  }
0xa8: {  	[sflag:s12] =	ssyncadd.s32 $0xFFFFFF80  }
0xa9: {  	_ =	swait.ge [sflag:s12], $0x800  }
0xaa: {  	[sflag:s12] =	ssyncset.done $0x0  }
0xab: {  	[sflag:s12] =	ssyncadd.s32 $0xFFFFF800  }
0xac: {  	_ =	swait.ge [sflag:s12], $0x40  }
0xad: {  	[sflag:s12] =	ssyncset.done $0x0  }
0xae: {  	[sflag:s12] =	ssyncadd.s32 $0xFFFFFFC0  }
0xaf: {  	_ =	swait.ge [sflag:s12], $0x100  }
0xb0: {  	[sflag:s12] =	ssyncset.done $0x0  }
0xb1: {  	[sflag:s12] =	ssyncadd.s32 $0xFFFFFF00  }
0xb2: {  	_ =	swait.ge [sflag:s12], $0x40  }
0xb3: {  	[sflag:s12] =	ssyncset.done $0x0  }
0xb4: {  	[sflag:s12] =	ssyncadd.s32 $0xFFFFFFC0  }
0xb5: {  	_ =	swait.ge [sflag:s12], $0x100  }
0xb6: {  	[sflag:s12] =	ssyncset.done $0x0  }
0xb7: {  	[sflag:s12] =	ssyncadd.s32 $0xFFFFFF00  }
0xb8: {  	_ =	swait.ge [sflag:s12], $0x40  }
0xb9: {  	[sflag:s12] =	ssyncset.done $0x0  }
0xba: {  	[sflag:s12] =	ssyncadd.s32 $0xFFFFFFC0  }
0xbb: {  	_ =	swait.ge [sflag:s12], $0x100  }
0xbc: {  	[sflag:s12] =	ssyncset.done $0x0  }
0xbd: {  	[sflag:s12] =	ssyncadd.s32 $0xFFFFFF00  }
0xbe: {  	_ =	swait.ge [sflag:s12], $0x40  }
0xbf: {  	[sflag:s12] =	ssyncset.done $0x0  }
0xc0: {  	[sflag:s12] =	ssyncadd.s32 $0xFFFFFFC0  }
0xc1: {  	_ =	swait.ge [sflag:s12], $0x100  }
0xc2: {  	[sflag:s12] =	ssyncset.done $0x0  }
0xc3: {  	[sflag:s12] =	ssyncadd.s32 $0xFFFFFF00  }
0xc4: {  	_ =	swait.ge [sflag:s12], $0x40  }
0xc5: {  	[sflag:s12] =	ssyncset.done $0x0  }
0xc6: {  	[sflag:s12] =	ssyncadd.s32 $0xFFFFFFC0  }
0xc7: {  	_ =	swait.ge [sflag:s12], $0x100  }
0xc8: {  	[sflag:s12] =	ssyncset.done $0x0  }
0xc9: {  	[sflag:s12] =	ssyncadd.s32 $0xFFFFFF00  }
0xca: {  	_ =	swait.ge [sflag:s12], $0x40  }
0xcb: {  	[sflag:s12] =	ssyncset.done $0x0  }
0xcc: {  	[sflag:s12] =	ssyncadd.s32 $0xFFFFFFC0  }
0xcd: {  	_ =	swait.ge [sflag:s12], $0x100  }
0xce: {  	[sflag:s12] =	ssyncset.done $0x0  }
0xcf: {  	[sflag:s12] =	ssyncadd.s32 $0xFFFFFF00  }
0xd0: {  	_ =	swait.ge [sflag:s12], $0x40  }
0xd1: {  	[sflag:s12] =	ssyncset.done $0x0  }
0xd2: {  	[sflag:s12] =	ssyncadd.s32 $0xFFFFFFC0  }
0xd3: {  	_ =	swait.ge [sflag:s12], $0x100  }
0xd4: {  	[sflag:s12] =	ssyncset.done $0x0  }
0xd5: {  	[sflag:s12] =	ssyncadd.s32 $0xFFFFFF00  }
0xd6: {  	_ =	swait.ge [sflag:s12], $0x40  }
0xd7: {  	[sflag:s12] =	ssyncset.done $0x0  }
0xd8: {  	[sflag:s12] =	ssyncadd.s32 $0xFFFFFFC0  }
0xd9: {  	_ =	swait.ge [sflag:s12], $0x100  }
0xda: {  	[sflag:s12] =	ssyncset.done $0x0  }
0xdb: {  	[sflag:s12] =	ssyncadd.s32 $0xFFFFFF00  }
0xdc: {  	_ =	swait.ge [sflag:s12], $0x40  }
0xdd: {  	[sflag:s12] =	ssyncset.done $0x0  }
0xde: {  	[sflag:s12] =	ssyncadd.s32 $0xFFFFFFC0  }
0xdf: {  	_ =	swait.ge [sflag:s12], $0x100  }
0xe0: {  	[sflag:s12] =	ssyncset.done $0x0  }
0xe1: {  	[sflag:s12] =	ssyncadd.s32 $0xFFFFFF00  }
0xe2: {  	_ =	swait.ge [sflag:s12], $0x40  }
0xe3: {  	[sflag:s12] =	ssyncset.done $0x0  }
0xe4: {  	[sflag:s12] =	ssyncadd.s32 $0xFFFFFFC0  }
0xe5: {  	_ =	swait.ge [sflag:s12], $0x100  }
0xe6: {  	[sflag:s12] =	ssyncset.done $0x0  }
0xe7: {  	[sflag:s12] =	ssyncadd.s32 $0xFFFFFF00  }
0xe8: {  	_ =	swait.ge [sflag:s12], $0x40  }
0xe9: {  	[sflag:s12] =	ssyncset.done $0x0  }
0xea: {  	[sflag:s12] =	ssyncadd.s32 $0xFFFFFFC0  }
0xeb: {  	_ =	swait.ge [sflag:s12], $0x100  }
0xec: {  	[sflag:s12] =	ssyncset.done $0x0  }
0xed: {  	[sflag:s12] =	ssyncadd.s32 $0xFFFFFF00  }
0xee: {  	_ =	swait.ge [sflag:s12], $0x40  }
0xef: {  	[sflag:s12] =	ssyncset.done $0x0  }
0xf0: {  	[sflag:s12] =	ssyncadd.s32 $0xFFFFFFC0  }
0xf1: {  	_ =	swait.ge [sflag:s12], $0x100  }
0xf2: {  	[sflag:s12] =	ssyncset.done $0x0  }
0xf3: {  	[sflag:s12] =	ssyncadd.s32 $0xFFFFFF00  }
0xf4: {  	_ =	swait.ge [sflag:s12], $0x40  }
0xf5: {  	[sflag:s12] =	ssyncset.done $0x0  }
0xf6: {  	[sflag:s12] =	ssyncadd.s32 $0xFFFFFFC0  }
0xf7: {  	_ =	swait.ge [sflag:s12], $0x100  }
0xf8: {  	[sflag:s12] =	ssyncset.done $0x0  }
0xf9: {  	[sflag:s12] =	ssyncadd.s32 $0xFFFFFF00  }
0xfa: {  	_ =	swait.ge [sflag:s12], $0x40  }
0xfb: {  	[sflag:s12] =	ssyncset.done $0x0  }
0xfc: {  	[sflag:s12] =	ssyncadd.s32 $0xFFFFFFC0  }
0xfd: {  	_ =	swait.ge [sflag:s12], $0x100  }
0xfe: {  	[sflag:s12] =	ssyncset.done $0x0  }
0xff: {  	[sflag:s12] =	ssyncadd.s32 $0xFFFFFF00  }
0x100: {  	_ =	swait.ge [sflag:s12], $0x40  }
0x101: {  	[sflag:s12] =	ssyncset.done $0x0  }
0x102: {  	[sflag:s12] =	ssyncadd.s32 $0xFFFFFFC0  }
0x103: {  	_ =	swait.ge [sflag:s12], $0x100  }
0x104: {  	[sflag:s12] =	ssyncset.done $0x0  }
0x105: {  	[sflag:s12] =	ssyncadd.s32 $0xFFFFFF00  }
0x106: {  	_ =	swait.ge [sflag:s12], $0x40  }
0x107: {  	[sflag:s12] =	ssyncset.done $0x0  }
0x108: {  	[sflag:s12] =	ssyncadd.s32 $0xFFFFFFC0  }
0x109: {  	_ =	swait.ge [sflag:s12], $0x100  }
0x10a: {  	[sflag:s12] =	ssyncset.done $0x0  }
0x10b: {  	[sflag:s12] =	ssyncadd.s32 $0xFFFFFF00  }
0x10c: {  	v6 =	vld [tilespmem:$0x0];
	_ =	sdelay $0x4  }
0x10d: {  	v6 =	vshll.u32 v6, $0x4  }
0x10e: {  	v6 =	vsub.s32 v0, v6  }
0x10f: {  	v6 =	vxor.u32 $0x80000000, v6  }
0x110: {  	(xrf1) =	vsort.ascd.msk.u32 $0xffff, v6, v0;
	_ =	sdelay $0xd  }
0x111: {  	_, v7, _ =	vpop (xrf1);
	_ =	sdelay $0x3  }
0x112: {  	v6 =	vld.idx.msk [tilespmem:v7+s17+$0x0], $0xffff;
	[tilespmem:$0x2080] =	vst v1  }
0x113: {  	[tilespmem:$0x2090] =	vst v1  }
0x114: {  	[tilespmem:$0x20A0] =	vst v1  }
0x115: {  	[tilespmem:$0x20B0] =	vst v1  }
0x116: {  	[tilespmem:$0x2100] =	vst v1  }
0x117: {  	[tilespmem:$0x2110] =	vst v1  }
0x118: {  	[tilespmem:$0x2120] =	vst v1  }
0x119: {  	[tilespmem:$0x2130] =	vst v1  }
0x11a: {  	[tilespmem:$0x2180] =	vst v1  }
0x11b: {  	[tilespmem:$0x2190] =	vst v1  }
0x11c: {  	[tilespmem:$0x21A0] =	vst v1  }
0x11d: {  	[tilespmem:$0x21B0] =	vst v1  }
0x11e: {  	[tilespmem:$0x2200] =	vst v1  }
0x11f: {  	[tilespmem:$0x2210] =	vst v1  }
0x120: {  	[tilespmem:$0x2220] =	vst v1  }
0x121: {  	[tilespmem:$0x2230] =	vst v1  }
0x122: {  	[tilespmem:$0x2280] =	vst v1  }
0x123: {  	[tilespmem:$0x2290] =	vst v1  }
0x124: {  	[tilespmem:$0x22A0] =	vst v1  }
0x125: {  	[tilespmem:$0x22B0] =	vst v1  }
0x126: {  	[tilespmem:$0x2300] =	vst v1  }
0x127: {  	[tilespmem:$0x2310] =	vst v1  }
0x128: {  	[tilespmem:$0x2320] =	vst v1  }
0x129: {  	[tilespmem:$0x2330] =	vst v1  }
0x12a: {  	[tilespmem:$0x2380] =	vst v1  }
0x12b: {  	[tilespmem:$0x2390] =	vst v1  }
0x12c: {  	[tilespmem:$0x23A0] =	vst v1  }
0x12d: {  	[tilespmem:$0x23B0] =	vst v1  }
0x12e: {  	[tilespmem:$0x2400] =	vst v1  }
0x12f: {  	[tilespmem:$0x2410] =	vst v1  }
0x130: {  	[tilespmem:$0x2420] =	vst v1  }
0x131: {  	[tilespmem:$0x2430] =	vst v1  }
0x132: {  	[tilespmem:$0x2480] =	vst v1  }
0x133: {  	[tilespmem:$0x2490] =	vst v1  }
0x134: {  	[tilespmem:$0x24A0] =	vst v1  }
0x135: {  	[tilespmem:$0x24B0] =	vst v1  }
0x136: {  	[tilespmem:$0x2500] =	vst v1  }
0x137: {  	[tilespmem:$0x2510] =	vst v1  }
0x138: {  	[tilespmem:$0x2520] =	vst v1  }
0x139: {  	[tilespmem:$0x2530] =	vst v1  }
0x13a: {  	[tilespmem:$0x2580] =	vst v1  }
0x13b: {  	[tilespmem:$0x2590] =	vst v1  }
0x13c: {  	[tilespmem:$0x25A0] =	vst v1  }
0x13d: {  	[tilespmem:$0x25B0] =	vst v1  }
0x13e: {  	[tilespmem:$0x2600] =	vst v1  }
0x13f: {  	[tilespmem:$0x2610] =	vst v1  }
0x140: {  	[tilespmem:$0x2620] =	vst v1  }
0x141: {  	[tilespmem:$0x2630] =	vst v1  }
0x142: {  	[tilespmem:$0x2680] =	vst v1  }
0x143: {  	[tilespmem:$0x2690] =	vst v1  }
0x144: {  	[tilespmem:$0x26A0] =	vst v1  }
0x145: {  	[tilespmem:$0x26B0] =	vst v1  }
0x146: {  	[tilespmem:$0x2700] =	vst v1  }
0x147: {  	[tilespmem:$0x2710] =	vst v1  }
0x148: {  	[tilespmem:$0x2720] =	vst v1  }
0x149: {  	v8 =	vmov s17;
	[tilespmem:$0x2730] =	vst v1  }
0x14a: {  	v8 =	vand.u32 $0x7F, v8;
	[tilespmem:$0x2780] =	vst v1  }
0x14b: {  	v9 =	vbroadcast v8, $0x0;
	[tilespmem:$0x2790] =	vst v1  }
0x14c: {  	v8 =	vshll.u32 v7, $0x7;
	[tilespmem:$0x27A0] =	vst v1  }
0x14d: {  	v9 =	vor.u32 v8, v9;
	[tilespmem:$0x27B0] =	vst v1  }
0x14e: {  	[tilespmem:$0x2800] =	vst v1  }
0x14f: {  	[tilespmem:$0x2810] =	vst v1  }
0x150: {  	[tilespmem:$0x2820] =	vst v1  }
0x151: {  	[tilespmem:$0x2830] =	vst v1  }
0x152: {  	v9 =	vld.idx.msk [tilespmem:v9+s10+$0x0], $0xffff  }
0x153: {  	v7 =	vshll.u32 v7, $0x8  }
0x154: {  	s13 =	simm.s32 $0x0;
	v10 =	vand.u32 $0x380, v8;
	v7 =	vand.u32 $0xFFFFF800, v7  }
0x155: {  	s14 =	sadd.s32 $0x0, s4;
	v7 =	vor.u32 v10, v7;
	v10 =	vmov s13  }
0x156: {  	v12 =	vmov s14;
	v11 =	vand.u32 $0x7C, v10;
	v10 =	vshll.u32 v10, $0x3  }
0x157: {  	s15 =	sadd.s32 $0x0, s6;
	v10 =	vand.u32 $0x400, v10;
	vm1 =	vlt.s32 v12, v6;
	vm2 =	vgt.s32 v9, $0x0  }
0x158: {  	v10 =	vor.u32 v10, v11;
	v11 =	vor.u32 s15, v0;
	v9 =	vnsel vm2, $0x0, v9  }
0x159: {  	s16 =	sand.u32 $0x1E00, s17;
	v10 =	vor.u32 v7, v10;
	v9 =	vsel vm1, v9, v11  }
0x15a: {  	s18 =	sand.u32 $0x30, s17;
	s1 =	sshrl.u32 s16, $0x2;
	s13 =	simm.s32 $0x1;
	vm2 =	vlt.s32 v9, $0xC34F  }
0x15b: {  	s1 =	sor.u32 s18, s1;
	v11 =	vmov s13;
	v9 =	vnsel vm2, $0xC34F, v9  }
0x15c: {  	s19 =	simm.s32 $0x0;
	v12 =	vsel vm1, $0x3F800000, v2;
	[tilespmem:s1+$0x2080] =	vst v9;
	v9 =	vshll.u32 v11, $0x3  }
0x15d: {  	v11 =	vand.u32 $0x7D, v11;
	[tilespmem:s19+$0x2880] =	vst v12;
	v9 =	vand.u32 $0x400, v9  }
0x15e: {  	v10 =	vld.idx.msk [tilespmem:v10+s11+$0x0], $0xffff;
	v9 =	vor.u32 v9, v11  }
0x15f: {  	v9 =	vor.u32 v7, v9  }
0x160: {  	s24 =	simm.s32 $0x2  }
0x161: {  	s25 =	sand.u32 $0x70, s17;
	s29 =	sand.u32 $0xE00, s17;
	v11 =	vmov s24  }
0x162: {  	s14 =	sor.u32 s25, s29;
	v62 =	vshll.u32 v11, $0x3  }
0x163: {  	[tilespmem:s14+$0x2C80] =	vst v10;
	v10 =	vand.u32 $0x7E, v11;
	v11 =	vand.u32 $0x400, v62  }
0x164: {  	v9 =	vld.idx.msk [tilespmem:v9+s11+$0x0], $0xffff;
	v10 =	vor.u32 v11, v10  }
0x165: {  	v10 =	vor.u32 v7, v10;
	_ =	sdelay $0x1  }
0x166: {  	v11 =	vmov s0  }
0x167: {  	v63 =	vshll.u32 v11, $0x3  }
0x168: {  	[tilespmem:s14+$0x2D00] =	vst v9;
	v9 =	vand.u32 $0x7F, v11;
	v11 =	vand.u32 $0x400, v63  }
0x169: {  	v10 =	vld.idx.msk [tilespmem:v10+s11+$0x0], $0xffff;
	v9 =	vor.u32 v11, v9  }
0x16a: {  	v9 =	vor.u32 v7, v9  }
0x16b: {  	s25 =	simm.s32 $0x1  }
0x16c: {  	v11 =	vmov s25  }
0x16d: {  	v11 =	vand.u32 $0x7F, v11  }
0x16e: {  	v11 =	vbroadcast v11, $0x0;
	[tilespmem:s14+$0x2D80] =	vst v10  }
0x16f: {  	s28 =	simm.s32 $0xB;
	s3 =	simm.s32 $0x0;
	v10 =	vld.idx.msk [tilespmem:v9+s11+$0x0], $0xffff  }
0x170: {  	s13 =	simm.s32 $0x0;
	s1 =	simm.s32 $0x7;
	s24 =	simm.s32 $0x0;
	v9 =	vor.u32 v8, v11  }
.LBB2_2:
0x171: {  	_ =	sdelay $0x1  }
0x172: {  	s24 =	sadd.s32 $0x40, s24;
	s13 =	sadd.s32 $0x10, s13;
	s3 =	sadd.s32 $0x80, s3  }
0x173: {  	p0 =	sne.s32 s28, $0xFF;
	s15 =	smov.u32 s28;
	s28 =	sadd.s32 $0x4, s28;
	[tilespmem:s14+$0x2E00] =	vst v10  }
0x174: {  	v9 =	vld.idx.msk [tilespmem:v9+s10+$0x0], $0xffff;
	_ =	sdelay $0x1  }
0x175: {  	s14 =	sadd.s32 $0xFFFFFFFD, s1  }
0x176: {  	v10 =	vmov s14  }
0x177: {  	s14 =	sadd.s32 s25, s4;
	v11 =	vand.u32 $0x7C, v10;
	v10 =	vshll.u32 v10, $0x3  }
0x178: {  	v12 =	vmov s14;
	s14 =	sadd.s32 s13, s6;
	v10 =	vand.u32 $0x400, v10  }
0x179: {  	vm1 =	vlt.s32 v12, v6;
	v10 =	vor.u32 v10, v11;
	vm2 =	vgt.s32 v9, $0x0  }
0x17a: {  	v11 =	vor.u32 s14, v0;
	s14 =	sand.u32 $0x1E00, s3;
	v10 =	vor.u32 v7, v10;
	v9 =	vnsel vm2, $0x0, v9  }
0x17b: {  	s16 =	sand.u32 $0x30, s13;
	s14 =	sshrl.u32 s14, $0x2;
	v9 =	vsel vm1, v9, v11  }
0x17c: {  	s14 =	sor.u32 s16, s14;
	s16 =	sadd.s32 $0xFFFFFFFE, s1;
	vm2 =	vlt.s32 v9, $0xC34F  }
0x17d: {  	s18 =	sshra.s32 s24, $0x2;
	v12 =	vmov s16;
	v11 =	vsel vm1, $0x3F800000, v2;
	v9 =	vnsel vm2, $0xC34F, v9  }
0x17e: {  	[tilespmem:s14+$0x2080] =	vst v9;
	v9 =	vshll.u32 v12, $0x3  }
0x17f: {  	[tilespmem:s18+$0x2880] =	vst v11;
	v11 =	vand.u32 $0x7D, v12;
	v9 =	vand.u32 $0x400, v9  }
0x180: {  	v10 =	vld.idx.msk [tilespmem:v10+s11+$0x0], $0xffff;
	v9 =	vor.u32 v9, v11  }
0x181: {  	v9 =	vor.u32 v7, v9;
	_ =	sdelay $0x1  }
0x182: {  	s16 =	sand.u32 $0xE00, s24;
	s14 =	sand.u32 $0x70, s13;
	s18 =	sadd.s32 $0xFFFFFFFF, s1  }
0x183: {  	s14 =	sor.u32 s14, s16;
	v11 =	vmov s18  }
0x184: {  	v12 =	vshll.u32 v11, $0x3  }
0x185: {  	[tilespmem:s14+$0x2C80] =	vst v10;
	v10 =	vand.u32 $0x7E, v11;
	v11 =	vand.u32 $0x400, v12  }
0x186: {  	v9 =	vld.idx.msk [tilespmem:v9+s11+$0x0], $0xffff;
	v10 =	vor.u32 v11, v10  }
0x187: {  	v10 =	vor.u32 v7, v10;
	_ =	sdelay $0x2  }
0x188: {  	v11 =	vmov s1;
	s1 =	smov.u32 s15  }
0x189: {  	v12 =	vshll.u32 v11, $0x3  }
0x18a: {  	[tilespmem:s14+$0x2D00] =	vst v9;
	v9 =	vand.u32 $0x7F, v11;
	v11 =	vand.u32 $0x400, v12  }
0x18b: {  	v10 =	vld.idx.msk [tilespmem:v10+s11+$0x0], $0xffff;
	v9 =	vor.u32 v11, v9  }
0x18c: {  	v9 =	vor.u32 v7, v9;
	_ =	sdelay $0x1  }
0x18d: {  	s25 =	sadd.s32 $0x1, s25  }
.Ltmp0:
0x18e: {  	v11 =	vmov s25;
	(pc) =	sbr.rel @p0 .LBB2_2-.Ltmp0, $4  }
0x18f: {  	v11 =	vand.u32 $0x7F, v11  }
0x190: {  	v11 =	vbroadcast v11, $0x0;
	[tilespmem:s14+$0x2D80] =	vst v10  }
0x191: {  	v10 =	vld.idx.msk [tilespmem:v9+s11+$0x0], $0xffff  }
0x192: {  	v9 =	vor.u32 v8, v11  }
0x193: {  	_ =	sdelay $0x2  }
0x194: {  	[tilespmem:s14+$0x2E00] =	vst v10  }
0x195: {  	v8 =	vld.idx.msk [tilespmem:v9+s10+$0x0], $0xffff;
	_ =	sdelay $0x1  }
0x196: {  	s15 =	sadd.s32 $0xFFFFFFFD, s1  }
0x197: {  	s16 =	sadd.s32 s25, s4;
	v51 =	vmov s15  }
0x198: {  	s13 =	sadd.s32 $0x10, s13;
	v11 =	vmov s16;
	v52 =	vand.u32 $0x7C, v51;
	v9 =	vshll.u32 v51, $0x3  }
0x199: {  	s18 =	sadd.s32 s13, s6;
	vm1 =	vlt.s32 v11, v6;
	v9 =	vand.u32 $0x400, v9;
	vm2 =	vgt.s32 v8, $0x0  }
0x19a: {  	s3 =	sadd.s32 $0x80, s3;
	v53 =	vor.u32 s18, v0;
	v6 =	vor.u32 v9, v52;
	v8 =	vnsel vm2, $0x0, v8  }
0x19b: {  	s3 =	sand.u32 $0x1E00, s3;
	v6 =	vor.u32 v7, v6;
	v8 =	vsel vm1, v8, v53  }
0x19c: {  	s19 =	sand.u32 $0x30, s13;
	s15 =	sadd.s32 $0xFFFFFFFE, s1;
	s3 =	sshrl.u32 s3, $0x2;
	vm2 =	vlt.s32 v8, $0xC34F  }
0x19d: {  	s25 =	sadd.s32 $0x40, s24;
	v54 =	vmov s15;
	s3 =	sor.u32 s19, s3;
	v8 =	vnsel vm2, $0xC34F, v8  }
0x19e: {  	s28 =	sshra.s32 s25, $0x2;
	v55 =	vsel vm1, $0x3F800000, v2;
	v56 =	vshll.u32 v54, $0x3;
	[tilespmem:s3+$0x2080] =	vst v8  }
0x19f: {  	v9 =	vand.u32 $0x7D, v54;
	v8 =	vand.u32 $0x400, v56;
	[tilespmem:s28+$0x2880] =	vst v55  }
0x1a0: {  	v8 =	vor.u32 v8, v9;
	v6 =	vld.idx.msk [tilespmem:v6+s11+$0x0], $0xffff  }
0x1a1: {  	v8 =	vor.u32 v7, v8  }
0x1a2: {  	s29 =	sadd.s32 $0xFFFFFFFF, s1  }
0x1a3: {  	v57 =	vmov s29;
	s16 =	sand.u32 $0xE00, s25;
	s15 =	sand.u32 $0x70, s13  }
0x1a4: {  	v58 =	vshll.u32 v57, $0x3;
	s3 =	sor.u32 s15, s16  }
0x1a5: {  	v59 =	vand.u32 $0x400, v58;
	[tilespmem:s3+$0x2C80] =	vst v6;
	v6 =	vand.u32 $0x7E, v57  }
0x1a6: {  	v8 =	vld.idx.msk [tilespmem:v8+s11+$0x0], $0xffff;
	v6 =	vor.u32 v59, v6  }
0x1a7: {  	v6 =	vor.u32 v7, v6;
	_ =	sdelay $0x1  }
0x1a8: {  	v60 =	vmov s1  }
0x1a9: {  	v61 =	vshll.u32 v60, $0x3  }
0x1aa: {  	v62 =	vand.u32 $0x7F, v60;
	v63 =	vand.u32 $0x400, v61;
	[tilespmem:s3+$0x2D00] =	vst v8  }
0x1ab: {  	v8 =	vor.u32 v63, v62;
	v6 =	vld.idx.msk [tilespmem:v6+s11+$0x0], $0xffff  }
0x1ac: {  	v7 =	vor.u32 v7, v8;
	_ =	sdelay $0x3  }
0x1ad: {  	[tilespmem:s3+$0x2D80] =	vst v6  }
0x1ae: {  	v6 =	vld.idx.msk [tilespmem:v7+s11+$0x0], $0xffff;
	_ =	sdelay $0x4  }
0x1af: {  	[tilespmem:s3+$0x2E00] =	vst v6  }
0x1b0: {  	v6 =	vld [tilespmem:$0x2080];
	_ =	sdelay $0x4  }
0x1b1: {  	v7 =	vshll.u32 v6, $0x2  }
0x1b2: {  	v6 =	vand.u32 $0x7, v6;
	v7 =	vand.u32 $0xFFFFFFE0, v7  }
0x1b3: {  	v6 =	vor.u32 v6, v7  }
0x1b4: {  	v7 =	vperm.xlane v6, v3;
	_ =	sdelay $0x1  }
0x1b5: {  	v7 =	vadd.s32 v4, v7;
	_ =	sdelay $0x1  }
0x1b6: {  	v6 =	vperm.xlane v6, v5;
	_ =	sdelay $0x1  }
0x1b7: {  	s24 =	simm.s32 $0x0;
	v6 =	vadd.s32 v4, v6  }
0x1b8: {  	[tilespmem:s26], [sflag:$0x1] =	stream.indirect_vreg.gather [hbm4b:s2+s24], $0x80, v7, vm0, $0xb8;
	[tilespmem:$0x13C80] =	vst v63  }
0x1b9: {  	s18 =	simm.s32 $0x4480  }
0x1ba: {  	[tilespmem:s18], [sflag:$0x1] =	stream.indirect_vreg.gather [hbm4b:s9+s24], $0x80, v7, vm0, $0xb8;
	[tilespmem:$0x13C80] =	vst v63  }
0x1bb: {  	s19 =	simm.s32 $0x4C80  }
0x1bc: {  	[tilespmem:s19], [sflag:$0x1] =	stream.indirect_vreg.gather [hbm4b:s2+s24], $0x80, v6, vm0, $0xb8;
	[tilespmem:$0x13C80] =	vst v63  }
0x1bd: {  	s25 =	simm.s32 $0x5480  }
0x1be: {  	[tilespmem:s25], [sflag:$0x1] =	stream.indirect_vreg.gather [hbm4b:s9+s24], $0x80, v6, vm0, $0xb8;
	[tilespmem:$0x13C80] =	vst v63  }
0x1bf: {  	v6 =	vld [tilespmem:$0x2090];
	_ =	sdelay $0x4  }
0x1c0: {  	v7 =	vshll.u32 v6, $0x2  }
0x1c1: {  	v6 =	vand.u32 $0x7, v6;
	v7 =	vand.u32 $0xFFFFFFE0, v7  }
0x1c2: {  	v6 =	vor.u32 v6, v7  }
0x1c3: {  	v7 =	vperm.xlane v6, v3;
	_ =	sdelay $0x1  }
0x1c4: {  	v7 =	vadd.s32 v4, v7;
	_ =	sdelay $0x1  }
0x1c5: {  	v6 =	vperm.xlane v6, v5;
	_ =	sdelay $0x1  }
0x1c6: {  	s28 =	simm.s32 $0x5C80;
	v6 =	vadd.s32 v4, v6  }
0x1c7: {  	[tilespmem:s28], [sflag:$0x1] =	stream.indirect_vreg.gather [hbm4b:s2+s24], $0x80, v7, vm0, $0xb8;
	[tilespmem:$0x13C80] =	vst v63  }
0x1c8: {  	s29 =	simm.s32 $0x6480  }
0x1c9: {  	[tilespmem:s29], [sflag:$0x1] =	stream.indirect_vreg.gather [hbm4b:s9+s24], $0x80, v7, vm0, $0xb8;
	[tilespmem:$0x13C80] =	vst v63  }
0x1ca: {  	s3 =	simm.s32 $0x6C80  }
0x1cb: {  	[tilespmem:s3], [sflag:$0x1] =	stream.indirect_vreg.gather [hbm4b:s2+s24], $0x80, v6, vm0, $0xb8;
	[tilespmem:$0x13C80] =	vst v63  }
0x1cc: {  	s13 =	simm.s32 $0x7480  }
0x1cd: {  	[tilespmem:s13], [sflag:$0x1] =	stream.indirect_vreg.gather [hbm4b:s9+s24], $0x80, v6, vm0, $0xb8;
	[tilespmem:$0x13C80] =	vst v63  }
0x1ce: {  	v6 =	vld [tilespmem:$0x20A0];
	_ =	sdelay $0x4  }
0x1cf: {  	v7 =	vshll.u32 v6, $0x2  }
0x1d0: {  	v6 =	vand.u32 $0x7, v6;
	v7 =	vand.u32 $0xFFFFFFE0, v7  }
0x1d1: {  	v6 =	vor.u32 v6, v7  }
0x1d2: {  	v7 =	vperm.xlane v6, v3;
	_ =	sdelay $0x1  }
0x1d3: {  	v7 =	vadd.s32 v4, v7;
	_ =	sdelay $0x1  }
0x1d4: {  	v6 =	vperm.xlane v6, v5;
	_ =	sdelay $0x1  }
0x1d5: {  	s14 =	simm.s32 $0x7C80;
	v6 =	vadd.s32 v4, v6  }
0x1d6: {  	[tilespmem:s14], [sflag:$0x1] =	stream.indirect_vreg.gather [hbm4b:s2+s24], $0x80, v7, vm0, $0xb8;
	[tilespmem:$0x13C80] =	vst v63  }
0x1d7: {  	s15 =	simm.s32 $0x8480  }
0x1d8: {  	[tilespmem:s15], [sflag:$0x1] =	stream.indirect_vreg.gather [hbm4b:s9+s24], $0x80, v7, vm0, $0xb8;
	[tilespmem:$0x13C80] =	vst v63  }
0x1d9: {  	s16 =	simm.s32 $0x8C80  }
0x1da: {  	[tilespmem:s16], [sflag:$0x1] =	stream.indirect_vreg.gather [hbm4b:s2+s24], $0x80, v6, vm0, $0xb8;
	[tilespmem:$0x13C80] =	vst v63  }
0x1db: {  	s18 =	simm.s32 $0x9480  }
0x1dc: {  	[tilespmem:s18], [sflag:$0x1] =	stream.indirect_vreg.gather [hbm4b:s9+s24], $0x80, v6, vm0, $0xb8;
	[tilespmem:$0x13C80] =	vst v63  }
0x1dd: {  	v6 =	vld [tilespmem:$0x20B0];
	_ =	sdelay $0x4  }
0x1de: {  	v7 =	vshll.u32 v6, $0x2  }
0x1df: {  	v6 =	vand.u32 $0x7, v6;
	v7 =	vand.u32 $0xFFFFFFE0, v7  }
0x1e0: {  	v6 =	vor.u32 v6, v7  }
0x1e1: {  	v7 =	vperm.xlane v6, v3;
	_ =	sdelay $0x1  }
0x1e2: {  	v7 =	vadd.s32 v4, v7;
	_ =	sdelay $0x1  }
0x1e3: {  	v6 =	vperm.xlane v6, v5;
	_ =	sdelay $0x1  }
0x1e4: {  	s19 =	simm.s32 $0x9C80;
	v6 =	vadd.s32 v4, v6  }
0x1e5: {  	[tilespmem:s19], [sflag:$0x1] =	stream.indirect_vreg.gather [hbm4b:s2+s24], $0x80, v7, vm0, $0xb8;
	[tilespmem:$0x13C80] =	vst v63  }
0x1e6: {  	s25 =	simm.s32 $0xA480  }
0x1e7: {  	[tilespmem:s25], [sflag:$0x1] =	stream.indirect_vreg.gather [hbm4b:s9+s24], $0x80, v7, vm0, $0xb8;
	[tilespmem:$0x13C80] =	vst v63  }
0x1e8: {  	s28 =	simm.s32 $0xAC80  }
0x1e9: {  	[tilespmem:s28], [sflag:$0x1] =	stream.indirect_vreg.gather [hbm4b:s2+s24], $0x80, v6, vm0, $0xb8;
	[tilespmem:$0x13C80] =	vst v63  }
0x1ea: {  	s1 =	simm.s32 $0x0;
	s29 =	simm.s32 $0xB480  }
0x1eb: {  	[tilespmem:s29], [sflag:$0x1] =	stream.indirect_vreg.gather [hbm4b:s9+s24], $0x80, v6, vm0, $0xb8;
	[tilespmem:$0x13C80] =	vst v63  }
.LBB2_4:
0x1ec: {  	_ =	swait.ge [sflag:s12], $0x8000;
	s25 =	sshllo.u32 s1, $0x1  }
0x1ed: {  	[sflag:s12] =	ssyncset.done $0x0;
	s3 =	sshll.u32 s25, $0x7  }
0x1ee: {  	[sflag:s12] =	ssyncadd.s32 $0xFFFF8000;
	s3 =	sand.u32 $0x3FFFFF80, s3  }
0x1ef: {  	v6 =	vld [tilespmem:s3+$0x2080];
	_ =	sdelay $0x4  }
0x1f0: {  	v7 =	vshll.u32 v6, $0x2  }
0x1f1: {  	v6 =	vand.u32 $0x7, v6;
	v7 =	vand.u32 $0xFFFFFFE0, v7  }
0x1f2: {  	v6 =	vor.u32 v6, v7  }
0x1f3: {  	v7 =	vperm.xlane v6, v3;
	_ =	sdelay $0x1  }
0x1f4: {  	v7 =	vadd.s32 v4, v7;
	_ =	sdelay $0x1  }
0x1f5: {  	v6 =	vperm.xlane v6, v5;
	_ =	sdelay $0x1  }
0x1f6: {  	v6 =	vadd.s32 v4, v6  }
0x1f7: {  	[tilespmem:s8], [sflag:$0x2] =	stream.indirect_vreg.gather [hbm4b:s2+s24], $0x80, v7, vm0, $0xb8;
	[tilespmem:$0x13C80] =	vst v63  }
0x1f8: {  	s13 =	simm.s32 $0xC480  }
0x1f9: {  	[tilespmem:s13], [sflag:$0x2] =	stream.indirect_vreg.gather [hbm4b:s9+s24], $0x80, v7, vm0, $0xb8;
	[tilespmem:$0x13C80] =	vst v63  }
0x1fa: {  	s18 =	simm.s32 $0xCC80  }
0x1fb: {  	[tilespmem:s18], [sflag:$0x2] =	stream.indirect_vreg.gather [hbm4b:s2+s24], $0x80, v6, vm0, $0xb8;
	[tilespmem:$0x13C80] =	vst v63  }
0x1fc: {  	s19 =	simm.s32 $0xD480  }
0x1fd: {  	[tilespmem:s19], [sflag:$0x2] =	stream.indirect_vreg.gather [hbm4b:s9+s24], $0x80, v6, vm0, $0xb8;
	[tilespmem:$0x13C80] =	vst v63  }
0x1fe: {  	v6 =	vld [tilespmem:s3+$0x2090];
	_ =	sdelay $0x4  }
0x1ff: {  	v7 =	vshll.u32 v6, $0x2  }
0x200: {  	v6 =	vand.u32 $0x7, v6;
	v7 =	vand.u32 $0xFFFFFFE0, v7  }
0x201: {  	v6 =	vor.u32 v6, v7  }
0x202: {  	v7 =	vperm.xlane v6, v3;
	_ =	sdelay $0x1  }
0x203: {  	v7 =	vadd.s32 v4, v7;
	_ =	sdelay $0x1  }
0x204: {  	v6 =	vperm.xlane v6, v5;
	_ =	sdelay $0x1  }
0x205: {  	s28 =	simm.s32 $0xDC80;
	v6 =	vadd.s32 v4, v6  }
0x206: {  	[tilespmem:s28], [sflag:$0x2] =	stream.indirect_vreg.gather [hbm4b:s2+s24], $0x80, v7, vm0, $0xb8;
	[tilespmem:$0x13C80] =	vst v63  }
0x207: {  	s29 =	simm.s32 $0xE480  }
0x208: {  	[tilespmem:s29], [sflag:$0x2] =	stream.indirect_vreg.gather [hbm4b:s9+s24], $0x80, v7, vm0, $0xb8;
	[tilespmem:$0x13C80] =	vst v63  }
0x209: {  	s14 =	simm.s32 $0xEC80  }
0x20a: {  	[tilespmem:s14], [sflag:$0x2] =	stream.indirect_vreg.gather [hbm4b:s2+s24], $0x80, v6, vm0, $0xb8;
	[tilespmem:$0x13C80] =	vst v63  }
0x20b: {  	s15 =	simm.s32 $0xF480  }
0x20c: {  	[tilespmem:s15], [sflag:$0x2] =	stream.indirect_vreg.gather [hbm4b:s9+s24], $0x80, v6, vm0, $0xb8;
	[tilespmem:$0x13C80] =	vst v63  }
0x20d: {  	v6 =	vld [tilespmem:s3+$0x20A0];
	_ =	sdelay $0x4  }
0x20e: {  	v7 =	vshll.u32 v6, $0x2  }
0x20f: {  	v6 =	vand.u32 $0x7, v6;
	v7 =	vand.u32 $0xFFFFFFE0, v7  }
0x210: {  	v6 =	vor.u32 v6, v7  }
0x211: {  	v7 =	vperm.xlane v6, v3;
	_ =	sdelay $0x1  }
0x212: {  	v7 =	vadd.s32 v4, v7;
	_ =	sdelay $0x1  }
0x213: {  	v6 =	vperm.xlane v6, v5;
	_ =	sdelay $0x1  }
0x214: {  	s16 =	simm.s32 $0xFC80;
	v6 =	vadd.s32 v4, v6  }
0x215: {  	[tilespmem:s16], [sflag:$0x2] =	stream.indirect_vreg.gather [hbm4b:s2+s24], $0x80, v7, vm0, $0xb8;
	[tilespmem:$0x13C80] =	vst v63  }
0x216: {  	s18 =	simm.s32 $0x10480  }
0x217: {  	[tilespmem:s18], [sflag:$0x2] =	stream.indirect_vreg.gather [hbm4b:s9+s24], $0x80, v7, vm0, $0xb8;
	[tilespmem:$0x13C80] =	vst v63  }
0x218: {  	s19 =	simm.s32 $0x10C80  }
0x219: {  	[tilespmem:s19], [sflag:$0x2] =	stream.indirect_vreg.gather [hbm4b:s2+s24], $0x80, v6, vm0, $0xb8;
	[tilespmem:$0x13C80] =	vst v63  }
0x21a: {  	s28 =	simm.s32 $0x11480  }
0x21b: {  	[tilespmem:s28], [sflag:$0x2] =	stream.indirect_vreg.gather [hbm4b:s9+s24], $0x80, v6, vm0, $0xb8;
	[tilespmem:$0x13C80] =	vst v63  }
0x21c: {  	v6 =	vld [tilespmem:s3+$0x20B0];
	_ =	sdelay $0x4  }
0x21d: {  	v7 =	vshll.u32 v6, $0x2  }
0x21e: {  	v6 =	vand.u32 $0x7, v6;
	v7 =	vand.u32 $0xFFFFFFE0, v7  }
0x21f: {  	v6 =	vor.u32 v6, v7  }
0x220: {  	v7 =	vperm.xlane v6, v3;
	_ =	sdelay $0x1  }
0x221: {  	v7 =	vadd.s32 v4, v7;
	_ =	sdelay $0x1  }
0x222: {  	v6 =	vperm.xlane v6, v5;
	_ =	sdelay $0x1  }
0x223: {  	s29 =	simm.s32 $0x11C80;
	v6 =	vadd.s32 v4, v6  }
0x224: {  	[tilespmem:s29], [sflag:$0x2] =	stream.indirect_vreg.gather [hbm4b:s2+s24], $0x80, v7, vm0, $0xb8;
	[tilespmem:$0x13C80] =	vst v63  }
0x225: {  	_ = 	snop  }
0x226: {  	[tilespmem:s30], [sflag:$0x2] =	stream.indirect_vreg.gather [hbm4b:s9+s24], $0x80, v7, vm0, $0xb8;
	[tilespmem:$0x13C80] =	vst v63  }
0x227: {  	_ = 	snop  }
0x228: {  	[tilespmem:s20], [sflag:$0x2] =	stream.indirect_vreg.gather [hbm4b:s2+s24], $0x80, v6, vm0, $0xb8;
	[tilespmem:$0x13C80] =	vst v63  }
0x229: {  	s13 =	simm.s32 $0x0;
	s3 =	sshll.u32 s1, $0x7  }
0x22a: {  	[tilespmem:s31], [sflag:$0x2] =	stream.indirect_vreg.gather [hbm4b:s9+s24], $0x80, v6, vm0, $0xb8;
	[tilespmem:$0x13C80] =	vst v63  }
.LBB2_5:
0x22b: {  	s14 =	sor.u32 s3, s13  }
0x22c: {  	v10 =	vmov s14  }
0x22d: {  	s16 =	sshll.u32 s13, $0x9;
	s15 =	sshll.u32 s13, $0x7;
	s18 =	simm.s32 $0x0;
	v6 =	vshll.u32 v10, $0x2  }
0x22e: {  	s14 =	sand.u32 $0x7000, s16;
	s15 =	sand.u32 $0x380, s15;
	s16 =	simm.s32 $0x0;
	v7 =	vand.u32 $0x3F, v10;
	v6 =	vand.u32 $0xE00, v6  }
0x22f: {  	s14 =	sor.u32 s15, s14;
	s15 =	sand.u32 $0x3FFFFC00, s18;
	s18 =	simm.s32 $0x0;
	v8 =	vor.u32 v7, v6  }
0x230: {  	s16 =	sand.u32 $0x70, s16;
	s18 =	sand.u32 $0x3FFFFE00, s18  }
0x231: {  	s18 =	sor.u32 s16, s18;
	v7 =	vor.u32 $0x80, v8  }
0x232: {  	s14 =	sadd.s32 $0x3C80, s14;
	v12 =	vld [tilespmem:s18+$0x1880]  }
0x233: {  	s15 =	sadd.s32 s15, s14;
	v9 =	vor.u32 $0x100, v8;
	v14 =	vld [tilespmem:s18+$0x1900]  }
0x234: {  	v11 =	vor.u32 $0x180, v8;
	s15 =	sadd.s32 s16, s15;
	v6 =	vld.idx.msk [tilespmem:v8+s22+$0x0], $0xffff  }
0x235: {  	v13 =	vld [tilespmem:s15+$0x0]  }
0x236: {  	v7 =	vld.idx.msk [tilespmem:v7+s22+$0x0], $0xffff  }
0x237: {  	v15 =	vld [tilespmem:s18+$0x1980]  }
0x238: {  	v8 =	vld.idx.msk [tilespmem:v9+s22+$0x0], $0xffff  }
0x239: {  	v9 =	vld.idx.msk [tilespmem:v11+s22+$0x0], $0xffff;
	v11 =	vmul.f32 v12, v6  }
0x23a: {  	v61 =	vld [tilespmem:s18+$0x1A00]  }
0x23b: {  	v62 =	vmul.f32 v14, v7;
	v11 =	vadd.f32 v11, v13;
	_ =	sdelay $0x1  }
0x23c: {  	v63 =	vmul.f32 v15, v8;
	v11 =	vadd.f32 v62, v11  }
0x23d: {  	v10 =	vld.idx.msk [tilespmem:v10+s21+$0x0], $0xffff  }
0x23e: {  	v12 =	vmul.f32 v61, v9;
	v11 =	vadd.f32 v63, v11;
	_ =	sdelay $0x1  }
0x23f: {  	v11 =	vadd.f32 v12, v11  }
0x240: {  	s19 =	simm.s32 $0x80;
	s28 =	simm.s32 $0x10  }
0x241: {  	s29 =	simm.s32 $0x2;
	s16 =	sand.u32 $0x3FFFFC00, s19;
	s18 =	simm.s32 $0x40;
	v11 =	vmul.f32 v11, v10  }
.LBB2_6:
0x242: {  	p0 =	sne.s32 s29, $0x1F;
	s19 =	sand.u32 $0x70, s28;
	s18 =	sand.u32 $0x3FFFFE00, s18  }
0x243: {  	s16 =	sadd.s32 s16, s14;
	s18 =	sor.u32 s19, s18;
	[tilespmem:s15+$0x0] =	vst v11  }
0x244: {  	s15 =	sadd.s32 s19, s16;
	v11 =	vld [tilespmem:s18+$0x1880]  }
0x245: {  	v12 =	vld [tilespmem:s15+$0x0]  }
0x246: {  	v13 =	vld [tilespmem:s18+$0x1900];
	_ =	sdelay $0x1  }
0x247: {  	v14 =	vld [tilespmem:s18+$0x1980]  }
0x248: {  	v11 =	vmul.f32 v11, v6  }
0x249: {  	v15 =	vld [tilespmem:s18+$0x1A00]  }
0x24a: {  	v11 =	vadd.f32 v11, v12;
	v12 =	vmul.f32 v13, v7;
	_ =	sdelay $0x1  }
0x24b: {  	v11 =	vadd.f32 v12, v11;
	v12 =	vmul.f32 v14, v8;
	_ =	sdelay $0x1  }
.Ltmp1:
0x24c: {  	v11 =	vadd.f32 v12, v11;
	v12 =	vmul.f32 v15, v9;
	(pc) =	sbr.rel @p0 .LBB2_6-.Ltmp1, $4  }
0x24d: {  	_ = 	snop  }
0x24e: {  	v11 =	vadd.f32 v12, v11  }
0x24f: {  	s28 =	sadd.s32 $0x10, s28;
	s16 =	sshll.u32 s29, $0x7  }
0x250: {  	s16 =	sand.u32 $0x3FFFFC00, s16;
	s18 =	sshll.u32 s29, $0x6;
	s29 =	sadd.s32 $0x1, s29;
	v11 =	vmul.f32 v11, v10  }
0x251: {  	s19 =	sand.u32 $0x70, s28;
	s18 =	sand.u32 $0x3FFFFE00, s18  }
0x252: {  	s14 =	sadd.s32 s16, s14;
	s29 =	sor.u32 s19, s18;
	[tilespmem:s15+$0x0] =	vst v11  }
0x253: {  	s14 =	sadd.s32 s19, s14;
	v11 =	vld [tilespmem:s29+$0x1880]  }
0x254: {  	v12 =	vld [tilespmem:s14+$0x0]  }
0x255: {  	v13 =	vld [tilespmem:s29+$0x1900];
	_ =	sdelay $0x1  }
0x256: {  	v14 =	vld [tilespmem:s29+$0x1980]  }
0x257: {  	v6 =	vmul.f32 v11, v6  }
0x258: {  	v63 =	vld [tilespmem:s29+$0x1A00]  }
0x259: {  	v7 =	vmul.f32 v13, v7;
	v6 =	vadd.f32 v6, v12;
	_ =	sdelay $0x1  }
0x25a: {  	v6 =	vadd.f32 v7, v6;
	v7 =	vmul.f32 v14, v8;
	_ =	sdelay $0x1  }
0x25b: {  	s13 =	sadd.s32 $0x1, s13;
	v6 =	vadd.f32 v7, v6;
	v7 =	vmul.f32 v63, v9  }
0x25c: {  	p0 =	sne.s32 s13, $0x40  }
.Ltmp2:
0x25d: {  	v6 =	vadd.f32 v7, v6;
	(pc) =	sbr.rel @p0 .LBB2_5-.Ltmp2, $3  }
0x25e: {  	_ = 	snop  }
0x25f: {  	v6 =	vmul.f32 v6, v10;
	_ =	sdelay $0x1  }
0x260: {  	[tilespmem:s14+$0x0] =	vst v6  }
0x261: {  	s3 =	sadd.s32 s7, s3  }
0x262: {  	s3 =	sshll.u32 s3, $0x6  }
0x263: {  	s3 =	sadd.s32 s5, s3  }
0x264: {  	[hbm4b:s3+s17] =	stream.linear.scatter [tilespmem:s26], [sflag:$0x3], $0x8000, $0x38;
	[tilespmem:$0x13C80] =	vst v63  }
0x265: {  	p0 =	seq.s32 s1, $0x7;
	_ =	swait.ge [sflag:s0], $0x8000  }
.Ltmp3:
0x266: {  	[sflag:s0] =	ssyncset.done $0x0;
	(pc) =	sbr.rel @p0 .LBB2_10-.Ltmp3, $4  }
0x267: {  	[sflag:s0] =	ssyncadd.s32 $0xFFFF8000  }
0x268: {  	_ =	swait.ge [sflag:s23], $0x8000  }
0x269: {  	[sflag:s23] =	ssyncset.done $0x0  }
0x26a: {  	[sflag:s23] =	ssyncadd.s32 $0xFFFF8000  }
0x26b: {  	s3 =	sshll.u32 s1, $0x8  }
0x26c: {  	s3 =	sand.u32 $0x3FFFFF00, s3  }
0x26d: {  	v6 =	vld [tilespmem:s3+$0x2180];
	_ =	sdelay $0x4  }
0x26e: {  	v7 =	vshll.u32 v6, $0x2  }
0x26f: {  	v6 =	vand.u32 $0x7, v6;
	v7 =	vand.u32 $0xFFFFFFE0, v7  }
0x270: {  	v6 =	vor.u32 v6, v7  }
0x271: {  	v7 =	vperm.xlane v6, v3;
	_ =	sdelay $0x1  }
0x272: {  	v7 =	vadd.s32 v4, v7;
	_ =	sdelay $0x1  }
0x273: {  	v6 =	vperm.xlane v6, v5;
	_ =	sdelay $0x1  }
0x274: {  	v6 =	vadd.s32 v4, v6  }
0x275: {  	[tilespmem:s26], [sflag:$0x1] =	stream.indirect_vreg.gather [hbm4b:s2+s17], $0x80, v7, vm0, $0xb8;
	[tilespmem:$0x13C80] =	vst v63  }
0x276: {  	s13 =	simm.s32 $0x4480  }
0x277: {  	[tilespmem:s13], [sflag:$0x1] =	stream.indirect_vreg.gather [hbm4b:s9+s17], $0x80, v7, vm0, $0xb8;
	[tilespmem:$0x13C80] =	vst v63  }
0x278: {  	s14 =	simm.s32 $0x4C80  }
0x279: {  	[tilespmem:s14], [sflag:$0x1] =	stream.indirect_vreg.gather [hbm4b:s2+s17], $0x80, v6, vm0, $0xb8;
	[tilespmem:$0x13C80] =	vst v63  }
0x27a: {  	s15 =	simm.s32 $0x5480  }
0x27b: {  	[tilespmem:s15], [sflag:$0x1] =	stream.indirect_vreg.gather [hbm4b:s9+s17], $0x80, v6, vm0, $0xb8;
	[tilespmem:$0x13C80] =	vst v63  }
0x27c: {  	v6 =	vld [tilespmem:s3+$0x2190];
	_ =	sdelay $0x4  }
0x27d: {  	v7 =	vshll.u32 v6, $0x2  }
0x27e: {  	v6 =	vand.u32 $0x7, v6;
	v7 =	vand.u32 $0xFFFFFFE0, v7  }
0x27f: {  	v6 =	vor.u32 v6, v7  }
0x280: {  	v7 =	vperm.xlane v6, v3;
	_ =	sdelay $0x1  }
0x281: {  	v7 =	vadd.s32 v4, v7;
	_ =	sdelay $0x1  }
0x282: {  	v6 =	vperm.xlane v6, v5;
	_ =	sdelay $0x1  }
0x283: {  	s16 =	simm.s32 $0x5C80;
	v6 =	vadd.s32 v4, v6  }
0x284: {  	[tilespmem:s16], [sflag:$0x1] =	stream.indirect_vreg.gather [hbm4b:s2+s17], $0x80, v7, vm0, $0xb8;
	[tilespmem:$0x13C80] =	vst v63  }
0x285: {  	s18 =	simm.s32 $0x6480  }
0x286: {  	[tilespmem:s18], [sflag:$0x1] =	stream.indirect_vreg.gather [hbm4b:s9+s17], $0x80, v7, vm0, $0xb8;
	[tilespmem:$0x13C80] =	vst v63  }
0x287: {  	s19 =	simm.s32 $0x6C80  }
0x288: {  	[tilespmem:s19], [sflag:$0x1] =	stream.indirect_vreg.gather [hbm4b:s2+s17], $0x80, v6, vm0, $0xb8;
	[tilespmem:$0x13C80] =	vst v63  }
0x289: {  	s28 =	simm.s32 $0x7480  }
0x28a: {  	[tilespmem:s28], [sflag:$0x1] =	stream.indirect_vreg.gather [hbm4b:s9+s17], $0x80, v6, vm0, $0xb8;
	[tilespmem:$0x13C80] =	vst v63  }
0x28b: {  	v6 =	vld [tilespmem:s3+$0x21A0];
	_ =	sdelay $0x4  }
0x28c: {  	v7 =	vshll.u32 v6, $0x2  }
0x28d: {  	v6 =	vand.u32 $0x7, v6;
	v7 =	vand.u32 $0xFFFFFFE0, v7  }
0x28e: {  	v6 =	vor.u32 v6, v7  }
0x28f: {  	v7 =	vperm.xlane v6, v3;
	_ =	sdelay $0x1  }
0x290: {  	v7 =	vadd.s32 v4, v7;
	_ =	sdelay $0x1  }
0x291: {  	v6 =	vperm.xlane v6, v5;
	_ =	sdelay $0x1  }
0x292: {  	s29 =	simm.s32 $0x7C80;
	v6 =	vadd.s32 v4, v6  }
0x293: {  	[tilespmem:s29], [sflag:$0x1] =	stream.indirect_vreg.gather [hbm4b:s2+s17], $0x80, v7, vm0, $0xb8;
	[tilespmem:$0x13C80] =	vst v63  }
0x294: {  	s14 =	simm.s32 $0x8480  }
0x295: {  	[tilespmem:s14], [sflag:$0x1] =	stream.indirect_vreg.gather [hbm4b:s9+s17], $0x80, v7, vm0, $0xb8;
	[tilespmem:$0x13C80] =	vst v63  }
0x296: {  	s15 =	simm.s32 $0x8C80  }
0x297: {  	[tilespmem:s15], [sflag:$0x1] =	stream.indirect_vreg.gather [hbm4b:s2+s17], $0x80, v6, vm0, $0xb8;
	[tilespmem:$0x13C80] =	vst v63  }
0x298: {  	s16 =	simm.s32 $0x9480  }
0x299: {  	[tilespmem:s16], [sflag:$0x1] =	stream.indirect_vreg.gather [hbm4b:s9+s17], $0x80, v6, vm0, $0xb8;
	[tilespmem:$0x13C80] =	vst v63  }
0x29a: {  	v6 =	vld [tilespmem:s3+$0x21B0];
	_ =	sdelay $0x4  }
0x29b: {  	v7 =	vshll.u32 v6, $0x2  }
0x29c: {  	v6 =	vand.u32 $0x7, v6;
	v7 =	vand.u32 $0xFFFFFFE0, v7  }
0x29d: {  	v6 =	vor.u32 v6, v7  }
0x29e: {  	v7 =	vperm.xlane v6, v3;
	_ =	sdelay $0x1  }
0x29f: {  	v7 =	vadd.s32 v4, v7;
	_ =	sdelay $0x1  }
0x2a0: {  	v6 =	vperm.xlane v6, v5;
	_ =	sdelay $0x1  }
0x2a1: {  	s18 =	simm.s32 $0x9C80;
	v6 =	vadd.s32 v4, v6  }
0x2a2: {  	[tilespmem:s18], [sflag:$0x1] =	stream.indirect_vreg.gather [hbm4b:s2+s17], $0x80, v7, vm0, $0xb8;
	[tilespmem:$0x13C80] =	vst v63  }
0x2a3: {  	s19 =	simm.s32 $0xA480  }
0x2a4: {  	[tilespmem:s19], [sflag:$0x1] =	stream.indirect_vreg.gather [hbm4b:s9+s17], $0x80, v7, vm0, $0xb8;
	[tilespmem:$0x13C80] =	vst v63  }
0x2a5: {  	s28 =	simm.s32 $0xAC80  }
0x2a6: {  	[tilespmem:s28], [sflag:$0x1] =	stream.indirect_vreg.gather [hbm4b:s2+s17], $0x80, v6, vm0, $0xb8;
	[tilespmem:$0x13C80] =	vst v63  }
0x2a7: {  	s29 =	simm.s32 $0xB480  }
0x2a8: {  	[tilespmem:s29], [sflag:$0x1] =	stream.indirect_vreg.gather [hbm4b:s9+s17], $0x80, v6, vm0, $0xb8;
	[tilespmem:$0x13C80] =	vst v63  }
.LBB2_10:
0x2a9: {  	s3 =	sshll.u32 s25, $0x6;
	s25 =	simm.s32 $0x0;
	s13 =	simm.s32 $0x0  }
.LBB2_11:
0x2aa: {  	s14 =	sor.u32 s3, s13  }
0x2ab: {  	v10 =	vmov s14  }
0x2ac: {  	s18 =	sshll.u32 s13, $0x9;
	v6 =	vshll.u32 v10, $0x2  }
0x2ad: {  	s15 =	sshll.u32 s13, $0x7;
	s16 =	simm.s32 $0x0;
	s19 =	simm.s32 $0x0;
	v7 =	vand.u32 $0x7F, v10;
	v6 =	vand.u32 $0x7FFFFE00, v6  }
0x2ae: {  	s14 =	sand.u32 $0x7000, s18;
	s15 =	sand.u32 $0x380, s15;
	s18 =	sand.u32 $0x70, s25;
	v8 =	vor.u32 v7, v6  }
0x2af: {  	s14 =	sor.u32 s15, s14;
	s15 =	sand.u32 $0x3FFFFC00, s16;
	s16 =	sand.u32 $0x3FFFFE00, s19  }
0x2b0: {  	s16 =	sor.u32 s18, s16;
	v7 =	vor.u32 $0x80, v8  }
0x2b1: {  	s14 =	sadd.s32 $0xBC80, s14;
	v12 =	vld [tilespmem:s16+$0x1880]  }
0x2b2: {  	s15 =	sadd.s32 s15, s14;
	v14 =	vld [tilespmem:s16+$0x1900];
	v9 =	vor.u32 $0x100, v8  }
0x2b3: {  	v11 =	vor.u32 $0x180, v8;
	s15 =	sadd.s32 s18, s15;
	v6 =	vld.idx.msk [tilespmem:v8+s22+$0x0], $0xffff  }
0x2b4: {  	v13 =	vld [tilespmem:s15+$0x0]  }
0x2b5: {  	v7 =	vld.idx.msk [tilespmem:v7+s22+$0x0], $0xffff  }
0x2b6: {  	v15 =	vld [tilespmem:s16+$0x1980]  }
0x2b7: {  	v8 =	vld.idx.msk [tilespmem:v9+s22+$0x0], $0xffff  }
0x2b8: {  	v9 =	vld.idx.msk [tilespmem:v11+s22+$0x0], $0xffff;
	v11 =	vmul.f32 v12, v6  }
0x2b9: {  	v61 =	vld [tilespmem:s16+$0x1A00]  }
0x2ba: {  	v62 =	vmul.f32 v14, v7;
	v11 =	vadd.f32 v11, v13;
	_ =	sdelay $0x1  }
0x2bb: {  	v63 =	vmul.f32 v15, v8;
	v11 =	vadd.f32 v62, v11  }
0x2bc: {  	v10 =	vld.idx.msk [tilespmem:v10+s21+$0x0], $0xffff  }
0x2bd: {  	v12 =	vmul.f32 v61, v9;
	v11 =	vadd.f32 v63, v11;
	_ =	sdelay $0x1  }
0x2be: {  	v11 =	vadd.f32 v12, v11  }
0x2bf: {  	s28 =	simm.s32 $0x10;
	s19 =	simm.s32 $0x80  }
0x2c0: {  	s29 =	simm.s32 $0x2;
	s16 =	sand.u32 $0x3FFFFC00, s19;
	s18 =	simm.s32 $0x40;
	v11 =	vmul.f32 v11, v10  }
.LBB2_12:
0x2c1: {  	p0 =	sne.s32 s29, $0x1F;
	s19 =	sand.u32 $0x70, s28;
	s18 =	sand.u32 $0x3FFFFE00, s18  }
0x2c2: {  	s16 =	sadd.s32 s16, s14;
	s18 =	sor.u32 s19, s18;
	[tilespmem:s15+$0x0] =	vst v11  }
0x2c3: {  	s15 =	sadd.s32 s19, s16;
	v11 =	vld [tilespmem:s18+$0x1880]  }
0x2c4: {  	v12 =	vld [tilespmem:s15+$0x0]  }
0x2c5: {  	v13 =	vld [tilespmem:s18+$0x1900];
	_ =	sdelay $0x1  }
0x2c6: {  	v14 =	vld [tilespmem:s18+$0x1980]  }
0x2c7: {  	v11 =	vmul.f32 v11, v6  }
0x2c8: {  	v15 =	vld [tilespmem:s18+$0x1A00]  }
0x2c9: {  	v11 =	vadd.f32 v11, v12;
	v12 =	vmul.f32 v13, v7;
	_ =	sdelay $0x1  }
0x2ca: {  	v11 =	vadd.f32 v12, v11;
	v12 =	vmul.f32 v14, v8;
	_ =	sdelay $0x1  }
.Ltmp4:
0x2cb: {  	v11 =	vadd.f32 v12, v11;
	v12 =	vmul.f32 v15, v9;
	(pc) =	sbr.rel @p0 .LBB2_12-.Ltmp4, $4  }
0x2cc: {  	_ = 	snop  }
0x2cd: {  	v11 =	vadd.f32 v12, v11  }
0x2ce: {  	s28 =	sadd.s32 $0x10, s28;
	s16 =	sshll.u32 s29, $0x7  }
0x2cf: {  	s16 =	sand.u32 $0x3FFFFC00, s16;
	s18 =	sshll.u32 s29, $0x6;
	s29 =	sadd.s32 $0x1, s29;
	v11 =	vmul.f32 v11, v10  }
0x2d0: {  	s19 =	sand.u32 $0x70, s28;
	s18 =	sand.u32 $0x3FFFFE00, s18  }
0x2d1: {  	s14 =	sadd.s32 s16, s14;
	s29 =	sor.u32 s19, s18;
	[tilespmem:s15+$0x0] =	vst v11  }
0x2d2: {  	s14 =	sadd.s32 s19, s14;
	v11 =	vld [tilespmem:s29+$0x1880]  }
0x2d3: {  	v12 =	vld [tilespmem:s14+$0x0]  }
0x2d4: {  	v13 =	vld [tilespmem:s29+$0x1900];
	_ =	sdelay $0x1  }
0x2d5: {  	v14 =	vld [tilespmem:s29+$0x1980]  }
0x2d6: {  	v6 =	vmul.f32 v11, v6  }
0x2d7: {  	v63 =	vld [tilespmem:s29+$0x1A00]  }
0x2d8: {  	v7 =	vmul.f32 v13, v7;
	v6 =	vadd.f32 v6, v12;
	_ =	sdelay $0x1  }
0x2d9: {  	v6 =	vadd.f32 v7, v6;
	v7 =	vmul.f32 v14, v8;
	_ =	sdelay $0x1  }
0x2da: {  	s13 =	sadd.s32 $0x1, s13;
	v6 =	vadd.f32 v7, v6;
	v7 =	vmul.f32 v63, v9  }
0x2db: {  	p0 =	sne.s32 s13, $0x40  }
.Ltmp5:
0x2dc: {  	v6 =	vadd.f32 v7, v6;
	(pc) =	sbr.rel @p0 .LBB2_11-.Ltmp5, $3  }
0x2dd: {  	_ = 	snop  }
0x2de: {  	v6 =	vmul.f32 v6, v10;
	_ =	sdelay $0x1  }
0x2df: {  	[tilespmem:s14+$0x0] =	vst v6  }
0x2e0: {  	s3 =	sadd.s32 s7, s3;
	s1 =	sadd.s32 $0x1, s1  }
0x2e1: {  	s3 =	sshll.u32 s3, $0x6;
	p0 =	sne.s32 s1, $0x8  }
.Ltmp6:
0x2e2: {  	s3 =	sadd.s32 s5, s3;
	(pc) =	sbr.rel @p0 .LBB2_4-.Ltmp6, $4  }
0x2e3: {  	[hbm4b:s3+s17] =	stream.linear.scatter [tilespmem:s8], [sflag:$0x3], $0x8000, $0x38;
	[tilespmem:$0x13C80] =	vst v63  }
0x2e4: {  	_ =	swait.ge [sflag:s0], $0x8000  }
0x2e5: {  	[sflag:s0] =	ssyncset.done $0x0  }
0x2e6: {  	[sflag:s0] =	ssyncadd.s32 $0xFFFF8000  }
0x2e7: {  	s3 =	sld [smem:$0x7E6]  }
0x2e8: {  	s1 =	sld [smem:$0x7E7];
	_ =	sdelay $0x1  }
0x2e9: {  	s3 =	sadd.s32 $0x1, s3  }
0x2ea: {  	p0 =	sne.s32 s3, s1  }
.Ltmp7:
0x2eb: {  	_ = 	snop;
	(pc) =	sbr.rel @p0 .LBB2_1-.Ltmp7, $1  }
0x2ec: {  	_ =	sdelay $0x3  }
0x2ed: {  	_ =	sfence.sel $0x180000  }
0x2ee: {  	[bflag:$0x0] =	sbarrier.arrive $0xFFFF  }
0x2ef: {  	_ =	strace $0x90000047  }
0x2f0: {  	s0 =	stileid.u32;
	[bflag:$0x2] =	sbarrier.arrive $0xFFFF  }
0x2f1: {  	p0 =	sne.s32 s0, $0x0;
	s0 =	rddreg [dreg:$0x5]  }
0x2f2: {  	s0 =	sadd.s32 @!p0 $0x100000, s0  }
0x2f3: {  	[sflag:s0] =	ssyncadd.tile.s32 @!p0 $0x1;
	_ =	shalt  }
.Lfunc_end2:
_tile_overlayer_lowered:
.L_overlay_start_2:
0x2f4: {  	(tag) =	ssettag $0x2  }
0x2f5: {  	s0 =	rddreg [dreg:$0x0];
	s2 =	stileid.u32  }
0x2f6: {  	s1 =	rddreg [dreg:$0x1];
	p0 =	sne.s32 s2, $0x0  }
0x2f7: {  	s3 =	rddreg [dreg:$0x2];
	[bflag:$0x3] =	sbarrier.arrive $0xFFFF;
	s2 =	simm.s32 @!p0 $0x1C03  }
0x2f8: {  	[timem:s3], [sflag:s2] =	dma.local @!p0 [hbm:s0], s1  }
0x2f9: {  	s0 =	simm.s32 @!p0 $0x3  }
0x2fa: {  	_ =	swait.ge @!p0 [sflag:s0], s1  }
0x2fb: {  	s1 =	ssub.s32 @!p0 $0x0, s1;
	[sflag:s0] =	ssyncset.done @!p0 $0x0  }
0x2fc: {  	[sflag:s0] =	ssyncadd.s32 @!p0 s1  }
0x2fd: {  	[bflag:$0x3] =	sbarrier.arrive $0xFFFF  }
0x2fe: {  	_ =	shalt  }

</sc_bundles>
